<compile_context>
chip_gen: v7x
topology: tpu7x:2x2x1
jax: 0.10.2.dev20260603
libtpu: 0.0.44.dev20260713+nightly
codegen_flags: <defaults>
</compile_context>

<pallas_src>
import dataclasses
import functools

import jax
import jax.numpy as jnp
from jax import lax
from jax.experimental import pallas as pl
from jax.experimental.pallas import tpu as pltpu
from jax.experimental.pallas import tpu_sc as plsc

N = 10000
E = 320000
D = 128

NC = 2
NS = 16
NW = NC * NS
EPT = E // NW
K = 80
NCHUNK = EPT // K
N_PAD = 10240
RPT = N_PAD // NS
BN = 2048
_GRID = N_PAD // BN

_mesh = plsc.VectorSubcoreMesh(core_axis_name="c", subcore_axis_name="s")

_cp = pltpu.CompilerParams()
if "needs_layout_passes" in pltpu.CompilerParams.__dataclass_fields__:
    _cp = dataclasses.replace(_cp, needs_layout_passes=False)


@functools.partial(
    pl.kernel,
    out_type=(
        jax.ShapeDtypeStruct((NW, _GRID, 1, BN), jnp.float32),
        jax.ShapeDtypeStruct((NW, _GRID, 1, BN), jnp.float32),
    ),
    mesh=_mesh,
    compiler_params=_cp,
    scratch_types=[
        pltpu.VMEM((EPT,), jnp.int32),
        pltpu.VMEM((EPT,), jnp.int32),
        pltpu.VMEM((_GRID, 1, BN), jnp.float32),
        pltpu.VMEM((_GRID, 1, BN), jnp.float32),
    ],
)
def _deg_kernel(src_hbm, dst_hbm, zh_hbm, dpo_hbm, dpi_hbm,
                src_v, dst_v, ho_v, hi_v):
    c = lax.axis_index("c")
    s = lax.axis_index("s")
    wid = c * NS + s

    pltpu.sync_copy(src_hbm.at[pl.ds(wid * EPT, EPT)], src_v)
    pltpu.sync_copy(dst_hbm.at[pl.ds(wid * EPT, EPT)], dst_v)
    pltpu.sync_copy(zh_hbm, ho_v)
    pltpu.sync_copy(zh_hbm, hi_v)

    ones16 = jnp.ones((16,), jnp.float32)
    zeros16 = jnp.zeros((16,), jnp.int32)

    @pl.loop(0, EPT // 16)
    def _(i):
        sv = src_v[pl.ds(i * 16, 16)]
        plsc.addupdate_scatter(
            ho_v, [sv >> 11, zeros16, sv & (BN - 1)], ones16)
        dv = dst_v[pl.ds(i * 16, 16)]
        plsc.addupdate_scatter(
            hi_v, [dv >> 11, zeros16, dv & (BN - 1)], ones16)

    pltpu.sync_copy(ho_v, dpo_hbm.at[wid])
    pltpu.sync_copy(hi_v, dpi_hbm.at[wid])


PH_CH = 63
PH_E = PH_CH * K


@functools.partial(
    pl.kernel,
    out_type=jax.ShapeDtypeStruct((NC, N_PAD, D), jnp.float32),
    mesh=_mesh,
    scratch_types=[
        pltpu.VMEM((PH_E,), jnp.int32),
        pltpu.VMEM((PH_CH, K), jnp.int32),
        pltpu.VMEM((K, D), jnp.float32),
        pltpu.VMEM((K, D), jnp.float32),
        pltpu.VMEM((K, D), jnp.float32),
        pltpu.VMEM_SHARED((N_PAD, D), jnp.float32),
        pltpu.SemaphoreType.DMA,
        pltpu.SemaphoreType.DMA,
        pltpu.SemaphoreType.DMA,
    ],
)
def _agg_kernel(h_hbm, src_hbm, dst_hbm, zrow_hbm, out_hbm,
                src_v, dst_v, buf_a, buf_b, buf_c, acc_sp,
                sem_a, sem_b, sem_c):
    c = lax.axis_index("c")
    s = lax.axis_index("s")
    wid = c * NS + s

    @pl.loop(0, RPT // K)
    def _(k):
        pltpu.sync_copy(zrow_hbm, acc_sp.at[pl.ds(s * RPT + k * K, K)])

    plsc.subcore_barrier()

    bufs = (buf_a, buf_b, buf_c)
    sems = (sem_a, sem_b, sem_c)

    def gath(j, b):
        pltpu.async_copy(h_hbm.at[src_v.at[pl.ds(j * K, K)]],
                         bufs[b], sems[b])

    def drain_scatter(j, b):
        pltpu.make_async_copy(h_hbm.at[src_v.at[pl.ds(j * K, K)]],
                              bufs[b], sems[b]).wait()
        pltpu.sync_copy(bufs[b], acc_sp.at[dst_v.at[j]], add=True)

    for ph in range(2):
        trips = PH_CH if ph == 0 else NCHUNK - PH_CH
        pltpu.sync_copy(
            src_hbm.at[pl.ds(wid * EPT + ph * PH_E, PH_E)], src_v)
        pltpu.sync_copy(dst_hbm.at[wid, ph], dst_v)

        gath(0, 0)
        gath(1, 1)
        nb = (trips - 2) // 3

        @pl.loop(0, nb)
        def _(t):
            j = 3 * t
            gath(j + 2, 2)
            drain_scatter(j, 0)
            gath(j + 3, 0)
            drain_scatter(j + 1, 1)
            gath(j + 4, 1)
            drain_scatter(j + 2, 2)

        rem = trips - 3 * nb
        if rem == 3:
            gath(trips - 1, 2)
        drain_scatter(3 * nb, 0)
        drain_scatter(3 * nb + 1, 1)
        if rem == 3:
            drain_scatter(trips - 1, 2)

    plsc.subcore_barrier()

    @pl.loop(0, RPT // K)
    def _(k):
        base = s * RPT + k * K
        pltpu.sync_copy(acc_sp.at[pl.ds(base, K)],
                        out_hbm.at[c, pl.ds(base, K)])


def _tc_a_body(x_ref, dpo_ref, dpi_ref, xs_ref, nsrc_ref, ndst_ref):
    deg_o = jnp.sum(dpo_ref[:, 0, 0, :], axis=0)
    deg_i = jnp.sum(dpi_ref[:, 0, 0, :], axis=0)
    n_s = jnp.where(deg_o > 0, lax.rsqrt(deg_o), 0.0)
    n_d = jnp.where(deg_i > 0, lax.rsqrt(deg_i), 0.0)
    xs_ref[...] = x_ref[...] * n_s[:, None]
    nsrc_ref[0, 0, :] = n_s
    ndst_ref[0, 0, :] = n_d


def _tc_a(x, dpo, dpi):
    return pl.pallas_call(
        _tc_a_body,
        grid=(_GRID,),
        in_specs=[
            pl.BlockSpec((BN, D), lambda i: (i, 0)),
            pl.BlockSpec((NW, 1, 1, BN), lambda i: (0, i, 0, 0)),
            pl.BlockSpec((NW, 1, 1, BN), lambda i: (0, i, 0, 0)),
        ],
        out_specs=[
            pl.BlockSpec((BN, D), lambda i: (i, 0)),
            pl.BlockSpec((1, 1, BN), lambda i: (i, 0, 0)),
            pl.BlockSpec((1, 1, BN), lambda i: (i, 0, 0)),
        ],
        out_shape=[
            jax.ShapeDtypeStruct((N, D), jnp.float32),
            jax.ShapeDtypeStruct((_GRID, 1, BN), jnp.float32),
            jax.ShapeDtypeStruct((_GRID, 1, BN), jnp.float32),
        ],
    )(x, dpo, dpi)


def _tc_b_body(p_ref, ndst_ref, nsrc_ref, w_ref, b_ref, h1_ref, h1s_ref):
    agg = (p_ref[0] + p_ref[1]) * ndst_ref[0, 0, :][:, None]
    h = jnp.dot(agg, w_ref[...], preferred_element_type=jnp.float32,
                precision=lax.Precision.HIGHEST) + b_ref[...]
    h1 = jnp.maximum(h, 0.0)
    h1_ref[...] = h1
    h1s_ref[...] = h1 * nsrc_ref[0, 0, :][:, None]


def _tc_b(p, ndst, nsrc, w, b):
    return pl.pallas_call(
        _tc_b_body,
        grid=(_GRID,),
        in_specs=[
            pl.BlockSpec((NC, BN, D), lambda i: (0, i, 0)),
            pl.BlockSpec((1, 1, BN), lambda i: (i, 0, 0)),
            pl.BlockSpec((1, 1, BN), lambda i: (i, 0, 0)),
            pl.BlockSpec((D, D), lambda i: (0, 0)),
            pl.BlockSpec((1, D), lambda i: (0, 0)),
        ],
        out_specs=[
            pl.BlockSpec((BN, D), lambda i: (i, 0)),
            pl.BlockSpec((BN, D), lambda i: (i, 0)),
        ],
        out_shape=[
            jax.ShapeDtypeStruct((N, D), jnp.float32),
            jax.ShapeDtypeStruct((N, D), jnp.float32),
        ],
    )(p, ndst, nsrc, w, b)


def _tc_c_body(p_ref, ndst_ref, w_ref, b_ref, h2_ref):
    agg = (p_ref[0] + p_ref[1]) * ndst_ref[0, 0, :][:, None]
    h2_ref[...] = jnp.dot(agg, w_ref[...], preferred_element_type=jnp.float32,
                          precision=lax.Precision.HIGHEST) + b_ref[...]


def _tc_c(p, ndst, w, b):
    return pl.pallas_call(
        _tc_c_body,
        grid=(_GRID,),
        in_specs=[
            pl.BlockSpec((NC, BN, D), lambda i: (0, i, 0)),
            pl.BlockSpec((1, 1, BN), lambda i: (i, 0, 0)),
            pl.BlockSpec((D, D), lambda i: (0, 0)),
            pl.BlockSpec((1, D), lambda i: (0, 0)),
        ],
        out_specs=pl.BlockSpec((BN, D), lambda i: (i, 0)),
        out_shape=jax.ShapeDtypeStruct((N, D), jnp.float32),
    )(p, ndst, w, b)


def kernel(inputs, edge_index, W1, b1, W2, b2):
    src = edge_index[0]
    dst = edge_index[1]
    src_p = jnp.concatenate([src, jnp.zeros((NW * 2 * PH_E - E,), jnp.int32)])
    dst4 = jnp.concatenate(
        [dst.reshape(NW, NCHUNK, K),
         jnp.zeros((NW, 2 * PH_CH - NCHUNK, K), jnp.int32)],
        axis=1).reshape(NW, 2, PH_CH, K)
    zhist = jnp.zeros((_GRID, 1, BN), jnp.float32)
    zrow = jnp.zeros((K, D), jnp.float32)

    dpo, dpi = _deg_kernel(src, dst, zhist)
    xs, nsrc, ndst = _tc_a(inputs, dpo, dpi)
    p1 = _agg_kernel(xs, src_p, dst4, zrow)
    h1, h1s = _tc_b(p1, ndst, nsrc, W1, b1.reshape(1, D))
    p2 = _agg_kernel(h1s, src_p, dst4, zrow)
    h2 = _tc_c(p2, ndst, W2, b2.reshape(1, D))
    return (h2, h1, inputs)

# --- scband reference (transcript-rebuilt; emitter-appended) ---
"""Pipeline reference for scband-gcn-2-layers-21388937134409 (READ-ONLY COPY).

The authoritative reference and input builder live on the scoring server;
editing this copy changes nothing except your own understanding.
"""

import jax, jax.numpy as jnp
import numpy as np

N = 10000
E = 320000
D_IN = 128
D_H = 128
D_OUT = 128


def setup_inputs(seed: int = 0) -> dict:
    key = jax.random.key(seed)
    k1, k2, k3, k4 = jax.random.split(key, 4)
    inputs = jax.random.normal(k1, (N, D_IN), dtype=jnp.float32)
    edge_index = jax.random.randint(k2, (2, E), 0, N, dtype=jnp.int32)
    W1 = jax.random.normal(k3, (D_IN, D_H), dtype=jnp.float32) / jnp.sqrt(D_IN)
    b1 = jnp.zeros((D_H,), dtype=jnp.float32)
    W2 = jax.random.normal(k4, (D_H, D_OUT), dtype=jnp.float32) / jnp.sqrt(D_H)
    b2 = jnp.zeros((D_OUT,), dtype=jnp.float32)
    return {"inputs": inputs, "edge_index": edge_index, "W1": W1, "b1": b1, "W2": W2, "b2": b2}


def _gcn_layer(h, edge_index, W, b):
    # DGL GraphConv with norm='both': D^{-1/2} A D^{-1/2} X W + b
    src = edge_index[0]
    dst = edge_index[1]
    ones = jnp.ones((E,), dtype=h.dtype)
    deg_out = jax.ops.segment_sum(ones, src, num_segments=N)
    deg_in = jax.ops.segment_sum(ones, dst, num_segments=N)
    norm_src = jnp.where(deg_out > 0, deg_out ** -0.5, 0.0)
    norm_dst = jnp.where(deg_in > 0, deg_in ** -0.5, 0.0)
    h_src = h * norm_src[:, None]
    msgs = jnp.take(h_src, src, axis=0)          # gather along edges
    agg = jax.ops.segment_sum(msgs, dst, num_segments=N)  # scatter-add to dst nodes
    agg = agg * norm_dst[:, None]
    return agg @ W + b


def reference(inputs, edge_index, W1, b1, W2, b2):
    h1 = jax.nn.relu(_gcn_layer(inputs, edge_index, W1, b1))
    h2 = _gcn_layer(h1, edge_index, W2, b2)
    # args.embedding_layer == '1' branch: return (h2, h1, inputs)
    return (h2, h1, inputs)

if __name__ == "__main__":
    import jax
    _d = setup_inputs()
    print(jax.jit(kernel)(*tuple(_d.values())))

</pallas_src>

<mosaic_0001>
#map = affine_map<(d0, d1) -> (0)>
#map1 = affine_map<(d0, d1) -> (0, 0, 0)>
#map2 = affine_map<(d0, d1) -> (0, 0, 0, 0)>
module attributes {stable_mosaic.version = 14 : i64} {
  func.func @_deg_kernel(%arg0: i32, %arg1: i32, %arg2: memref<320000xi32, #tpu.memory_space<hbm>>, %arg3: memref<320000xi32, #tpu.memory_space<hbm>>, %arg4: memref<5x1x2048xf32, #tpu.memory_space<hbm>>, %arg5: memref<32x5x1x2048xf32, #tpu.memory_space<hbm>>, %arg6: memref<32x5x1x2048xf32, #tpu.memory_space<hbm>>, %arg7: memref<10000xi32, #tpu.memory_space<vmem>>, %arg8: memref<10000xi32, #tpu.memory_space<vmem>>, %arg9: memref<5x1x2048xf32, #tpu.memory_space<vmem>>, %arg10: memref<5x1x2048xf32, #tpu.memory_space<vmem>>) attributes {dimension_semantics = [#tpu.dimension_semantics<core_parallel>, #tpu.dimension_semantics<subcore_parallel>], iteration_bounds = array<i64: 2, 16>, scalar_prefetch = 0 : i64, scratch_operands = 4 : i64, tpu.core_type = #tpu.core_type<sc_vector_subcore>, window_params = [{transform_indices = #map}, {transform_indices = #map}, {transform_indices = #map1}, {transform_indices = #map2}, {transform_indices = #map2}]} {
    %mul3A = arith.constant 16 : i32
    %mul3A_0 = arith.muli %arg0, %mul3A : i32
    %add3A = arith.addi %mul3A_0, %arg1 : i32
    %mul3A_1 = arith.constant 10000 : i32
    %mul3A_2 = arith.muli %add3A, %mul3A_1 : i32
    "tpu.region"() ({
      %run_scoped3A = tpu.sem_alloc : memref<!tpu.dma_semaphore, #tpu.memory_space<semaphore_mem>>
      %dma_start3A = tpu.memref_slice %arg2[%mul3A_2] : memref<320000xi32, #tpu.memory_space<hbm>> -> memref<10000xi32, #tpu.memory_space<hbm>>
      %dma_start3A_12 = tpu.memref_slice %arg2[%mul3A_2] : memref<320000xi32, #tpu.memory_space<hbm>> -> memref<10000xi32, #tpu.memory_space<hbm>>
      tpu.enqueue_dma source(%dma_start3A_12 : memref<10000xi32, #tpu.memory_space<hbm>>) target(%arg7 : memref<10000xi32, #tpu.memory_space<vmem>>) target_semaphore(%run_scoped3A : memref<!tpu.dma_semaphore, #tpu.memory_space<semaphore_mem>>)
      %dma_wait3A = tpu.memref_slice %arg2[%mul3A_2] : memref<320000xi32, #tpu.memory_space<hbm>> -> memref<10000xi32, #tpu.memory_space<hbm>>
      %dma_wait3A_13 = tpu.memref_slice %arg2[%mul3A_2] : memref<320000xi32, #tpu.memory_space<hbm>> -> memref<10000xi32, #tpu.memory_space<hbm>>
      tpu.wait_dma2 semaphore(%run_scoped3A : memref<!tpu.dma_semaphore, #tpu.memory_space<semaphore_mem>>) src(%dma_wait3A_13 : memref<10000xi32, #tpu.memory_space<hbm>>) dst(%arg7 : memref<10000xi32, #tpu.memory_space<vmem>>)
      tpu.yield
    }) : () -> ()
    %mul3A_3 = arith.constant 10000 : i32
    %mul3A_4 = arith.muli %add3A, %mul3A_3 : i32
    "tpu.region"() ({
      %run_scoped3A = tpu.sem_alloc : memref<!tpu.dma_semaphore, #tpu.memory_space<semaphore_mem>>
      %dma_start3A = tpu.memref_slice %arg3[%mul3A_4] : memref<320000xi32, #tpu.memory_space<hbm>> -> memref<10000xi32, #tpu.memory_space<hbm>>
      %dma_start3A_12 = tpu.memref_slice %arg3[%mul3A_4] : memref<320000xi32, #tpu.memory_space<hbm>> -> memref<10000xi32, #tpu.memory_space<hbm>>
      tpu.enqueue_dma source(%dma_start3A_12 : memref<10000xi32, #tpu.memory_space<hbm>>) target(%arg8 : memref<10000xi32, #tpu.memory_space<vmem>>) target_semaphore(%run_scoped3A : memref<!tpu.dma_semaphore, #tpu.memory_space<semaphore_mem>>)
      %dma_wait3A = tpu.memref_slice %arg3[%mul3A_4] : memref<320000xi32, #tpu.memory_space<hbm>> -> memref<10000xi32, #tpu.memory_space<hbm>>
      %dma_wait3A_13 = tpu.memref_slice %arg3[%mul3A_4] : memref<320000xi32, #tpu.memory_space<hbm>> -> memref<10000xi32, #tpu.memory_space<hbm>>
      tpu.wait_dma2 semaphore(%run_scoped3A : memref<!tpu.dma_semaphore, #tpu.memory_space<semaphore_mem>>) src(%dma_wait3A_13 : memref<10000xi32, #tpu.memory_space<hbm>>) dst(%arg8 : memref<10000xi32, #tpu.memory_space<vmem>>)
      tpu.yield
    }) : () -> ()
    "tpu.region"() ({
      %run_scoped3A = tpu.sem_alloc : memref<!tpu.dma_semaphore, #tpu.memory_space<semaphore_mem>>
      tpu.enqueue_dma source(%arg4 : memref<5x1x2048xf32, #tpu.memory_space<hbm>>) target(%arg9 : memref<5x1x2048xf32, #tpu.memory_space<vmem>>) target_semaphore(%run_scoped3A : memref<!tpu.dma_semaphore, #tpu.memory_space<semaphore_mem>>)
      tpu.wait_dma2 semaphore(%run_scoped3A : memref<!tpu.dma_semaphore, #tpu.memory_space<semaphore_mem>>) src(%arg4 : memref<5x1x2048xf32, #tpu.memory_space<hbm>>) dst(%arg9 : memref<5x1x2048xf32, #tpu.memory_space<vmem>>)
      tpu.yield
    }) : () -> ()
    "tpu.region"() ({
      %run_scoped3A = tpu.sem_alloc : memref<!tpu.dma_semaphore, #tpu.memory_space<semaphore_mem>>
      tpu.enqueue_dma source(%arg4 : memref<5x1x2048xf32, #tpu.memory_space<hbm>>) target(%arg10 : memref<5x1x2048xf32, #tpu.memory_space<vmem>>) target_semaphore(%run_scoped3A : memref<!tpu.dma_semaphore, #tpu.memory_space<semaphore_mem>>)
      tpu.wait_dma2 semaphore(%run_scoped3A : memref<!tpu.dma_semaphore, #tpu.memory_space<semaphore_mem>>) src(%arg4 : memref<5x1x2048xf32, #tpu.memory_space<hbm>>) dst(%arg10 : memref<5x1x2048xf32, #tpu.memory_space<vmem>>)
      tpu.yield
    }) : () -> ()
    %broadcast_in_dim3A = arith.constant 1.000000e+00 : f32
    %broadcast_in_dim3A_5 = vector.broadcast %broadcast_in_dim3A : f32 to vector<16xf32>
    %broadcast_in_dim3A_6 = arith.constant 0 : i32
    %broadcast_in_dim3A_7 = vector.broadcast %broadcast_in_dim3A_6 : i32 to vector<16xi32>
    %scan3A = arith.constant 0 : i32
    %scan3A_8 = arith.constant 625 : i32
    %scan3A_9 = arith.addi %scan3A, %scan3A_8 : i32
    %scan3A_10 = arith.constant 1 : i32
    scf.for %scan3A_12 = %scan3A to %scan3A_9 step %scan3A_10  : i32 {
      %mul3A_13 = arith.constant 1 : i32
      %mul3A_14 = arith.muli %scan3A_12, %mul3A_13 : i32
      %add3A_15 = arith.constant 0 : i32
      %add3A_16 = arith.addi %add3A_15, %mul3A_14 : i32
      %mul3A_17 = arith.constant 16 : i32
      %mul3A_18 = arith.muli %add3A_16, %mul3A_17 : i32
      %get3A = arith.index_cast %mul3A_18 : i32 to index
      %get3A_19 = tpu.vector_load %arg7[%get3A] {strides = array<i32>} : memref<10000xi32, #tpu.memory_space<vmem>>, vector<16xi32>,
      %shift_right_arithmetic3A = arith.constant 11 : i32
      %shift_right_arithmetic3A_20 = vector.broadcast %shift_right_arithmetic3A : i32 to vector<16xi32>
      %shift_right_arithmetic3A_21 = arith.shrsi %get3A_19, %shift_right_arithmetic3A_20 : vector<16xi32>
      %and3A = arith.constant 2047 : i32
      %and3A_22 = vector.broadcast %and3A : i32 to vector<16xi32>
      %and3A_23 = arith.andi %get3A_19, %and3A_22 : vector<16xi32>
      tpu.vector_store_idx %arg9[%shift_right_arithmetic3A_21, %broadcast_in_dim3A_7, %and3A_23], %broadcast_in_dim3A_5 {add = true} : memref<5x1x2048xf32, #tpu.memory_space<vmem>>[vector<16xi32>, vector<16xi32>, vector<16xi32>], vector<16xf32>,
      %mul3A_24 = arith.constant 16 : i32
      %mul3A_25 = arith.muli %add3A_16, %mul3A_24 : i32
      %get3A_26 = arith.index_cast %mul3A_25 : i32 to index
      %get3A_27 = tpu.vector_load %arg8[%get3A_26] {strides = array<i32>} : memref<10000xi32, #tpu.memory_space<vmem>>, vector<16xi32>,
      %shift_right_arithmetic3A_28 = arith.constant 11 : i32
      %shift_right_arithmetic3A_29 = vector.broadcast %shift_right_arithmetic3A_28 : i32 to vector<16xi32>
      %shift_right_arithmetic3A_30 = arith.shrsi %get3A_27, %shift_right_arithmetic3A_29 : vector<16xi32>
      %and3A_31 = arith.constant 2047 : i32
      %and3A_32 = vector.broadcast %and3A_31 : i32 to vector<16xi32>
      %and3A_33 = arith.andi %get3A_27, %and3A_32 : vector<16xi32>
      tpu.vector_store_idx %arg10[%shift_right_arithmetic3A_30, %broadcast_in_dim3A_7, %and3A_33], %broadcast_in_dim3A_5 {add = true} : memref<5x1x2048xf32, #tpu.memory_space<vmem>>[vector<16xi32>, vector<16xi32>, vector<16xi32>], vector<16xf32>,
    }
    %scan3A_11 = arith.constant 625 : i32
    "tpu.region"() ({
      %run_scoped3A = tpu.sem_alloc : memref<!tpu.dma_semaphore, #tpu.memory_space<semaphore_mem>>
      %dma_start3A = arith.constant 0 : i32
      %dma_start3A_12 = arith.constant 0 : i32
      %dma_start3A_13 = arith.constant 0 : i32
      %dma_start3A_14 = tpu.memref_slice %arg5[%add3A, %dma_start3A, %dma_start3A_12, %dma_start3A_13] : memref<32x5x1x2048xf32, #tpu.memory_space<hbm>> -> memref<1x5x1x2048xf32, #tpu.memory_space<hbm>>
      %dma_start3A_15 = tpu.memref_squeeze %dma_start3A_14 : memref<1x5x1x2048xf32, #tpu.memory_space<hbm>> -> memref<5x1x2048xf32, #tpu.memory_space<hbm>>
      %dma_start3A_16 = arith.constant 0 : i32
      %dma_start3A_17 = arith.constant 0 : i32
      %dma_start3A_18 = arith.constant 0 : i32
      %dma_start3A_19 = tpu.memref_slice %arg5[%add3A, %dma_start3A_16, %dma_start3A_17, %dma_start3A_18] : memref<32x5x1x2048xf32, #tpu.memory_space<hbm>> -> memref<1x5x1x2048xf32, #tpu.memory_space<hbm>>
      %dma_start3A_20 = tpu.memref_squeeze %dma_start3A_19 : memref<1x5x1x2048xf32, #tpu.memory_space<hbm>> -> memref<5x1x2048xf32, #tpu.memory_space<hbm>>
      tpu.enqueue_dma source(%arg9 : memref<5x1x2048xf32, #tpu.memory_space<vmem>>) target(%dma_start3A_20 : memref<5x1x2048xf32, #tpu.memory_space<hbm>>) target_semaphore(%run_scoped3A : memref<!tpu.dma_semaphore, #tpu.memory_space<semaphore_mem>>)
      %dma_wait3A = arith.constant 0 : i32
      %dma_wait3A_21 = arith.constant 0 : i32
      %dma_wait3A_22 = arith.constant 0 : i32
      %dma_wait3A_23 = tpu.memref_slice %arg5[%add3A, %dma_wait3A, %dma_wait3A_21, %dma_wait3A_22] : memref<32x5x1x2048xf32, #tpu.memory_space<hbm>> -> memref<1x5x1x2048xf32, #tpu.memory_space<hbm>>
      %dma_wait3A_24 = tpu.memref_squeeze %dma_wait3A_23 : memref<1x5x1x2048xf32, #tpu.memory_space<hbm>> -> memref<5x1x2048xf32, #tpu.memory_space<hbm>>
      %dma_wait3A_25 = arith.constant 0 : i32
      %dma_wait3A_26 = arith.constant 0 : i32
      %dma_wait3A_27 = arith.constant 0 : i32
      %dma_wait3A_28 = tpu.memref_slice %arg5[%add3A, %dma_wait3A_25, %dma_wait3A_26, %dma_wait3A_27] : memref<32x5x1x2048xf32, #tpu.memory_space<hbm>> -> memref<1x5x1x2048xf32, #tpu.memory_space<hbm>>
      %dma_wait3A_29 = tpu.memref_squeeze %dma_wait3A_28 : memref<1x5x1x2048xf32, #tpu.memory_space<hbm>> -> memref<5x1x2048xf32, #tpu.memory_space<hbm>>
      tpu.wait_dma2 semaphore(%run_scoped3A : memref<!tpu.dma_semaphore, #tpu.memory_space<semaphore_mem>>) src(%arg9 : memref<5x1x2048xf32, #tpu.memory_space<vmem>>) dst(%dma_wait3A_29 : memref<5x1x2048xf32, #tpu.memory_space<hbm>>)
      tpu.yield
    }) : () -> ()
    "tpu.region"() ({
      %run_scoped3A = tpu.sem_alloc : memref<!tpu.dma_semaphore, #tpu.memory_space<semaphore_mem>>
      %dma_start3A = arith.constant 0 : i32
      %dma_start3A_12 = arith.constant 0 : i32
      %dma_start3A_13 = arith.constant 0 : i32
      %dma_start3A_14 = tpu.memref_slice %arg6[%add3A, %dma_start3A, %dma_start3A_12, %dma_start3A_13] : memref<32x5x1x2048xf32, #tpu.memory_space<hbm>> -> memref<1x5x1x2048xf32, #tpu.memory_space<hbm>>
      %dma_start3A_15 = tpu.memref_squeeze %dma_start3A_14 : memref<1x5x1x2048xf32, #tpu.memory_space<hbm>> -> memref<5x1x2048xf32, #tpu.memory_space<hbm>>
      %dma_start3A_16 = arith.constant 0 : i32
      %dma_start3A_17 = arith.constant 0 : i32
      %dma_start3A_18 = arith.constant 0 : i32
      %dma_start3A_19 = tpu.memref_slice %arg6[%add3A, %dma_start3A_16, %dma_start3A_17, %dma_start3A_18] : memref<32x5x1x2048xf32, #tpu.memory_space<hbm>> -> memref<1x5x1x2048xf32, #tpu.memory_space<hbm>>
      %dma_start3A_20 = tpu.memref_squeeze %dma_start3A_19 : memref<1x5x1x2048xf32, #tpu.memory_space<hbm>> -> memref<5x1x2048xf32, #tpu.memory_space<hbm>>
      tpu.enqueue_dma source(%arg10 : memref<5x1x2048xf32, #tpu.memory_space<vmem>>) target(%dma_start3A_20 : memref<5x1x2048xf32, #tpu.memory_space<hbm>>) target_semaphore(%run_scoped3A : memref<!tpu.dma_semaphore, #tpu.memory_space<semaphore_mem>>)
      %dma_wait3A = arith.constant 0 : i32
      %dma_wait3A_21 = arith.constant 0 : i32
      %dma_wait3A_22 = arith.constant 0 : i32
      %dma_wait3A_23 = tpu.memref_slice %arg6[%add3A, %dma_wait3A, %dma_wait3A_21, %dma_wait3A_22] : memref<32x5x1x2048xf32, #tpu.memory_space<hbm>> -> memref<1x5x1x2048xf32, #tpu.memory_space<hbm>>
      %dma_wait3A_24 = tpu.memref_squeeze %dma_wait3A_23 : memref<1x5x1x2048xf32, #tpu.memory_space<hbm>> -> memref<5x1x2048xf32, #tpu.memory_space<hbm>>
      %dma_wait3A_25 = arith.constant 0 : i32
      %dma_wait3A_26 = arith.constant 0 : i32
      %dma_wait3A_27 = arith.constant 0 : i32
      %dma_wait3A_28 = tpu.memref_slice %arg6[%add3A, %dma_wait3A_25, %dma_wait3A_26, %dma_wait3A_27] : memref<32x5x1x2048xf32, #tpu.memory_space<hbm>> -> memref<1x5x1x2048xf32, #tpu.memory_space<hbm>>
      %dma_wait3A_29 = tpu.memref_squeeze %dma_wait3A_28 : memref<1x5x1x2048xf32, #tpu.memory_space<hbm>> -> memref<5x1x2048xf32, #tpu.memory_space<hbm>>
      tpu.wait_dma2 semaphore(%run_scoped3A : memref<!tpu.dma_semaphore, #tpu.memory_space<semaphore_mem>>) src(%arg10 : memref<5x1x2048xf32, #tpu.memory_space<vmem>>) dst(%dma_wait3A_29 : memref<5x1x2048xf32, #tpu.memory_space<hbm>>)
      tpu.yield
    }) : () -> ()
    return
  }
}

#map = affine_map<(d0, d1) -> (0, 0)>
#map1 = affine_map<(d0, d1) -> (0)>
#map2 = affine_map<(d0, d1) -> (0, 0, 0, 0)>
#map3 = affine_map<(d0, d1) -> (0, 0, 0)>
module attributes {stable_mosaic.version = 14 : i64} {
  func.func @_agg_kernel(%arg0: i32, %arg1: i32, %arg2: memref<10000x128xf32, #tpu.memory_space<hbm>>, %arg3: memref<322560xi32, #tpu.memory_space<hbm>>, %arg4: memref<32x2x63x80xi32, #tpu.memory_space<hbm>>, %arg5: memref<80x128xf32, #tpu.memory_space<hbm>>, %arg6: memref<2x10240x128xf32, #tpu.memory_space<hbm>>, %arg7: memref<5040xi32, #tpu.memory_space<vmem>>, %arg8: memref<63x80xi32, #tpu.memory_space<vmem>>, %arg9: memref<80x128xf32, #tpu.memory_space<vmem>>, %arg10: memref<80x128xf32, #tpu.memory_space<vmem>>, %arg11: memref<80x128xf32, #tpu.memory_space<vmem>>, %arg12: memref<10240x128xf32, #tpu.memory_space<vmem_shared>>, %arg13: memref<!tpu.dma_semaphore, #tpu.memory_space<semaphore_mem>>, %arg14: memref<!tpu.dma_semaphore, #tpu.memory_space<semaphore_mem>>, %arg15: memref<!tpu.dma_semaphore, #tpu.memory_space<semaphore_mem>>) attributes {dimension_semantics = [#tpu.dimension_semantics<core_parallel>, #tpu.dimension_semantics<subcore_parallel>], iteration_bounds = array<i64: 2, 16>, scalar_prefetch = 0 : i64, scratch_operands = 9 : i64, tpu.core_type = #tpu.core_type<sc_vector_subcore>, window_params = [{transform_indices = #map}, {transform_indices = #map1}, {transform_indices = #map2}, {transform_indices = #map}, {transform_indices = #map3}]} {
    %mul3A = arith.constant 16 : i32
    %mul3A_0 = arith.muli %arg0, %mul3A : i32
    %add3A = arith.addi %mul3A_0, %arg1 : i32
    %scan3A = arith.constant 0 : i32
    %scan3A_1 = arith.constant 8 : i32
    %scan3A_2 = arith.addi %scan3A, %scan3A_1 : i32
    %scan3A_3 = arith.constant 1 : i32
    scf.for %scan3A_83 = %scan3A to %scan3A_2 step %scan3A_3  : i32 {
      %mul3A_84 = arith.constant 1 : i32
      %mul3A_85 = arith.muli %scan3A_83, %mul3A_84 : i32
      %add3A_86 = arith.constant 0 : i32
      %add3A_87 = arith.addi %add3A_86, %mul3A_85 : i32
      %mul3A_88 = arith.constant 640 : i32
      %mul3A_89 = arith.muli %arg1, %mul3A_88 : i32
      %mul3A_90 = arith.constant 80 : i32
      %mul3A_91 = arith.muli %add3A_87, %mul3A_90 : i32
      %add3A_92 = arith.addi %mul3A_89, %mul3A_91 : i32
      "tpu.region"() ({
        %run_scoped3A_93 = tpu.sem_alloc : memref<!tpu.dma_semaphore, #tpu.memory_space<semaphore_mem>>
        %dma_start3A_94 = arith.constant 0 : i32
        %dma_start3A_95 = tpu.memref_slice %arg12[%add3A_92, %dma_start3A_94] : memref<10240x128xf32, #tpu.memory_space<vmem_shared>> -> memref<80x128xf32, #tpu.memory_space<vmem_shared>>
        tpu.enqueue_dma source(%arg5 : memref<80x128xf32, #tpu.memory_space<hbm>>) target(%dma_start3A_95 : memref<80x128xf32, #tpu.memory_space<vmem_shared>>) target_semaphore(%run_scoped3A_93 : memref<!tpu.dma_semaphore, #tpu.memory_space<semaphore_mem>>)
        %dma_wait3A_96 = arith.constant 0 : i32
        %dma_wait3A_97 = tpu.memref_slice %arg12[%add3A_92, %dma_wait3A_96] : memref<10240x128xf32, #tpu.memory_space<vmem_shared>> -> memref<80x128xf32, #tpu.memory_space<vmem_shared>>
        tpu.wait_dma2 semaphore(%run_scoped3A_93 : memref<!tpu.dma_semaphore, #tpu.memory_space<semaphore_mem>>) src(%arg5 : memref<80x128xf32, #tpu.memory_space<hbm>>) dst(%dma_wait3A_97 : memref<80x128xf32, #tpu.memory_space<vmem_shared>>)
        tpu.yield
      }) : () -> ()
    }
    %scan3A_4 = arith.constant 8 : i32
    %barrier3A = arith.constant 0 : index
    tpu.barrier barrier_id(%barrier3A)
    %mul3A_5 = arith.constant 10000 : i32
    %mul3A_6 = arith.muli %add3A, %mul3A_5 : i32
    %add3A_7 = arith.constant 0 : i32
    %add3A_8 = arith.addi %mul3A_6, %add3A_7 : i32
    "tpu.region"() ({
      %run_scoped3A_83 = tpu.sem_alloc : memref<!tpu.dma_semaphore, #tpu.memory_space<semaphore_mem>>
      %dma_start3A_84 = tpu.memref_slice %arg3[%add3A_8] : memref<322560xi32, #tpu.memory_space<hbm>> -> memref<5040xi32, #tpu.memory_space<hbm>>
      %dma_start3A_85 = tpu.memref_slice %arg3[%add3A_8] : memref<322560xi32, #tpu.memory_space<hbm>> -> memref<5040xi32, #tpu.memory_space<hbm>>
      tpu.enqueue_dma source(%dma_start3A_85 : memref<5040xi32, #tpu.memory_space<hbm>>) target(%arg7 : memref<5040xi32, #tpu.memory_space<vmem>>) target_semaphore(%run_scoped3A_83 : memref<!tpu.dma_semaphore, #tpu.memory_space<semaphore_mem>>)
      %dma_wait3A_86 = tpu.memref_slice %arg3[%add3A_8] : memref<322560xi32, #tpu.memory_space<hbm>> -> memref<5040xi32, #tpu.memory_space<hbm>>
      %dma_wait3A_87 = tpu.memref_slice %arg3[%add3A_8] : memref<322560xi32, #tpu.memory_space<hbm>> -> memref<5040xi32, #tpu.memory_space<hbm>>
      tpu.wait_dma2 semaphore(%run_scoped3A_83 : memref<!tpu.dma_semaphore, #tpu.memory_space<semaphore_mem>>) src(%dma_wait3A_87 : memref<5040xi32, #tpu.memory_space<hbm>>) dst(%arg7 : memref<5040xi32, #tpu.memory_space<vmem>>)
      tpu.yield
    }) : () -> ()
    %run_scoped3A = arith.constant 0 : i32
    "tpu.region"() ({
      %run_scoped3A_83 = tpu.sem_alloc : memref<!tpu.dma_semaphore, #tpu.memory_space<semaphore_mem>>
      %dma_start3A_84 = arith.constant 0 : i32
      %dma_start3A_85 = arith.constant 0 : i32
      %dma_start3A_86 = tpu.memref_slice %arg4[%add3A, %run_scoped3A, %dma_start3A_84, %dma_start3A_85] : memref<32x2x63x80xi32, #tpu.memory_space<hbm>> -> memref<1x1x63x80xi32, #tpu.memory_space<hbm>>
      %dma_start3A_87 = tpu.memref_squeeze %dma_start3A_86 : memref<1x1x63x80xi32, #tpu.memory_space<hbm>> -> memref<63x80xi32, #tpu.memory_space<hbm>>
      %dma_start3A_88 = arith.constant 0 : i32
      %dma_start3A_89 = arith.constant 0 : i32
      %dma_start3A_90 = tpu.memref_slice %arg4[%add3A, %run_scoped3A, %dma_start3A_88, %dma_start3A_89] : memref<32x2x63x80xi32, #tpu.memory_space<hbm>> -> memref<1x1x63x80xi32, #tpu.memory_space<hbm>>
      %dma_start3A_91 = tpu.memref_squeeze %dma_start3A_90 : memref<1x1x63x80xi32, #tpu.memory_space<hbm>> -> memref<63x80xi32, #tpu.memory_space<hbm>>
      tpu.enqueue_dma source(%dma_start3A_91 : memref<63x80xi32, #tpu.memory_space<hbm>>) target(%arg8 : memref<63x80xi32, #tpu.memory_space<vmem>>) target_semaphore(%run_scoped3A_83 : memref<!tpu.dma_semaphore, #tpu.memory_space<semaphore_mem>>)
      %dma_wait3A_92 = arith.constant 0 : i32
      %dma_wait3A_93 = arith.constant 0 : i32
      %dma_wait3A_94 = tpu.memref_slice %arg4[%add3A, %run_scoped3A, %dma_wait3A_92, %dma_wait3A_93] : memref<32x2x63x80xi32, #tpu.memory_space<hbm>> -> memref<1x1x63x80xi32, #tpu.memory_space<hbm>>
      %dma_wait3A_95 = tpu.memref_squeeze %dma_wait3A_94 : memref<1x1x63x80xi32, #tpu.memory_space<hbm>> -> memref<63x80xi32, #tpu.memory_space<hbm>>
      %dma_wait3A_96 = arith.constant 0 : i32
      %dma_wait3A_97 = arith.constant 0 : i32
      %dma_wait3A_98 = tpu.memref_slice %arg4[%add3A, %run_scoped3A, %dma_wait3A_96, %dma_wait3A_97] : memref<32x2x63x80xi32, #tpu.memory_space<hbm>> -> memref<1x1x63x80xi32, #tpu.memory_space<hbm>>
      %dma_wait3A_99 = tpu.memref_squeeze %dma_wait3A_98 : memref<1x1x63x80xi32, #tpu.memory_space<hbm>> -> memref<63x80xi32, #tpu.memory_space<hbm>>
      tpu.wait_dma2 semaphore(%run_scoped3A_83 : memref<!tpu.dma_semaphore, #tpu.memory_space<semaphore_mem>>) src(%dma_wait3A_99 : memref<63x80xi32, #tpu.memory_space<hbm>>) dst(%arg8 : memref<63x80xi32, #tpu.memory_space<vmem>>)
      tpu.yield
    }) : () -> ()
    %dma_start3A = arith.constant 0 : i32
    %dma_start3A_9 = tpu.memref_slice %arg7[%dma_start3A] : memref<5040xi32, #tpu.memory_space<vmem>> -> memref<80xi32, #tpu.memory_space<vmem>>
    %dma_start3A_10 = arith.constant 0 : i32
    %dma_start3A_11 = arith.constant 0 : i32
    %dma_start3A_12 = tpu.memref_slice %arg2[%dma_start3A_10, %dma_start3A_11] : memref<10000x128xf32, #tpu.memory_space<hbm>> -> memref<10000x128xf32, #tpu.memory_space<hbm>>
    tpu.enqueue_indirect_dma source(%dma_start3A_12 : memref<10000x128xf32, #tpu.memory_space<hbm>>) target(%arg9 : memref<80x128xf32, #tpu.memory_space<vmem>>) offsets(%dma_start3A_9 : memref<80xi32, #tpu.memory_space<vmem>>) semaphore(%arg13 : memref<!tpu.dma_semaphore, #tpu.memory_space<semaphore_mem>>)
    %dma_start3A_13 = arith.constant 80 : i32
    %dma_start3A_14 = tpu.memref_slice %arg7[%dma_start3A_13] : memref<5040xi32, #tpu.memory_space<vmem>> -> memref<80xi32, #tpu.memory_space<vmem>>
    %dma_start3A_15 = arith.constant 0 : i32
    %dma_start3A_16 = arith.constant 0 : i32
    %dma_start3A_17 = tpu.memref_slice %arg2[%dma_start3A_15, %dma_start3A_16] : memref<10000x128xf32, #tpu.memory_space<hbm>> -> memref<10000x128xf32, #tpu.memory_space<hbm>>
    tpu.enqueue_indirect_dma source(%dma_start3A_17 : memref<10000x128xf32, #tpu.memory_space<hbm>>) target(%arg10 : memref<80x128xf32, #tpu.memory_space<vmem>>) offsets(%dma_start3A_14 : memref<80xi32, #tpu.memory_space<vmem>>) semaphore(%arg14 : memref<!tpu.dma_semaphore, #tpu.memory_space<semaphore_mem>>)
    %scan3A_18 = arith.constant 0 : i32
    %scan3A_19 = arith.constant 20 : i32
    %scan3A_20 = arith.addi %scan3A_18, %scan3A_19 : i32
    %scan3A_21 = arith.constant 1 : i32
    scf.for %scan3A_83 = %scan3A_18 to %scan3A_20 step %scan3A_21  : i32 {
      %mul3A_84 = arith.constant 1 : i32
      %mul3A_85 = arith.muli %scan3A_83, %mul3A_84 : i32
      %add3A_86 = arith.constant 0 : i32
      %add3A_87 = arith.addi %add3A_86, %mul3A_85 : i32
      %mul3A_88 = arith.constant 3 : i32
      %mul3A_89 = arith.muli %mul3A_88, %add3A_87 : i32
      %add3A_90 = arith.constant 2 : i32
      %add3A_91 = arith.addi %mul3A_89, %add3A_90 : i32
      %mul3A_92 = arith.constant 80 : i32
      %mul3A_93 = arith.muli %add3A_91, %mul3A_92 : i32
      %dma_start3A_94 = tpu.memref_slice %arg7[%mul3A_93] : memref<5040xi32, #tpu.memory_space<vmem>> -> memref<80xi32, #tpu.memory_space<vmem>>
      %dma_start3A_95 = arith.constant 0 : i32
      %dma_start3A_96 = arith.constant 0 : i32
      %dma_start3A_97 = tpu.memref_slice %arg2[%dma_start3A_95, %dma_start3A_96] : memref<10000x128xf32, #tpu.memory_space<hbm>> -> memref<10000x128xf32, #tpu.memory_space<hbm>>
      tpu.enqueue_indirect_dma source(%dma_start3A_97 : memref<10000x128xf32, #tpu.memory_space<hbm>>) target(%arg11 : memref<80x128xf32, #tpu.memory_space<vmem>>) offsets(%dma_start3A_94 : memref<80xi32, #tpu.memory_space<vmem>>) semaphore(%arg15 : memref<!tpu.dma_semaphore, #tpu.memory_space<semaphore_mem>>)
      %mul3A_98 = arith.constant 80 : i32
      %mul3A_99 = arith.muli %mul3A_89, %mul3A_98 : i32
      %dma_wait3A_100 = tpu.memref_slice %arg7[%mul3A_99] : memref<5040xi32, #tpu.memory_space<vmem>> -> memref<80xi32, #tpu.memory_space<vmem>>
      %dma_wait3A_101 = arith.constant 0 : i32
      %dma_wait3A_102 = arith.constant 0 : i32
      %dma_wait3A_103 = tpu.memref_slice %arg2[%dma_wait3A_101, %dma_wait3A_102] : memref<10000x128xf32, #tpu.memory_space<hbm>> -> memref<10000x128xf32, #tpu.memory_space<hbm>>
      tpu.wait_indirect_dma semaphore(%arg13 : memref<!tpu.dma_semaphore, #tpu.memory_space<semaphore_mem>>) src(%dma_wait3A_103 : memref<10000x128xf32, #tpu.memory_space<hbm>>) dst(%arg9 : memref<80x128xf32, #tpu.memory_space<vmem>>)
      "tpu.region"() ({
        %run_scoped3A_136 = tpu.sem_alloc : memref<!tpu.dma_semaphore, #tpu.memory_space<semaphore_mem>>
        %dma_start3A_137 = arith.constant 0 : i32
        %dma_start3A_138 = tpu.memref_slice %arg8[%mul3A_89, %dma_start3A_137] : memref<63x80xi32, #tpu.memory_space<vmem>> -> memref<1x80xi32, #tpu.memory_space<vmem>>
        %dma_start3A_139 = tpu.memref_squeeze %dma_start3A_138 : memref<1x80xi32, #tpu.memory_space<vmem>> -> memref<80xi32, #tpu.memory_space<vmem>>
        %dma_start3A_140 = arith.constant 0 : i32
        %dma_start3A_141 = arith.constant 0 : i32
        %dma_start3A_142 = tpu.memref_slice %arg12[%dma_start3A_140, %dma_start3A_141] : memref<10240x128xf32, #tpu.memory_space<vmem_shared>> -> memref<10240x128xf32, #tpu.memory_space<vmem_shared>>
        tpu.enqueue_indirect_dma source(%arg9 : memref<80x128xf32, #tpu.memory_space<vmem>>) target(%dma_start3A_142 : memref<10240x128xf32, #tpu.memory_space<vmem_shared>>) offsets(%dma_start3A_139 : memref<80xi32, #tpu.memory_space<vmem>>) semaphore(%run_scoped3A_136 : memref<!tpu.dma_semaphore, #tpu.memory_space<semaphore_mem>>) {add = true}
        %dma_wait3A_143 = arith.constant 0 : i32
        %dma_wait3A_144 = tpu.memref_slice %arg8[%mul3A_89, %dma_wait3A_143] : memref<63x80xi32, #tpu.memory_space<vmem>> -> memref<1x80xi32, #tpu.memory_space<vmem>>
        %dma_wait3A_145 = tpu.memref_squeeze %dma_wait3A_144 : memref<1x80xi32, #tpu.memory_space<vmem>> -> memref<80xi32, #tpu.memory_space<vmem>>
        %dma_wait3A_146 = arith.constant 0 : i32
        %dma_wait3A_147 = arith.constant 0 : i32
        %dma_wait3A_148 = tpu.memref_slice %arg12[%dma_wait3A_146, %dma_wait3A_147] : memref<10240x128xf32, #tpu.memory_space<vmem_shared>> -> memref<10240x128xf32, #tpu.memory_space<vmem_shared>>
        tpu.wait_indirect_dma semaphore(%run_scoped3A_136 : memref<!tpu.dma_semaphore, #tpu.memory_space<semaphore_mem>>) src(%arg9 : memref<80x128xf32, #tpu.memory_space<vmem>>) dst(%dma_wait3A_148 : memref<10240x128xf32, #tpu.memory_space<vmem_shared>>)
        tpu.yield
      }) : () -> ()
      %add3A_104 = arith.constant 3 : i32
      %add3A_105 = arith.addi %mul3A_89, %add3A_104 : i32
      %mul3A_106 = arith.constant 80 : i32
      %mul3A_107 = arith.muli %add3A_105, %mul3A_106 : i32
      %dma_start3A_108 = tpu.memref_slice %arg7[%mul3A_107] : memref<5040xi32, #tpu.memory_space<vmem>> -> memref<80xi32, #tpu.memory_space<vmem>>
      %dma_start3A_109 = arith.constant 0 : i32
      %dma_start3A_110 = arith.constant 0 : i32
      %dma_start3A_111 = tpu.memref_slice %arg2[%dma_start3A_109, %dma_start3A_110] : memref<10000x128xf32, #tpu.memory_space<hbm>> -> memref<10000x128xf32, #tpu.memory_space<hbm>>
      tpu.enqueue_indirect_dma source(%dma_start3A_111 : memref<10000x128xf32, #tpu.memory_space<hbm>>) target(%arg9 : memref<80x128xf32, #tpu.memory_space<vmem>>) offsets(%dma_start3A_108 : memref<80xi32, #tpu.memory_space<vmem>>) semaphore(%arg13 : memref<!tpu.dma_semaphore, #tpu.memory_space<semaphore_mem>>)
      %add3A_112 = arith.constant 1 : i32
      %add3A_113 = arith.addi %mul3A_89, %add3A_112 : i32
      %mul3A_114 = arith.constant 80 : i32
      %mul3A_115 = arith.muli %add3A_113, %mul3A_114 : i32
      %dma_wait3A_116 = tpu.memref_slice %arg7[%mul3A_115] : memref<5040xi32, #tpu.memory_space<vmem>> -> memref<80xi32, #tpu.memory_space<vmem>>
      %dma_wait3A_117 = arith.constant 0 : i32
      %dma_wait3A_118 = arith.constant 0 : i32
      %dma_wait3A_119 = tpu.memref_slice %arg2[%dma_wait3A_117, %dma_wait3A_118] : memref<10000x128xf32, #tpu.memory_space<hbm>> -> memref<10000x128xf32, #tpu.memory_space<hbm>>
      tpu.wait_indirect_dma semaphore(%arg14 : memref<!tpu.dma_semaphore, #tpu.memory_space<semaphore_mem>>) src(%dma_wait3A_119 : memref<10000x128xf32, #tpu.memory_space<hbm>>) dst(%arg10 : memref<80x128xf32, #tpu.memory_space<vmem>>)
      "tpu.region"() ({
        %run_scoped3A_136 = tpu.sem_alloc : memref<!tpu.dma_semaphore, #tpu.memory_space<semaphore_mem>>
        %dma_start3A_137 = arith.constant 0 : i32
        %dma_start3A_138 = tpu.memref_slice %arg8[%add3A_113, %dma_start3A_137] : memref<63x80xi32, #tpu.memory_space<vmem>> -> memref<1x80xi32, #tpu.memory_space<vmem>>
        %dma_start3A_139 = tpu.memref_squeeze %dma_start3A_138 : memref<1x80xi32, #tpu.memory_space<vmem>> -> memref<80xi32, #tpu.memory_space<vmem>>
        %dma_start3A_140 = arith.constant 0 : i32
        %dma_start3A_141 = arith.constant 0 : i32
        %dma_start3A_142 = tpu.memref_slice %arg12[%dma_start3A_140, %dma_start3A_141] : memref<10240x128xf32, #tpu.memory_space<vmem_shared>> -> memref<10240x128xf32, #tpu.memory_space<vmem_shared>>
        tpu.enqueue_indirect_dma source(%arg10 : memref<80x128xf32, #tpu.memory_space<vmem>>) target(%dma_start3A_142 : memref<10240x128xf32, #tpu.memory_space<vmem_shared>>) offsets(%dma_start3A_139 : memref<80xi32, #tpu.memory_space<vmem>>) semaphore(%run_scoped3A_136 : memref<!tpu.dma_semaphore, #tpu.memory_space<semaphore_mem>>) {add = true}
        %dma_wait3A_143 = arith.constant 0 : i32
        %dma_wait3A_144 = tpu.memref_slice %arg8[%add3A_113, %dma_wait3A_143] : memref<63x80xi32, #tpu.memory_space<vmem>> -> memref<1x80xi32, #tpu.memory_space<vmem>>
        %dma_wait3A_145 = tpu.memref_squeeze %dma_wait3A_144 : memref<1x80xi32, #tpu.memory_space<vmem>> -> memref<80xi32, #tpu.memory_space<vmem>>
        %dma_wait3A_146 = arith.constant 0 : i32
        %dma_wait3A_147 = arith.constant 0 : i32
        %dma_wait3A_148 = tpu.memref_slice %arg12[%dma_wait3A_146, %dma_wait3A_147] : memref<10240x128xf32, #tpu.memory_space<vmem_shared>> -> memref<10240x128xf32, #tpu.memory_space<vmem_shared>>
        tpu.wait_indirect_dma semaphore(%run_scoped3A_136 : memref<!tpu.dma_semaphore, #tpu.memory_space<semaphore_mem>>) src(%arg10 : memref<80x128xf32, #tpu.memory_space<vmem>>) dst(%dma_wait3A_148 : memref<10240x128xf32, #tpu.memory_space<vmem_shared>>)
        tpu.yield
      }) : () -> ()
      %add3A_120 = arith.constant 4 : i32
      %add3A_121 = arith.addi %mul3A_89, %add3A_120 : i32
      %mul3A_122 = arith.constant 80 : i32
      %mul3A_123 = arith.muli %add3A_121, %mul3A_122 : i32
      %dma_start3A_124 = tpu.memref_slice %arg7[%mul3A_123] : memref<5040xi32, #tpu.memory_space<vmem>> -> memref<80xi32, #tpu.memory_space<vmem>>
      %dma_start3A_125 = arith.constant 0 : i32
      %dma_start3A_126 = arith.constant 0 : i32
      %dma_start3A_127 = tpu.memref_slice %arg2[%dma_start3A_125, %dma_start3A_126] : memref<10000x128xf32, #tpu.memory_space<hbm>> -> memref<10000x128xf32, #tpu.memory_space<hbm>>
      tpu.enqueue_indirect_dma source(%dma_start3A_127 : memref<10000x128xf32, #tpu.memory_space<hbm>>) target(%arg10 : memref<80x128xf32, #tpu.memory_space<vmem>>) offsets(%dma_start3A_124 : memref<80xi32, #tpu.memory_space<vmem>>) semaphore(%arg14 : memref<!tpu.dma_semaphore, #tpu.memory_space<semaphore_mem>>)
      %add3A_128 = arith.constant 2 : i32
      %add3A_129 = arith.addi %mul3A_89, %add3A_128 : i32
      %mul3A_130 = arith.constant 80 : i32
      %mul3A_131 = arith.muli %add3A_129, %mul3A_130 : i32
      %dma_wait3A_132 = tpu.memref_slice %arg7[%mul3A_131] : memref<5040xi32, #tpu.memory_space<vmem>> -> memref<80xi32, #tpu.memory_space<vmem>>
      %dma_wait3A_133 = arith.constant 0 : i32
      %dma_wait3A_134 = arith.constant 0 : i32
      %dma_wait3A_135 = tpu.memref_slice %arg2[%dma_wait3A_133, %dma_wait3A_134] : memref<10000x128xf32, #tpu.memory_space<hbm>> -> memref<10000x128xf32, #tpu.memory_space<hbm>>
      tpu.wait_indirect_dma semaphore(%arg15 : memref<!tpu.dma_semaphore, #tpu.memory_space<semaphore_mem>>) src(%dma_wait3A_135 : memref<10000x128xf32, #tpu.memory_space<hbm>>) dst(%arg11 : memref<80x128xf32, #tpu.memory_space<vmem>>)
      "tpu.region"() ({
        %run_scoped3A_136 = tpu.sem_alloc : memref<!tpu.dma_semaphore, #tpu.memory_space<semaphore_mem>>
        %dma_start3A_137 = arith.constant 0 : i32
        %dma_start3A_138 = tpu.memref_slice %arg8[%add3A_129, %dma_start3A_137] : memref<63x80xi32, #tpu.memory_space<vmem>> -> memref<1x80xi32, #tpu.memory_space<vmem>>
        %dma_start3A_139 = tpu.memref_squeeze %dma_start3A_138 : memref<1x80xi32, #tpu.memory_space<vmem>> -> memref<80xi32, #tpu.memory_space<vmem>>
        %dma_start3A_140 = arith.constant 0 : i32
        %dma_start3A_141 = arith.constant 0 : i32
        %dma_start3A_142 = tpu.memref_slice %arg12[%dma_start3A_140, %dma_start3A_141] : memref<10240x128xf32, #tpu.memory_space<vmem_shared>> -> memref<10240x128xf32, #tpu.memory_space<vmem_shared>>
        tpu.enqueue_indirect_dma source(%arg11 : memref<80x128xf32, #tpu.memory_space<vmem>>) target(%dma_start3A_142 : memref<10240x128xf32, #tpu.memory_space<vmem_shared>>) offsets(%dma_start3A_139 : memref<80xi32, #tpu.memory_space<vmem>>) semaphore(%run_scoped3A_136 : memref<!tpu.dma_semaphore, #tpu.memory_space<semaphore_mem>>) {add = true}
        %dma_wait3A_143 = arith.constant 0 : i32
        %dma_wait3A_144 = tpu.memref_slice %arg8[%add3A_129, %dma_wait3A_143] : memref<63x80xi32, #tpu.memory_space<vmem>> -> memref<1x80xi32, #tpu.memory_space<vmem>>
        %dma_wait3A_145 = tpu.memref_squeeze %dma_wait3A_144 : memref<1x80xi32, #tpu.memory_space<vmem>> -> memref<80xi32, #tpu.memory_space<vmem>>
        %dma_wait3A_146 = arith.constant 0 : i32
        %dma_wait3A_147 = arith.constant 0 : i32
        %dma_wait3A_148 = tpu.memref_slice %arg12[%dma_wait3A_146, %dma_wait3A_147] : memref<10240x128xf32, #tpu.memory_space<vmem_shared>> -> memref<10240x128xf32, #tpu.memory_space<vmem_shared>>
        tpu.wait_indirect_dma semaphore(%run_scoped3A_136 : memref<!tpu.dma_semaphore, #tpu.memory_space<semaphore_mem>>) src(%arg11 : memref<80x128xf32, #tpu.memory_space<vmem>>) dst(%dma_wait3A_148 : memref<10240x128xf32, #tpu.memory_space<vmem_shared>>)
        tpu.yield
      }) : () -> ()
    }
    %scan3A_22 = arith.constant 20 : i32
    %dma_start3A_23 = arith.constant 4960 : i32
    %dma_start3A_24 = tpu.memref_slice %arg7[%dma_start3A_23] : memref<5040xi32, #tpu.memory_space<vmem>> -> memref<80xi32, #tpu.memory_space<vmem>>
    %dma_start3A_25 = arith.constant 0 : i32
    %dma_start3A_26 = arith.constant 0 : i32
    %dma_start3A_27 = tpu.memref_slice %arg2[%dma_start3A_25, %dma_start3A_26] : memref<10000x128xf32, #tpu.memory_space<hbm>> -> memref<10000x128xf32, #tpu.memory_space<hbm>>
    tpu.enqueue_indirect_dma source(%dma_start3A_27 : memref<10000x128xf32, #tpu.memory_space<hbm>>) target(%arg11 : memref<80x128xf32, #tpu.memory_space<vmem>>) offsets(%dma_start3A_24 : memref<80xi32, #tpu.memory_space<vmem>>) semaphore(%arg15 : memref<!tpu.dma_semaphore, #tpu.memory_space<semaphore_mem>>)
    %dma_wait3A = arith.constant 4800 : i32
    %dma_wait3A_28 = tpu.memref_slice %arg7[%dma_wait3A] : memref<5040xi32, #tpu.memory_space<vmem>> -> memref<80xi32, #tpu.memory_space<vmem>>
    %dma_wait3A_29 = arith.constant 0 : i32
    %dma_wait3A_30 = arith.constant 0 : i32
    %dma_wait3A_31 = tpu.memref_slice %arg2[%dma_wait3A_29, %dma_wait3A_30] : memref<10000x128xf32, #tpu.memory_space<hbm>> -> memref<10000x128xf32, #tpu.memory_space<hbm>>
    tpu.wait_indirect_dma semaphore(%arg13 : memref<!tpu.dma_semaphore, #tpu.memory_space<semaphore_mem>>) src(%dma_wait3A_31 : memref<10000x128xf32, #tpu.memory_space<hbm>>) dst(%arg9 : memref<80x128xf32, #tpu.memory_space<vmem>>)
    %run_scoped3A_32 = arith.constant 60 : i32
    "tpu.region"() ({
      %run_scoped3A_83 = tpu.sem_alloc : memref<!tpu.dma_semaphore, #tpu.memory_space<semaphore_mem>>
      %dma_start3A_84 = arith.constant 0 : i32
      %dma_start3A_85 = tpu.memref_slice %arg8[%run_scoped3A_32, %dma_start3A_84] : memref<63x80xi32, #tpu.memory_space<vmem>> -> memref<1x80xi32, #tpu.memory_space<vmem>>
      %dma_start3A_86 = tpu.memref_squeeze %dma_start3A_85 : memref<1x80xi32, #tpu.memory_space<vmem>> -> memref<80xi32, #tpu.memory_space<vmem>>
      %dma_start3A_87 = arith.constant 0 : i32
      %dma_start3A_88 = arith.constant 0 : i32
      %dma_start3A_89 = tpu.memref_slice %arg12[%dma_start3A_87, %dma_start3A_88] : memref<10240x128xf32, #tpu.memory_space<vmem_shared>> -> memref<10240x128xf32, #tpu.memory_space<vmem_shared>>
      tpu.enqueue_indirect_dma source(%arg9 : memref<80x128xf32, #tpu.memory_space<vmem>>) target(%dma_start3A_89 : memref<10240x128xf32, #tpu.memory_space<vmem_shared>>) offsets(%dma_start3A_86 : memref<80xi32, #tpu.memory_space<vmem>>) semaphore(%run_scoped3A_83 : memref<!tpu.dma_semaphore, #tpu.memory_space<semaphore_mem>>) {add = true}
      %dma_wait3A_90 = arith.constant 0 : i32
      %dma_wait3A_91 = tpu.memref_slice %arg8[%run_scoped3A_32, %dma_wait3A_90] : memref<63x80xi32, #tpu.memory_space<vmem>> -> memref<1x80xi32, #tpu.memory_space<vmem>>
      %dma_wait3A_92 = tpu.memref_squeeze %dma_wait3A_91 : memref<1x80xi32, #tpu.memory_space<vmem>> -> memref<80xi32, #tpu.memory_space<vmem>>
      %dma_wait3A_93 = arith.constant 0 : i32
      %dma_wait3A_94 = arith.constant 0 : i32
      %dma_wait3A_95 = tpu.memref_slice %arg12[%dma_wait3A_93, %dma_wait3A_94] : memref<10240x128xf32, #tpu.memory_space<vmem_shared>> -> memref<10240x128xf32, #tpu.memory_space<vmem_shared>>
      tpu.wait_indirect_dma semaphore(%run_scoped3A_83 : memref<!tpu.dma_semaphore, #tpu.memory_space<semaphore_mem>>) src(%arg9 : memref<80x128xf32, #tpu.memory_space<vmem>>) dst(%dma_wait3A_95 : memref<10240x128xf32, #tpu.memory_space<vmem_shared>>)
      tpu.yield
    }) : () -> ()
    %dma_wait3A_33 = arith.constant 4880 : i32
    %dma_wait3A_34 = tpu.memref_slice %arg7[%dma_wait3A_33] : memref<5040xi32, #tpu.memory_space<vmem>> -> memref<80xi32, #tpu.memory_space<vmem>>
    %dma_wait3A_35 = arith.constant 0 : i32
    %dma_wait3A_36 = arith.constant 0 : i32
    %dma_wait3A_37 = tpu.memref_slice %arg2[%dma_wait3A_35, %dma_wait3A_36] : memref<10000x128xf32, #tpu.memory_space<hbm>> -> memref<10000x128xf32, #tpu.memory_space<hbm>>
    tpu.wait_indirect_dma semaphore(%arg14 : memref<!tpu.dma_semaphore, #tpu.memory_space<semaphore_mem>>) src(%dma_wait3A_37 : memref<10000x128xf32, #tpu.memory_space<hbm>>) dst(%arg10 : memref<80x128xf32, #tpu.memory_space<vmem>>)
    %run_scoped3A_38 = arith.constant 61 : i32
    "tpu.region"() ({
      %run_scoped3A_83 = tpu.sem_alloc : memref<!tpu.dma_semaphore, #tpu.memory_space<semaphore_mem>>
      %dma_start3A_84 = arith.constant 0 : i32
      %dma_start3A_85 = tpu.memref_slice %arg8[%run_scoped3A_38, %dma_start3A_84] : memref<63x80xi32, #tpu.memory_space<vmem>> -> memref<1x80xi32, #tpu.memory_space<vmem>>
      %dma_start3A_86 = tpu.memref_squeeze %dma_start3A_85 : memref<1x80xi32, #tpu.memory_space<vmem>> -> memref<80xi32, #tpu.memory_space<vmem>>
      %dma_start3A_87 = arith.constant 0 : i32
      %dma_start3A_88 = arith.constant 0 : i32
      %dma_start3A_89 = tpu.memref_slice %arg12[%dma_start3A_87, %dma_start3A_88] : memref<10240x128xf32, #tpu.memory_space<vmem_shared>> -> memref<10240x128xf32, #tpu.memory_space<vmem_shared>>
      tpu.enqueue_indirect_dma source(%arg10 : memref<80x128xf32, #tpu.memory_space<vmem>>) target(%dma_start3A_89 : memref<10240x128xf32, #tpu.memory_space<vmem_shared>>) offsets(%dma_start3A_86 : memref<80xi32, #tpu.memory_space<vmem>>) semaphore(%run_scoped3A_83 : memref<!tpu.dma_semaphore, #tpu.memory_space<semaphore_mem>>) {add = true}
      %dma_wait3A_90 = arith.constant 0 : i32
      %dma_wait3A_91 = tpu.memref_slice %arg8[%run_scoped3A_38, %dma_wait3A_90] : memref<63x80xi32, #tpu.memory_space<vmem>> -> memref<1x80xi32, #tpu.memory_space<vmem>>
      %dma_wait3A_92 = tpu.memref_squeeze %dma_wait3A_91 : memref<1x80xi32, #tpu.memory_space<vmem>> -> memref<80xi32, #tpu.memory_space<vmem>>
      %dma_wait3A_93 = arith.constant 0 : i32
      %dma_wait3A_94 = arith.constant 0 : i32
      %dma_wait3A_95 = tpu.memref_slice %arg12[%dma_wait3A_93, %dma_wait3A_94] : memref<10240x128xf32, #tpu.memory_space<vmem_shared>> -> memref<10240x128xf32, #tpu.memory_space<vmem_shared>>
      tpu.wait_indirect_dma semaphore(%run_scoped3A_83 : memref<!tpu.dma_semaphore, #tpu.memory_space<semaphore_mem>>) src(%arg10 : memref<80x128xf32, #tpu.memory_space<vmem>>) dst(%dma_wait3A_95 : memref<10240x128xf32, #tpu.memory_space<vmem_shared>>)
      tpu.yield
    }) : () -> ()
    %dma_wait3A_39 = arith.constant 4960 : i32
    %dma_wait3A_40 = tpu.memref_slice %arg7[%dma_wait3A_39] : memref<5040xi32, #tpu.memory_space<vmem>> -> memref<80xi32, #tpu.memory_space<vmem>>
    %dma_wait3A_41 = arith.constant 0 : i32
    %dma_wait3A_42 = arith.constant 0 : i32
    %dma_wait3A_43 = tpu.memref_slice %arg2[%dma_wait3A_41, %dma_wait3A_42] : memref<10000x128xf32, #tpu.memory_space<hbm>> -> memref<10000x128xf32, #tpu.memory_space<hbm>>
    tpu.wait_indirect_dma semaphore(%arg15 : memref<!tpu.dma_semaphore, #tpu.memory_space<semaphore_mem>>) src(%dma_wait3A_43 : memref<10000x128xf32, #tpu.memory_space<hbm>>) dst(%arg11 : memref<80x128xf32, #tpu.memory_space<vmem>>)
    %run_scoped3A_44 = arith.constant 62 : i32
    "tpu.region"() ({
      %run_scoped3A_83 = tpu.sem_alloc : memref<!tpu.dma_semaphore, #tpu.memory_space<semaphore_mem>>
      %dma_start3A_84 = arith.constant 0 : i32
      %dma_start3A_85 = tpu.memref_slice %arg8[%run_scoped3A_44, %dma_start3A_84] : memref<63x80xi32, #tpu.memory_space<vmem>> -> memref<1x80xi32, #tpu.memory_space<vmem>>
      %dma_start3A_86 = tpu.memref_squeeze %dma_start3A_85 : memref<1x80xi32, #tpu.memory_space<vmem>> -> memref<80xi32, #tpu.memory_space<vmem>>
      %dma_start3A_87 = arith.constant 0 : i32
      %dma_start3A_88 = arith.constant 0 : i32
      %dma_start3A_89 = tpu.memref_slice %arg12[%dma_start3A_87, %dma_start3A_88] : memref<10240x128xf32, #tpu.memory_space<vmem_shared>> -> memref<10240x128xf32, #tpu.memory_space<vmem_shared>>
      tpu.enqueue_indirect_dma source(%arg11 : memref<80x128xf32, #tpu.memory_space<vmem>>) target(%dma_start3A_89 : memref<10240x128xf32, #tpu.memory_space<vmem_shared>>) offsets(%dma_start3A_86 : memref<80xi32, #tpu.memory_space<vmem>>) semaphore(%run_scoped3A_83 : memref<!tpu.dma_semaphore, #tpu.memory_space<semaphore_mem>>) {add = true}
      %dma_wait3A_90 = arith.constant 0 : i32
      %dma_wait3A_91 = tpu.memref_slice %arg8[%run_scoped3A_44, %dma_wait3A_90] : memref<63x80xi32, #tpu.memory_space<vmem>> -> memref<1x80xi32, #tpu.memory_space<vmem>>
      %dma_wait3A_92 = tpu.memref_squeeze %dma_wait3A_91 : memref<1x80xi32, #tpu.memory_space<vmem>> -> memref<80xi32, #tpu.memory_space<vmem>>
      %dma_wait3A_93 = arith.constant 0 : i32
      %dma_wait3A_94 = arith.constant 0 : i32
      %dma_wait3A_95 = tpu.memref_slice %arg12[%dma_wait3A_93, %dma_wait3A_94] : memref<10240x128xf32, #tpu.memory_space<vmem_shared>> -> memref<10240x128xf32, #tpu.memory_space<vmem_shared>>
      tpu.wait_indirect_dma semaphore(%run_scoped3A_83 : memref<!tpu.dma_semaphore, #tpu.memory_space<semaphore_mem>>) src(%arg11 : memref<80x128xf32, #tpu.memory_space<vmem>>) dst(%dma_wait3A_95 : memref<10240x128xf32, #tpu.memory_space<vmem_shared>>)
      tpu.yield
    }) : () -> ()
    %mul3A_45 = arith.constant 10000 : i32
    %mul3A_46 = arith.muli %add3A, %mul3A_45 : i32
    %add3A_47 = arith.constant 5040 : i32
    %add3A_48 = arith.addi %mul3A_46, %add3A_47 : i32
    "tpu.region"() ({
      %run_scoped3A_83 = tpu.sem_alloc : memref<!tpu.dma_semaphore, #tpu.memory_space<semaphore_mem>>
      %dma_start3A_84 = tpu.memref_slice %arg3[%add3A_48] : memref<322560xi32, #tpu.memory_space<hbm>> -> memref<5040xi32, #tpu.memory_space<hbm>>
      %dma_start3A_85 = tpu.memref_slice %arg3[%add3A_48] : memref<322560xi32, #tpu.memory_space<hbm>> -> memref<5040xi32, #tpu.memory_space<hbm>>
      tpu.enqueue_dma source(%dma_start3A_85 : memref<5040xi32, #tpu.memory_space<hbm>>) target(%arg7 : memref<5040xi32, #tpu.memory_space<vmem>>) target_semaphore(%run_scoped3A_83 : memref<!tpu.dma_semaphore, #tpu.memory_space<semaphore_mem>>)
      %dma_wait3A_86 = tpu.memref_slice %arg3[%add3A_48] : memref<322560xi32, #tpu.memory_space<hbm>> -> memref<5040xi32, #tpu.memory_space<hbm>>
      %dma_wait3A_87 = tpu.memref_slice %arg3[%add3A_48] : memref<322560xi32, #tpu.memory_space<hbm>> -> memref<5040xi32, #tpu.memory_space<hbm>>
      tpu.wait_dma2 semaphore(%run_scoped3A_83 : memref<!tpu.dma_semaphore, #tpu.memory_space<semaphore_mem>>) src(%dma_wait3A_87 : memref<5040xi32, #tpu.memory_space<hbm>>) dst(%arg7 : memref<5040xi32, #tpu.memory_space<vmem>>)
      tpu.yield
    }) : () -> ()
    %run_scoped3A_49 = arith.constant 1 : i32
    "tpu.region"() ({
      %run_scoped3A_83 = tpu.sem_alloc : memref<!tpu.dma_semaphore, #tpu.memory_space<semaphore_mem>>
      %dma_start3A_84 = arith.constant 0 : i32
      %dma_start3A_85 = arith.constant 0 : i32
      %dma_start3A_86 = tpu.memref_slice %arg4[%add3A, %run_scoped3A_49, %dma_start3A_84, %dma_start3A_85] : memref<32x2x63x80xi32, #tpu.memory_space<hbm>> -> memref<1x1x63x80xi32, #tpu.memory_space<hbm>>
      %dma_start3A_87 = tpu.memref_squeeze %dma_start3A_86 : memref<1x1x63x80xi32, #tpu.memory_space<hbm>> -> memref<63x80xi32, #tpu.memory_space<hbm>>
      %dma_start3A_88 = arith.constant 0 : i32
      %dma_start3A_89 = arith.constant 0 : i32
      %dma_start3A_90 = tpu.memref_slice %arg4[%add3A, %run_scoped3A_49, %dma_start3A_88, %dma_start3A_89] : memref<32x2x63x80xi32, #tpu.memory_space<hbm>> -> memref<1x1x63x80xi32, #tpu.memory_space<hbm>>
      %dma_start3A_91 = tpu.memref_squeeze %dma_start3A_90 : memref<1x1x63x80xi32, #tpu.memory_space<hbm>> -> memref<63x80xi32, #tpu.memory_space<hbm>>
      tpu.enqueue_dma source(%dma_start3A_91 : memref<63x80xi32, #tpu.memory_space<hbm>>) target(%arg8 : memref<63x80xi32, #tpu.memory_space<vmem>>) target_semaphore(%run_scoped3A_83 : memref<!tpu.dma_semaphore, #tpu.memory_space<semaphore_mem>>)
      %dma_wait3A_92 = arith.constant 0 : i32
      %dma_wait3A_93 = arith.constant 0 : i32
      %dma_wait3A_94 = tpu.memref_slice %arg4[%add3A, %run_scoped3A_49, %dma_wait3A_92, %dma_wait3A_93] : memref<32x2x63x80xi32, #tpu.memory_space<hbm>> -> memref<1x1x63x80xi32, #tpu.memory_space<hbm>>
      %dma_wait3A_95 = tpu.memref_squeeze %dma_wait3A_94 : memref<1x1x63x80xi32, #tpu.memory_space<hbm>> -> memref<63x80xi32, #tpu.memory_space<hbm>>
      %dma_wait3A_96 = arith.constant 0 : i32
      %dma_wait3A_97 = arith.constant 0 : i32
      %dma_wait3A_98 = tpu.memref_slice %arg4[%add3A, %run_scoped3A_49, %dma_wait3A_96, %dma_wait3A_97] : memref<32x2x63x80xi32, #tpu.memory_space<hbm>> -> memref<1x1x63x80xi32, #tpu.memory_space<hbm>>
      %dma_wait3A_99 = tpu.memref_squeeze %dma_wait3A_98 : memref<1x1x63x80xi32, #tpu.memory_space<hbm>> -> memref<63x80xi32, #tpu.memory_space<hbm>>
      tpu.wait_dma2 semaphore(%run_scoped3A_83 : memref<!tpu.dma_semaphore, #tpu.memory_space<semaphore_mem>>) src(%dma_wait3A_99 : memref<63x80xi32, #tpu.memory_space<hbm>>) dst(%arg8 : memref<63x80xi32, #tpu.memory_space<vmem>>)
      tpu.yield
    }) : () -> ()
    %dma_start3A_50 = arith.constant 0 : i32
    %dma_start3A_51 = tpu.memref_slice %arg7[%dma_start3A_50] : memref<5040xi32, #tpu.memory_space<vmem>> -> memref<80xi32, #tpu.memory_space<vmem>>
    %dma_start3A_52 = arith.constant 0 : i32
    %dma_start3A_53 = arith.constant 0 : i32
    %dma_start3A_54 = tpu.memref_slice %arg2[%dma_start3A_52, %dma_start3A_53] : memref<10000x128xf32, #tpu.memory_space<hbm>> -> memref<10000x128xf32, #tpu.memory_space<hbm>>
    tpu.enqueue_indirect_dma source(%dma_start3A_54 : memref<10000x128xf32, #tpu.memory_space<hbm>>) target(%arg9 : memref<80x128xf32, #tpu.memory_space<vmem>>) offsets(%dma_start3A_51 : memref<80xi32, #tpu.memory_space<vmem>>) semaphore(%arg13 : memref<!tpu.dma_semaphore, #tpu.memory_space<semaphore_mem>>)
    %dma_start3A_55 = arith.constant 80 : i32
    %dma_start3A_56 = tpu.memref_slice %arg7[%dma_start3A_55] : memref<5040xi32, #tpu.memory_space<vmem>> -> memref<80xi32, #tpu.memory_space<vmem>>
    %dma_start3A_57 = arith.constant 0 : i32
    %dma_start3A_58 = arith.constant 0 : i32
    %dma_start3A_59 = tpu.memref_slice %arg2[%dma_start3A_57, %dma_start3A_58] : memref<10000x128xf32, #tpu.memory_space<hbm>> -> memref<10000x128xf32, #tpu.memory_space<hbm>>
    tpu.enqueue_indirect_dma source(%dma_start3A_59 : memref<10000x128xf32, #tpu.memory_space<hbm>>) target(%arg10 : memref<80x128xf32, #tpu.memory_space<vmem>>) offsets(%dma_start3A_56 : memref<80xi32, #tpu.memory_space<vmem>>) semaphore(%arg14 : memref<!tpu.dma_semaphore, #tpu.memory_space<semaphore_mem>>)
    %scan3A_60 = arith.constant 0 : i32
    %scan3A_61 = arith.constant 20 : i32
    %scan3A_62 = arith.addi %scan3A_60, %scan3A_61 : i32
    %scan3A_63 = arith.constant 1 : i32
    scf.for %scan3A_83 = %scan3A_60 to %scan3A_62 step %scan3A_63  : i32 {
      %mul3A_84 = arith.constant 1 : i32
      %mul3A_85 = arith.muli %scan3A_83, %mul3A_84 : i32
      %add3A_86 = arith.constant 0 : i32
      %add3A_87 = arith.addi %add3A_86, %mul3A_85 : i32
      %mul3A_88 = arith.constant 3 : i32
      %mul3A_89 = arith.muli %mul3A_88, %add3A_87 : i32
      %add3A_90 = arith.constant 2 : i32
      %add3A_91 = arith.addi %mul3A_89, %add3A_90 : i32
      %mul3A_92 = arith.constant 80 : i32
      %mul3A_93 = arith.muli %add3A_91, %mul3A_92 : i32
      %dma_start3A_94 = tpu.memref_slice %arg7[%mul3A_93] : memref<5040xi32, #tpu.memory_space<vmem>> -> memref<80xi32, #tpu.memory_space<vmem>>
      %dma_start3A_95 = arith.constant 0 : i32
      %dma_start3A_96 = arith.constant 0 : i32
      %dma_start3A_97 = tpu.memref_slice %arg2[%dma_start3A_95, %dma_start3A_96] : memref<10000x128xf32, #tpu.memory_space<hbm>> -> memref<10000x128xf32, #tpu.memory_space<hbm>>
      tpu.enqueue_indirect_dma source(%dma_start3A_97 : memref<10000x128xf32, #tpu.memory_space<hbm>>) target(%arg11 : memref<80x128xf32, #tpu.memory_space<vmem>>) offsets(%dma_start3A_94 : memref<80xi32, #tpu.memory_space<vmem>>) semaphore(%arg15 : memref<!tpu.dma_semaphore, #tpu.memory_space<semaphore_mem>>)
      %mul3A_98 = arith.constant 80 : i32
      %mul3A_99 = arith.muli %mul3A_89, %mul3A_98 : i32
      %dma_wait3A_100 = tpu.memref_slice %arg7[%mul3A_99] : memref<5040xi32, #tpu.memory_space<vmem>> -> memref<80xi32, #tpu.memory_space<vmem>>
      %dma_wait3A_101 = arith.constant 0 : i32
      %dma_wait3A_102 = arith.constant 0 : i32
      %dma_wait3A_103 = tpu.memref_slice %arg2[%dma_wait3A_101, %dma_wait3A_102] : memref<10000x128xf32, #tpu.memory_space<hbm>> -> memref<10000x128xf32, #tpu.memory_space<hbm>>
      tpu.wait_indirect_dma semaphore(%arg13 : memref<!tpu.dma_semaphore, #tpu.memory_space<semaphore_mem>>) src(%dma_wait3A_103 : memref<10000x128xf32, #tpu.memory_space<hbm>>) dst(%arg9 : memref<80x128xf32, #tpu.memory_space<vmem>>)
      "tpu.region"() ({
        %run_scoped3A_136 = tpu.sem_alloc : memref<!tpu.dma_semaphore, #tpu.memory_space<semaphore_mem>>
        %dma_start3A_137 = arith.constant 0 : i32
        %dma_start3A_138 = tpu.memref_slice %arg8[%mul3A_89, %dma_start3A_137] : memref<63x80xi32, #tpu.memory_space<vmem>> -> memref<1x80xi32, #tpu.memory_space<vmem>>
        %dma_start3A_139 = tpu.memref_squeeze %dma_start3A_138 : memref<1x80xi32, #tpu.memory_space<vmem>> -> memref<80xi32, #tpu.memory_space<vmem>>
        %dma_start3A_140 = arith.constant 0 : i32
        %dma_start3A_141 = arith.constant 0 : i32
        %dma_start3A_142 = tpu.memref_slice %arg12[%dma_start3A_140, %dma_start3A_141] : memref<10240x128xf32, #tpu.memory_space<vmem_shared>> -> memref<10240x128xf32, #tpu.memory_space<vmem_shared>>
        tpu.enqueue_indirect_dma source(%arg9 : memref<80x128xf32, #tpu.memory_space<vmem>>) target(%dma_start3A_142 : memref<10240x128xf32, #tpu.memory_space<vmem_shared>>) offsets(%dma_start3A_139 : memref<80xi32, #tpu.memory_space<vmem>>) semaphore(%run_scoped3A_136 : memref<!tpu.dma_semaphore, #tpu.memory_space<semaphore_mem>>) {add = true}
        %dma_wait3A_143 = arith.constant 0 : i32
        %dma_wait3A_144 = tpu.memref_slice %arg8[%mul3A_89, %dma_wait3A_143] : memref<63x80xi32, #tpu.memory_space<vmem>> -> memref<1x80xi32, #tpu.memory_space<vmem>>
        %dma_wait3A_145 = tpu.memref_squeeze %dma_wait3A_144 : memref<1x80xi32, #tpu.memory_space<vmem>> -> memref<80xi32, #tpu.memory_space<vmem>>
        %dma_wait3A_146 = arith.constant 0 : i32
        %dma_wait3A_147 = arith.constant 0 : i32
        %dma_wait3A_148 = tpu.memref_slice %arg12[%dma_wait3A_146, %dma_wait3A_147] : memref<10240x128xf32, #tpu.memory_space<vmem_shared>> -> memref<10240x128xf32, #tpu.memory_space<vmem_shared>>
        tpu.wait_indirect_dma semaphore(%run_scoped3A_136 : memref<!tpu.dma_semaphore, #tpu.memory_space<semaphore_mem>>) src(%arg9 : memref<80x128xf32, #tpu.memory_space<vmem>>) dst(%dma_wait3A_148 : memref<10240x128xf32, #tpu.memory_space<vmem_shared>>)
        tpu.yield
      }) : () -> ()
      %add3A_104 = arith.constant 3 : i32
      %add3A_105 = arith.addi %mul3A_89, %add3A_104 : i32
      %mul3A_106 = arith.constant 80 : i32
      %mul3A_107 = arith.muli %add3A_105, %mul3A_106 : i32
      %dma_start3A_108 = tpu.memref_slice %arg7[%mul3A_107] : memref<5040xi32, #tpu.memory_space<vmem>> -> memref<80xi32, #tpu.memory_space<vmem>>
      %dma_start3A_109 = arith.constant 0 : i32
      %dma_start3A_110 = arith.constant 0 : i32
      %dma_start3A_111 = tpu.memref_slice %arg2[%dma_start3A_109, %dma_start3A_110] : memref<10000x128xf32, #tpu.memory_space<hbm>> -> memref<10000x128xf32, #tpu.memory_space<hbm>>
      tpu.enqueue_indirect_dma source(%dma_start3A_111 : memref<10000x128xf32, #tpu.memory_space<hbm>>) target(%arg9 : memref<80x128xf32, #tpu.memory_space<vmem>>) offsets(%dma_start3A_108 : memref<80xi32, #tpu.memory_space<vmem>>) semaphore(%arg13 : memref<!tpu.dma_semaphore, #tpu.memory_space<semaphore_mem>>)
      %add3A_112 = arith.constant 1 : i32
      %add3A_113 = arith.addi %mul3A_89, %add3A_112 : i32
      %mul3A_114 = arith.constant 80 : i32
      %mul3A_115 = arith.muli %add3A_113, %mul3A_114 : i32
      %dma_wait3A_116 = tpu.memref_slice %arg7[%mul3A_115] : memref<5040xi32, #tpu.memory_space<vmem>> -> memref<80xi32, #tpu.memory_space<vmem>>
      %dma_wait3A_117 = arith.constant 0 : i32
      %dma_wait3A_118 = arith.constant 0 : i32
      %dma_wait3A_119 = tpu.memref_slice %arg2[%dma_wait3A_117, %dma_wait3A_118] : memref<10000x128xf32, #tpu.memory_space<hbm>> -> memref<10000x128xf32, #tpu.memory_space<hbm>>
      tpu.wait_indirect_dma semaphore(%arg14 : memref<!tpu.dma_semaphore, #tpu.memory_space<semaphore_mem>>) src(%dma_wait3A_119 : memref<10000x128xf32, #tpu.memory_space<hbm>>) dst(%arg10 : memref<80x128xf32, #tpu.memory_space<vmem>>)
      "tpu.region"() ({
        %run_scoped3A_136 = tpu.sem_alloc : memref<!tpu.dma_semaphore, #tpu.memory_space<semaphore_mem>>
        %dma_start3A_137 = arith.constant 0 : i32
        %dma_start3A_138 = tpu.memref_slice %arg8[%add3A_113, %dma_start3A_137] : memref<63x80xi32, #tpu.memory_space<vmem>> -> memref<1x80xi32, #tpu.memory_space<vmem>>
        %dma_start3A_139 = tpu.memref_squeeze %dma_start3A_138 : memref<1x80xi32, #tpu.memory_space<vmem>> -> memref<80xi32, #tpu.memory_space<vmem>>
        %dma_start3A_140 = arith.constant 0 : i32
        %dma_start3A_141 = arith.constant 0 : i32
        %dma_start3A_142 = tpu.memref_slice %arg12[%dma_start3A_140, %dma_start3A_141] : memref<10240x128xf32, #tpu.memory_space<vmem_shared>> -> memref<10240x128xf32, #tpu.memory_space<vmem_shared>>
        tpu.enqueue_indirect_dma source(%arg10 : memref<80x128xf32, #tpu.memory_space<vmem>>) target(%dma_start3A_142 : memref<10240x128xf32, #tpu.memory_space<vmem_shared>>) offsets(%dma_start3A_139 : memref<80xi32, #tpu.memory_space<vmem>>) semaphore(%run_scoped3A_136 : memref<!tpu.dma_semaphore, #tpu.memory_space<semaphore_mem>>) {add = true}
        %dma_wait3A_143 = arith.constant 0 : i32
        %dma_wait3A_144 = tpu.memref_slice %arg8[%add3A_113, %dma_wait3A_143] : memref<63x80xi32, #tpu.memory_space<vmem>> -> memref<1x80xi32, #tpu.memory_space<vmem>>
        %dma_wait3A_145 = tpu.memref_squeeze %dma_wait3A_144 : memref<1x80xi32, #tpu.memory_space<vmem>> -> memref<80xi32, #tpu.memory_space<vmem>>
        %dma_wait3A_146 = arith.constant 0 : i32
        %dma_wait3A_147 = arith.constant 0 : i32
        %dma_wait3A_148 = tpu.memref_slice %arg12[%dma_wait3A_146, %dma_wait3A_147] : memref<10240x128xf32, #tpu.memory_space<vmem_shared>> -> memref<10240x128xf32, #tpu.memory_space<vmem_shared>>
        tpu.wait_indirect_dma semaphore(%run_scoped3A_136 : memref<!tpu.dma_semaphore, #tpu.memory_space<semaphore_mem>>) src(%arg10 : memref<80x128xf32, #tpu.memory_space<vmem>>) dst(%dma_wait3A_148 : memref<10240x128xf32, #tpu.memory_space<vmem_shared>>)
        tpu.yield
      }) : () -> ()
      %add3A_120 = arith.constant 4 : i32
      %add3A_121 = arith.addi %mul3A_89, %add3A_120 : i32
      %mul3A_122 = arith.constant 80 : i32
      %mul3A_123 = arith.muli %add3A_121, %mul3A_122 : i32
      %dma_start3A_124 = tpu.memref_slice %arg7[%mul3A_123] : memref<5040xi32, #tpu.memory_space<vmem>> -> memref<80xi32, #tpu.memory_space<vmem>>
      %dma_start3A_125 = arith.constant 0 : i32
      %dma_start3A_126 = arith.constant 0 : i32
      %dma_start3A_127 = tpu.memref_slice %arg2[%dma_start3A_125, %dma_start3A_126] : memref<10000x128xf32, #tpu.memory_space<hbm>> -> memref<10000x128xf32, #tpu.memory_space<hbm>>
      tpu.enqueue_indirect_dma source(%dma_start3A_127 : memref<10000x128xf32, #tpu.memory_space<hbm>>) target(%arg10 : memref<80x128xf32, #tpu.memory_space<vmem>>) offsets(%dma_start3A_124 : memref<80xi32, #tpu.memory_space<vmem>>) semaphore(%arg14 : memref<!tpu.dma_semaphore, #tpu.memory_space<semaphore_mem>>)
      %add3A_128 = arith.constant 2 : i32
      %add3A_129 = arith.addi %mul3A_89, %add3A_128 : i32
      %mul3A_130 = arith.constant 80 : i32
      %mul3A_131 = arith.muli %add3A_129, %mul3A_130 : i32
      %dma_wait3A_132 = tpu.memref_slice %arg7[%mul3A_131] : memref<5040xi32, #tpu.memory_space<vmem>> -> memref<80xi32, #tpu.memory_space<vmem>>
      %dma_wait3A_133 = arith.constant 0 : i32
      %dma_wait3A_134 = arith.constant 0 : i32
      %dma_wait3A_135 = tpu.memref_slice %arg2[%dma_wait3A_133, %dma_wait3A_134] : memref<10000x128xf32, #tpu.memory_space<hbm>> -> memref<10000x128xf32, #tpu.memory_space<hbm>>
      tpu.wait_indirect_dma semaphore(%arg15 : memref<!tpu.dma_semaphore, #tpu.memory_space<semaphore_mem>>) src(%dma_wait3A_135 : memref<10000x128xf32, #tpu.memory_space<hbm>>) dst(%arg11 : memref<80x128xf32, #tpu.memory_space<vmem>>)
      "tpu.region"() ({
        %run_scoped3A_136 = tpu.sem_alloc : memref<!tpu.dma_semaphore, #tpu.memory_space<semaphore_mem>>
        %dma_start3A_137 = arith.constant 0 : i32
        %dma_start3A_138 = tpu.memref_slice %arg8[%add3A_129, %dma_start3A_137] : memref<63x80xi32, #tpu.memory_space<vmem>> -> memref<1x80xi32, #tpu.memory_space<vmem>>
        %dma_start3A_139 = tpu.memref_squeeze %dma_start3A_138 : memref<1x80xi32, #tpu.memory_space<vmem>> -> memref<80xi32, #tpu.memory_space<vmem>>
        %dma_start3A_140 = arith.constant 0 : i32
        %dma_start3A_141 = arith.constant 0 : i32
        %dma_start3A_142 = tpu.memref_slice %arg12[%dma_start3A_140, %dma_start3A_141] : memref<10240x128xf32, #tpu.memory_space<vmem_shared>> -> memref<10240x128xf32, #tpu.memory_space<vmem_shared>>
        tpu.enqueue_indirect_dma source(%arg11 : memref<80x128xf32, #tpu.memory_space<vmem>>) target(%dma_start3A_142 : memref<10240x128xf32, #tpu.memory_space<vmem_shared>>) offsets(%dma_start3A_139 : memref<80xi32, #tpu.memory_space<vmem>>) semaphore(%run_scoped3A_136 : memref<!tpu.dma_semaphore, #tpu.memory_space<semaphore_mem>>) {add = true}
        %dma_wait3A_143 = arith.constant 0 : i32
        %dma_wait3A_144 = tpu.memref_slice %arg8[%add3A_129, %dma_wait3A_143] : memref<63x80xi32, #tpu.memory_space<vmem>> -> memref<1x80xi32, #tpu.memory_space<vmem>>
        %dma_wait3A_145 = tpu.memref_squeeze %dma_wait3A_144 : memref<1x80xi32, #tpu.memory_space<vmem>> -> memref<80xi32, #tpu.memory_space<vmem>>
        %dma_wait3A_146 = arith.constant 0 : i32
        %dma_wait3A_147 = arith.constant 0 : i32
        %dma_wait3A_148 = tpu.memref_slice %arg12[%dma_wait3A_146, %dma_wait3A_147] : memref<10240x128xf32, #tpu.memory_space<vmem_shared>> -> memref<10240x128xf32, #tpu.memory_space<vmem_shared>>
        tpu.wait_indirect_dma semaphore(%run_scoped3A_136 : memref<!tpu.dma_semaphore, #tpu.memory_space<semaphore_mem>>) src(%arg11 : memref<80x128xf32, #tpu.memory_space<vmem>>) dst(%dma_wait3A_148 : memref<10240x128xf32, #tpu.memory_space<vmem_shared>>)
        tpu.yield
      }) : () -> ()
    }
    %scan3A_64 = arith.constant 20 : i32
    %dma_wait3A_65 = arith.constant 4800 : i32
    %dma_wait3A_66 = tpu.memref_slice %arg7[%dma_wait3A_65] : memref<5040xi32, #tpu.memory_space<vmem>> -> memref<80xi32, #tpu.memory_space<vmem>>
    %dma_wait3A_67 = arith.constant 0 : i32
    %dma_wait3A_68 = arith.constant 0 : i32
    %dma_wait3A_69 = tpu.memref_slice %arg2[%dma_wait3A_67, %dma_wait3A_68] : memref<10000x128xf32, #tpu.memory_space<hbm>> -> memref<10000x128xf32, #tpu.memory_space<hbm>>
    tpu.wait_indirect_dma semaphore(%arg13 : memref<!tpu.dma_semaphore, #tpu.memory_space<semaphore_mem>>) src(%dma_wait3A_69 : memref<10000x128xf32, #tpu.memory_space<hbm>>) dst(%arg9 : memref<80x128xf32, #tpu.memory_space<vmem>>)
    %run_scoped3A_70 = arith.constant 60 : i32
    "tpu.region"() ({
      %run_scoped3A_83 = tpu.sem_alloc : memref<!tpu.dma_semaphore, #tpu.memory_space<semaphore_mem>>
      %dma_start3A_84 = arith.constant 0 : i32
      %dma_start3A_85 = tpu.memref_slice %arg8[%run_scoped3A_70, %dma_start3A_84] : memref<63x80xi32, #tpu.memory_space<vmem>> -> memref<1x80xi32, #tpu.memory_space<vmem>>
      %dma_start3A_86 = tpu.memref_squeeze %dma_start3A_85 : memref<1x80xi32, #tpu.memory_space<vmem>> -> memref<80xi32, #tpu.memory_space<vmem>>
      %dma_start3A_87 = arith.constant 0 : i32
      %dma_start3A_88 = arith.constant 0 : i32
      %dma_start3A_89 = tpu.memref_slice %arg12[%dma_start3A_87, %dma_start3A_88] : memref<10240x128xf32, #tpu.memory_space<vmem_shared>> -> memref<10240x128xf32, #tpu.memory_space<vmem_shared>>
      tpu.enqueue_indirect_dma source(%arg9 : memref<80x128xf32, #tpu.memory_space<vmem>>) target(%dma_start3A_89 : memref<10240x128xf32, #tpu.memory_space<vmem_shared>>) offsets(%dma_start3A_86 : memref<80xi32, #tpu.memory_space<vmem>>) semaphore(%run_scoped3A_83 : memref<!tpu.dma_semaphore, #tpu.memory_space<semaphore_mem>>) {add = true}
      %dma_wait3A_90 = arith.constant 0 : i32
      %dma_wait3A_91 = tpu.memref_slice %arg8[%run_scoped3A_70, %dma_wait3A_90] : memref<63x80xi32, #tpu.memory_space<vmem>> -> memref<1x80xi32, #tpu.memory_space<vmem>>
      %dma_wait3A_92 = tpu.memref_squeeze %dma_wait3A_91 : memref<1x80xi32, #tpu.memory_space<vmem>> -> memref<80xi32, #tpu.memory_space<vmem>>
      %dma_wait3A_93 = arith.constant 0 : i32
      %dma_wait3A_94 = arith.constant 0 : i32
      %dma_wait3A_95 = tpu.memref_slice %arg12[%dma_wait3A_93, %dma_wait3A_94] : memref<10240x128xf32, #tpu.memory_space<vmem_shared>> -> memref<10240x128xf32, #tpu.memory_space<vmem_shared>>
      tpu.wait_indirect_dma semaphore(%run_scoped3A_83 : memref<!tpu.dma_semaphore, #tpu.memory_space<semaphore_mem>>) src(%arg9 : memref<80x128xf32, #tpu.memory_space<vmem>>) dst(%dma_wait3A_95 : memref<10240x128xf32, #tpu.memory_space<vmem_shared>>)
      tpu.yield
    }) : () -> ()
    %dma_wait3A_71 = arith.constant 4880 : i32
    %dma_wait3A_72 = tpu.memref_slice %arg7[%dma_wait3A_71] : memref<5040xi32, #tpu.memory_space<vmem>> -> memref<80xi32, #tpu.memory_space<vmem>>
    %dma_wait3A_73 = arith.constant 0 : i32
    %dma_wait3A_74 = arith.constant 0 : i32
    %dma_wait3A_75 = tpu.memref_slice %arg2[%dma_wait3A_73, %dma_wait3A_74] : memref<10000x128xf32, #tpu.memory_space<hbm>> -> memref<10000x128xf32, #tpu.memory_space<hbm>>
    tpu.wait_indirect_dma semaphore(%arg14 : memref<!tpu.dma_semaphore, #tpu.memory_space<semaphore_mem>>) src(%dma_wait3A_75 : memref<10000x128xf32, #tpu.memory_space<hbm>>) dst(%arg10 : memref<80x128xf32, #tpu.memory_space<vmem>>)
    %run_scoped3A_76 = arith.constant 61 : i32
    "tpu.region"() ({
      %run_scoped3A_83 = tpu.sem_alloc : memref<!tpu.dma_semaphore, #tpu.memory_space<semaphore_mem>>
      %dma_start3A_84 = arith.constant 0 : i32
      %dma_start3A_85 = tpu.memref_slice %arg8[%run_scoped3A_76, %dma_start3A_84] : memref<63x80xi32, #tpu.memory_space<vmem>> -> memref<1x80xi32, #tpu.memory_space<vmem>>
      %dma_start3A_86 = tpu.memref_squeeze %dma_start3A_85 : memref<1x80xi32, #tpu.memory_space<vmem>> -> memref<80xi32, #tpu.memory_space<vmem>>
      %dma_start3A_87 = arith.constant 0 : i32
      %dma_start3A_88 = arith.constant 0 : i32
      %dma_start3A_89 = tpu.memref_slice %arg12[%dma_start3A_87, %dma_start3A_88] : memref<10240x128xf32, #tpu.memory_space<vmem_shared>> -> memref<10240x128xf32, #tpu.memory_space<vmem_shared>>
      tpu.enqueue_indirect_dma source(%arg10 : memref<80x128xf32, #tpu.memory_space<vmem>>) target(%dma_start3A_89 : memref<10240x128xf32, #tpu.memory_space<vmem_shared>>) offsets(%dma_start3A_86 : memref<80xi32, #tpu.memory_space<vmem>>) semaphore(%run_scoped3A_83 : memref<!tpu.dma_semaphore, #tpu.memory_space<semaphore_mem>>) {add = true}
      %dma_wait3A_90 = arith.constant 0 : i32
      %dma_wait3A_91 = tpu.memref_slice %arg8[%run_scoped3A_76, %dma_wait3A_90] : memref<63x80xi32, #tpu.memory_space<vmem>> -> memref<1x80xi32, #tpu.memory_space<vmem>>
      %dma_wait3A_92 = tpu.memref_squeeze %dma_wait3A_91 : memref<1x80xi32, #tpu.memory_space<vmem>> -> memref<80xi32, #tpu.memory_space<vmem>>
      %dma_wait3A_93 = arith.constant 0 : i32
      %dma_wait3A_94 = arith.constant 0 : i32
      %dma_wait3A_95 = tpu.memref_slice %arg12[%dma_wait3A_93, %dma_wait3A_94] : memref<10240x128xf32, #tpu.memory_space<vmem_shared>> -> memref<10240x128xf32, #tpu.memory_space<vmem_shared>>
      tpu.wait_indirect_dma semaphore(%run_scoped3A_83 : memref<!tpu.dma_semaphore, #tpu.memory_space<semaphore_mem>>) src(%arg10 : memref<80x128xf32, #tpu.memory_space<vmem>>) dst(%dma_wait3A_95 : memref<10240x128xf32, #tpu.memory_space<vmem_shared>>)
      tpu.yield
    }) : () -> ()
    %barrier3A_77 = arith.constant 0 : index
    tpu.barrier barrier_id(%barrier3A_77)
    %scan3A_78 = arith.constant 0 : i32
    %scan3A_79 = arith.constant 8 : i32
    %scan3A_80 = arith.addi %scan3A_78, %scan3A_79 : i32
    %scan3A_81 = arith.constant 1 : i32
    scf.for %scan3A_83 = %scan3A_78 to %scan3A_80 step %scan3A_81  : i32 {
      %mul3A_84 = arith.constant 1 : i32
      %mul3A_85 = arith.muli %scan3A_83, %mul3A_84 : i32
      %add3A_86 = arith.constant 0 : i32
      %add3A_87 = arith.addi %add3A_86, %mul3A_85 : i32
      %mul3A_88 = arith.constant 640 : i32
      %mul3A_89 = arith.muli %arg1, %mul3A_88 : i32
      %mul3A_90 = arith.constant 80 : i32
      %mul3A_91 = arith.muli %add3A_87, %mul3A_90 : i32
      %add3A_92 = arith.addi %mul3A_89, %mul3A_91 : i32
      "tpu.region"() ({
        %run_scoped3A_93 = tpu.sem_alloc : memref<!tpu.dma_semaphore, #tpu.memory_space<semaphore_mem>>
        %dma_start3A_94 = arith.constant 0 : i32
        %dma_start3A_95 = tpu.memref_slice %arg6[%arg0, %add3A_92, %dma_start3A_94] : memref<2x10240x128xf32, #tpu.memory_space<hbm>> -> memref<1x80x128xf32, #tpu.memory_space<hbm>>
        %dma_start3A_96 = tpu.memref_squeeze %dma_start3A_95 : memref<1x80x128xf32, #tpu.memory_space<hbm>> -> memref<80x128xf32, #tpu.memory_space<hbm>>
        %dma_start3A_97 = arith.constant 0 : i32
        %dma_start3A_98 = tpu.memref_slice %arg12[%add3A_92, %dma_start3A_97] : memref<10240x128xf32, #tpu.memory_space<vmem_shared>> -> memref<80x128xf32, #tpu.memory_space<vmem_shared>>
        tpu.enqueue_dma source(%dma_start3A_98 : memref<80x128xf32, #tpu.memory_space<vmem_shared>>) target(%dma_start3A_96 : memref<80x128xf32, #tpu.memory_space<hbm>>) target_semaphore(%run_scoped3A_93 : memref<!tpu.dma_semaphore, #tpu.memory_space<semaphore_mem>>)
        %dma_wait3A_99 = arith.constant 0 : i32
        %dma_wait3A_100 = tpu.memref_slice %arg6[%arg0, %add3A_92, %dma_wait3A_99] : memref<2x10240x128xf32, #tpu.memory_space<hbm>> -> memref<1x80x128xf32, #tpu.memory_space<hbm>>
        %dma_wait3A_101 = tpu.memref_squeeze %dma_wait3A_100 : memref<1x80x128xf32, #tpu.memory_space<hbm>> -> memref<80x128xf32, #tpu.memory_space<hbm>>
        %dma_wait3A_102 = arith.constant 0 : i32
        %dma_wait3A_103 = tpu.memref_slice %arg12[%add3A_92, %dma_wait3A_102] : memref<10240x128xf32, #tpu.memory_space<vmem_shared>> -> memref<80x128xf32, #tpu.memory_space<vmem_shared>>
        tpu.wait_dma2 semaphore(%run_scoped3A_93 : memref<!tpu.dma_semaphore, #tpu.memory_space<semaphore_mem>>) src(%dma_wait3A_103 : memref<80x128xf32, #tpu.memory_space<vmem_shared>>) dst(%dma_wait3A_101 : memref<80x128xf32, #tpu.memory_space<hbm>>)
        tpu.yield
      }) : () -> ()
    }
    %scan3A_82 = arith.constant 8 : i32
    return
  }
}

#map = affine_map<(d0, d1) -> (0, 0)>
#map1 = affine_map<(d0, d1) -> (0)>
#map2 = affine_map<(d0, d1) -> (0, 0, 0, 0)>
#map3 = affine_map<(d0, d1) -> (0, 0, 0)>
module attributes {stable_mosaic.version = 14 : i64} {
  func.func @_agg_kernel(%arg0: i32, %arg1: i32, %arg2: memref<10000x128xf32, #tpu.memory_space<hbm>>, %arg3: memref<322560xi32, #tpu.memory_space<hbm>>, %arg4: memref<32x2x63x80xi32, #tpu.memory_space<hbm>>, %arg5: memref<80x128xf32, #tpu.memory_space<hbm>>, %arg6: memref<2x10240x128xf32, #tpu.memory_space<hbm>>, %arg7: memref<5040xi32, #tpu.memory_space<vmem>>, %arg8: memref<63x80xi32, #tpu.memory_space<vmem>>, %arg9: memref<80x128xf32, #tpu.memory_space<vmem>>, %arg10: memref<80x128xf32, #tpu.memory_space<vmem>>, %arg11: memref<80x128xf32, #tpu.memory_space<vmem>>, %arg12: memref<10240x128xf32, #tpu.memory_space<vmem_shared>>, %arg13: memref<!tpu.dma_semaphore, #tpu.memory_space<semaphore_mem>>, %arg14: memref<!tpu.dma_semaphore, #tpu.memory_space<semaphore_mem>>, %arg15: memref<!tpu.dma_semaphore, #tpu.memory_space<semaphore_mem>>) attributes {dimension_semantics = [#tpu.dimension_semantics<core_parallel>, #tpu.dimension_semantics<subcore_parallel>], iteration_bounds = array<i64: 2, 16>, scalar_prefetch = 0 : i64, scratch_operands = 9 : i64, tpu.core_type = #tpu.core_type<sc_vector_subcore>, window_params = [{transform_indices = #map}, {transform_indices = #map1}, {transform_indices = #map2}, {transform_indices = #map}, {transform_indices = #map3}]} {
    %mul3A = arith.constant 16 : i32
    %mul3A_0 = arith.muli %arg0, %mul3A : i32
    %add3A = arith.addi %mul3A_0, %arg1 : i32
    %scan3A = arith.constant 0 : i32
    %scan3A_1 = arith.constant 8 : i32
    %scan3A_2 = arith.addi %scan3A, %scan3A_1 : i32
    %scan3A_3 = arith.constant 1 : i32
    scf.for %scan3A_83 = %scan3A to %scan3A_2 step %scan3A_3  : i32 {
      %mul3A_84 = arith.constant 1 : i32
      %mul3A_85 = arith.muli %scan3A_83, %mul3A_84 : i32
      %add3A_86 = arith.constant 0 : i32
      %add3A_87 = arith.addi %add3A_86, %mul3A_85 : i32
      %mul3A_88 = arith.constant 640 : i32
      %mul3A_89 = arith.muli %arg1, %mul3A_88 : i32
      %mul3A_90 = arith.constant 80 : i32
      %mul3A_91 = arith.muli %add3A_87, %mul3A_90 : i32
      %add3A_92 = arith.addi %mul3A_89, %mul3A_91 : i32
      "tpu.region"() ({
        %run_scoped3A_93 = tpu.sem_alloc : memref<!tpu.dma_semaphore, #tpu.memory_space<semaphore_mem>>
        %dma_start3A_94 = arith.constant 0 : i32
        %dma_start3A_95 = tpu.memref_slice %arg12[%add3A_92, %dma_start3A_94] : memref<10240x128xf32, #tpu.memory_space<vmem_shared>> -> memref<80x128xf32, #tpu.memory_space<vmem_shared>>
        tpu.enqueue_dma source(%arg5 : memref<80x128xf32, #tpu.memory_space<hbm>>) target(%dma_start3A_95 : memref<80x128xf32, #tpu.memory_space<vmem_shared>>) target_semaphore(%run_scoped3A_93 : memref<!tpu.dma_semaphore, #tpu.memory_space<semaphore_mem>>)
        %dma_wait3A_96 = arith.constant 0 : i32
        %dma_wait3A_97 = tpu.memref_slice %arg12[%add3A_92, %dma_wait3A_96] : memref<10240x128xf32, #tpu.memory_space<vmem_shared>> -> memref<80x128xf32, #tpu.memory_space<vmem_shared>>
        tpu.wait_dma2 semaphore(%run_scoped3A_93 : memref<!tpu.dma_semaphore, #tpu.memory_space<semaphore_mem>>) src(%arg5 : memref<80x128xf32, #tpu.memory_space<hbm>>) dst(%dma_wait3A_97 : memref<80x128xf32, #tpu.memory_space<vmem_shared>>)
        tpu.yield
      }) : () -> ()
    }
    %scan3A_4 = arith.constant 8 : i32
    %barrier3A = arith.constant 0 : index
    tpu.barrier barrier_id(%barrier3A)
    %mul3A_5 = arith.constant 10000 : i32
    %mul3A_6 = arith.muli %add3A, %mul3A_5 : i32
    %add3A_7 = arith.constant 0 : i32
    %add3A_8 = arith.addi %mul3A_6, %add3A_7 : i32
    "tpu.region"() ({
      %run_scoped3A_83 = tpu.sem_alloc : memref<!tpu.dma_semaphore, #tpu.memory_space<semaphore_mem>>
      %dma_start3A_84 = tpu.memref_slice %arg3[%add3A_8] : memref<322560xi32, #tpu.memory_space<hbm>> -> memref<5040xi32, #tpu.memory_space<hbm>>
      %dma_start3A_85 = tpu.memref_slice %arg3[%add3A_8] : memref<322560xi32, #tpu.memory_space<hbm>> -> memref<5040xi32, #tpu.memory_space<hbm>>
      tpu.enqueue_dma source(%dma_start3A_85 : memref<5040xi32, #tpu.memory_space<hbm>>) target(%arg7 : memref<5040xi32, #tpu.memory_space<vmem>>) target_semaphore(%run_scoped3A_83 : memref<!tpu.dma_semaphore, #tpu.memory_space<semaphore_mem>>)
      %dma_wait3A_86 = tpu.memref_slice %arg3[%add3A_8] : memref<322560xi32, #tpu.memory_space<hbm>> -> memref<5040xi32, #tpu.memory_space<hbm>>
      %dma_wait3A_87 = tpu.memref_slice %arg3[%add3A_8] : memref<322560xi32, #tpu.memory_space<hbm>> -> memref<5040xi32, #tpu.memory_space<hbm>>
      tpu.wait_dma2 semaphore(%run_scoped3A_83 : memref<!tpu.dma_semaphore, #tpu.memory_space<semaphore_mem>>) src(%dma_wait3A_87 : memref<5040xi32, #tpu.memory_space<hbm>>) dst(%arg7 : memref<5040xi32, #tpu.memory_space<vmem>>)
      tpu.yield
    }) : () -> ()
    %run_scoped3A = arith.constant 0 : i32
    "tpu.region"() ({
      %run_scoped3A_83 = tpu.sem_alloc : memref<!tpu.dma_semaphore, #tpu.memory_space<semaphore_mem>>
      %dma_start3A_84 = arith.constant 0 : i32
      %dma_start3A_85 = arith.constant 0 : i32
      %dma_start3A_86 = tpu.memref_slice %arg4[%add3A, %run_scoped3A, %dma_start3A_84, %dma_start3A_85] : memref<32x2x63x80xi32, #tpu.memory_space<hbm>> -> memref<1x1x63x80xi32, #tpu.memory_space<hbm>>
      %dma_start3A_87 = tpu.memref_squeeze %dma_start3A_86 : memref<1x1x63x80xi32, #tpu.memory_space<hbm>> -> memref<63x80xi32, #tpu.memory_space<hbm>>
      %dma_start3A_88 = arith.constant 0 : i32
      %dma_start3A_89 = arith.constant 0 : i32
      %dma_start3A_90 = tpu.memref_slice %arg4[%add3A, %run_scoped3A, %dma_start3A_88, %dma_start3A_89] : memref<32x2x63x80xi32, #tpu.memory_space<hbm>> -> memref<1x1x63x80xi32, #tpu.memory_space<hbm>>
      %dma_start3A_91 = tpu.memref_squeeze %dma_start3A_90 : memref<1x1x63x80xi32, #tpu.memory_space<hbm>> -> memref<63x80xi32, #tpu.memory_space<hbm>>
      tpu.enqueue_dma source(%dma_start3A_91 : memref<63x80xi32, #tpu.memory_space<hbm>>) target(%arg8 : memref<63x80xi32, #tpu.memory_space<vmem>>) target_semaphore(%run_scoped3A_83 : memref<!tpu.dma_semaphore, #tpu.memory_space<semaphore_mem>>)
      %dma_wait3A_92 = arith.constant 0 : i32
      %dma_wait3A_93 = arith.constant 0 : i32
      %dma_wait3A_94 = tpu.memref_slice %arg4[%add3A, %run_scoped3A, %dma_wait3A_92, %dma_wait3A_93] : memref<32x2x63x80xi32, #tpu.memory_space<hbm>> -> memref<1x1x63x80xi32, #tpu.memory_space<hbm>>
      %dma_wait3A_95 = tpu.memref_squeeze %dma_wait3A_94 : memref<1x1x63x80xi32, #tpu.memory_space<hbm>> -> memref<63x80xi32, #tpu.memory_space<hbm>>
      %dma_wait3A_96 = arith.constant 0 : i32
      %dma_wait3A_97 = arith.constant 0 : i32
      %dma_wait3A_98 = tpu.memref_slice %arg4[%add3A, %run_scoped3A, %dma_wait3A_96, %dma_wait3A_97] : memref<32x2x63x80xi32, #tpu.memory_space<hbm>> -> memref<1x1x63x80xi32, #tpu.memory_space<hbm>>
      %dma_wait3A_99 = tpu.memref_squeeze %dma_wait3A_98 : memref<1x1x63x80xi32, #tpu.memory_space<hbm>> -> memref<63x80xi32, #tpu.memory_space<hbm>>
      tpu.wait_dma2 semaphore(%run_scoped3A_83 : memref<!tpu.dma_semaphore, #tpu.memory_space<semaphore_mem>>) src(%dma_wait3A_99 : memref<63x80xi32, #tpu.memory_space<hbm>>) dst(%arg8 : memref<63x80xi32, #tpu.memory_space<vmem>>)
      tpu.yield
    }) : () -> ()
    %dma_start3A = arith.constant 0 : i32
    %dma_start3A_9 = tpu.memref_slice %arg7[%dma_start3A] : memref<5040xi32, #tpu.memory_space<vmem>> -> memref<80xi32, #tpu.memory_space<vmem>>
    %dma_start3A_10 = arith.constant 0 : i32
    %dma_start3A_11 = arith.constant 0 : i32
    %dma_start3A_12 = tpu.memref_slice %arg2[%dma_start3A_10, %dma_start3A_11] : memref<10000x128xf32, #tpu.memory_space<hbm>> -> memref<10000x128xf32, #tpu.memory_space<hbm>>
    tpu.enqueue_indirect_dma source(%dma_start3A_12 : memref<10000x128xf32, #tpu.memory_space<hbm>>) target(%arg9 : memref<80x128xf32, #tpu.memory_space<vmem>>) offsets(%dma_start3A_9 : memref<80xi32, #tpu.memory_space<vmem>>) semaphore(%arg13 : memref<!tpu.dma_semaphore, #tpu.memory_space<semaphore_mem>>)
    %dma_start3A_13 = arith.constant 80 : i32
    %dma_start3A_14 = tpu.memref_slice %arg7[%dma_start3A_13] : memref<5040xi32, #tpu.memory_space<vmem>> -> memref<80xi32, #tpu.memory_space<vmem>>
    %dma_start3A_15 = arith.constant 0 : i32
    %dma_start3A_16 = arith.constant 0 : i32
    %dma_start3A_17 = tpu.memref_slice %arg2[%dma_start3A_15, %dma_start3A_16] : memref<10000x128xf32, #tpu.memory_space<hbm>> -> memref<10000x128xf32, #tpu.memory_space<hbm>>
    tpu.enqueue_indirect_dma source(%dma_start3A_17 : memref<10000x128xf32, #tpu.memory_space<hbm>>) target(%arg10 : memref<80x128xf32, #tpu.memory_space<vmem>>) offsets(%dma_start3A_14 : memref<80xi32, #tpu.memory_space<vmem>>) semaphore(%arg14 : memref<!tpu.dma_semaphore, #tpu.memory_space<semaphore_mem>>)
    %scan3A_18 = arith.constant 0 : i32
    %scan3A_19 = arith.constant 20 : i32
    %scan3A_20 = arith.addi %scan3A_18, %scan3A_19 : i32
    %scan3A_21 = arith.constant 1 : i32
    scf.for %scan3A_83 = %scan3A_18 to %scan3A_20 step %scan3A_21  : i32 {
      %mul3A_84 = arith.constant 1 : i32
      %mul3A_85 = arith.muli %scan3A_83, %mul3A_84 : i32
      %add3A_86 = arith.constant 0 : i32
      %add3A_87 = arith.addi %add3A_86, %mul3A_85 : i32
      %mul3A_88 = arith.constant 3 : i32
      %mul3A_89 = arith.muli %mul3A_88, %add3A_87 : i32
      %add3A_90 = arith.constant 2 : i32
      %add3A_91 = arith.addi %mul3A_89, %add3A_90 : i32
      %mul3A_92 = arith.constant 80 : i32
      %mul3A_93 = arith.muli %add3A_91, %mul3A_92 : i32
      %dma_start3A_94 = tpu.memref_slice %arg7[%mul3A_93] : memref<5040xi32, #tpu.memory_space<vmem>> -> memref<80xi32, #tpu.memory_space<vmem>>
      %dma_start3A_95 = arith.constant 0 : i32
      %dma_start3A_96 = arith.constant 0 : i32
      %dma_start3A_97 = tpu.memref_slice %arg2[%dma_start3A_95, %dma_start3A_96] : memref<10000x128xf32, #tpu.memory_space<hbm>> -> memref<10000x128xf32, #tpu.memory_space<hbm>>
      tpu.enqueue_indirect_dma source(%dma_start3A_97 : memref<10000x128xf32, #tpu.memory_space<hbm>>) target(%arg11 : memref<80x128xf32, #tpu.memory_space<vmem>>) offsets(%dma_start3A_94 : memref<80xi32, #tpu.memory_space<vmem>>) semaphore(%arg15 : memref<!tpu.dma_semaphore, #tpu.memory_space<semaphore_mem>>)
      %mul3A_98 = arith.constant 80 : i32
      %mul3A_99 = arith.muli %mul3A_89, %mul3A_98 : i32
      %dma_wait3A_100 = tpu.memref_slice %arg7[%mul3A_99] : memref<5040xi32, #tpu.memory_space<vmem>> -> memref<80xi32, #tpu.memory_space<vmem>>
      %dma_wait3A_101 = arith.constant 0 : i32
      %dma_wait3A_102 = arith.constant 0 : i32
      %dma_wait3A_103 = tpu.memref_slice %arg2[%dma_wait3A_101, %dma_wait3A_102] : memref<10000x128xf32, #tpu.memory_space<hbm>> -> memref<10000x128xf32, #tpu.memory_space<hbm>>
      tpu.wait_indirect_dma semaphore(%arg13 : memref<!tpu.dma_semaphore, #tpu.memory_space<semaphore_mem>>) src(%dma_wait3A_103 : memref<10000x128xf32, #tpu.memory_space<hbm>>) dst(%arg9 : memref<80x128xf32, #tpu.memory_space<vmem>>)
      "tpu.region"() ({
        %run_scoped3A_136 = tpu.sem_alloc : memref<!tpu.dma_semaphore, #tpu.memory_space<semaphore_mem>>
        %dma_start3A_137 = arith.constant 0 : i32
        %dma_start3A_138 = tpu.memref_slice %arg8[%mul3A_89, %dma_start3A_137] : memref<63x80xi32, #tpu.memory_space<vmem>> -> memref<1x80xi32, #tpu.memory_space<vmem>>
        %dma_start3A_139 = tpu.memref_squeeze %dma_start3A_138 : memref<1x80xi32, #tpu.memory_space<vmem>> -> memref<80xi32, #tpu.memory_space<vmem>>
        %dma_start3A_140 = arith.constant 0 : i32
        %dma_start3A_141 = arith.constant 0 : i32
        %dma_start3A_142 = tpu.memref_slice %arg12[%dma_start3A_140, %dma_start3A_141] : memref<10240x128xf32, #tpu.memory_space<vmem_shared>> -> memref<10240x128xf32, #tpu.memory_space<vmem_shared>>
        tpu.enqueue_indirect_dma source(%arg9 : memref<80x128xf32, #tpu.memory_space<vmem>>) target(%dma_start3A_142 : memref<10240x128xf32, #tpu.memory_space<vmem_shared>>) offsets(%dma_start3A_139 : memref<80xi32, #tpu.memory_space<vmem>>) semaphore(%run_scoped3A_136 : memref<!tpu.dma_semaphore, #tpu.memory_space<semaphore_mem>>) {add = true}
        %dma_wait3A_143 = arith.constant 0 : i32
        %dma_wait3A_144 = tpu.memref_slice %arg8[%mul3A_89, %dma_wait3A_143] : memref<63x80xi32, #tpu.memory_space<vmem>> -> memref<1x80xi32, #tpu.memory_space<vmem>>
        %dma_wait3A_145 = tpu.memref_squeeze %dma_wait3A_144 : memref<1x80xi32, #tpu.memory_space<vmem>> -> memref<80xi32, #tpu.memory_space<vmem>>
        %dma_wait3A_146 = arith.constant 0 : i32
        %dma_wait3A_147 = arith.constant 0 : i32
        %dma_wait3A_148 = tpu.memref_slice %arg12[%dma_wait3A_146, %dma_wait3A_147] : memref<10240x128xf32, #tpu.memory_space<vmem_shared>> -> memref<10240x128xf32, #tpu.memory_space<vmem_shared>>
        tpu.wait_indirect_dma semaphore(%run_scoped3A_136 : memref<!tpu.dma_semaphore, #tpu.memory_space<semaphore_mem>>) src(%arg9 : memref<80x128xf32, #tpu.memory_space<vmem>>) dst(%dma_wait3A_148 : memref<10240x128xf32, #tpu.memory_space<vmem_shared>>)
        tpu.yield
      }) : () -> ()
      %add3A_104 = arith.constant 3 : i32
      %add3A_105 = arith.addi %mul3A_89, %add3A_104 : i32
      %mul3A_106 = arith.constant 80 : i32
      %mul3A_107 = arith.muli %add3A_105, %mul3A_106 : i32
      %dma_start3A_108 = tpu.memref_slice %arg7[%mul3A_107] : memref<5040xi32, #tpu.memory_space<vmem>> -> memref<80xi32, #tpu.memory_space<vmem>>
      %dma_start3A_109 = arith.constant 0 : i32
      %dma_start3A_110 = arith.constant 0 : i32
      %dma_start3A_111 = tpu.memref_slice %arg2[%dma_start3A_109, %dma_start3A_110] : memref<10000x128xf32, #tpu.memory_space<hbm>> -> memref<10000x128xf32, #tpu.memory_space<hbm>>
      tpu.enqueue_indirect_dma source(%dma_start3A_111 : memref<10000x128xf32, #tpu.memory_space<hbm>>) target(%arg9 : memref<80x128xf32, #tpu.memory_space<vmem>>) offsets(%dma_start3A_108 : memref<80xi32, #tpu.memory_space<vmem>>) semaphore(%arg13 : memref<!tpu.dma_semaphore, #tpu.memory_space<semaphore_mem>>)
      %add3A_112 = arith.constant 1 : i32
      %add3A_113 = arith.addi %mul3A_89, %add3A_112 : i32
      %mul3A_114 = arith.constant 80 : i32
      %mul3A_115 = arith.muli %add3A_113, %mul3A_114 : i32
      %dma_wait3A_116 = tpu.memref_slice %arg7[%mul3A_115] : memref<5040xi32, #tpu.memory_space<vmem>> -> memref<80xi32, #tpu.memory_space<vmem>>
      %dma_wait3A_117 = arith.constant 0 : i32
      %dma_wait3A_118 = arith.constant 0 : i32
      %dma_wait3A_119 = tpu.memref_slice %arg2[%dma_wait3A_117, %dma_wait3A_118] : memref<10000x128xf32, #tpu.memory_space<hbm>> -> memref<10000x128xf32, #tpu.memory_space<hbm>>
      tpu.wait_indirect_dma semaphore(%arg14 : memref<!tpu.dma_semaphore, #tpu.memory_space<semaphore_mem>>) src(%dma_wait3A_119 : memref<10000x128xf32, #tpu.memory_space<hbm>>) dst(%arg10 : memref<80x128xf32, #tpu.memory_space<vmem>>)
      "tpu.region"() ({
        %run_scoped3A_136 = tpu.sem_alloc : memref<!tpu.dma_semaphore, #tpu.memory_space<semaphore_mem>>
        %dma_start3A_137 = arith.constant 0 : i32
        %dma_start3A_138 = tpu.memref_slice %arg8[%add3A_113, %dma_start3A_137] : memref<63x80xi32, #tpu.memory_space<vmem>> -> memref<1x80xi32, #tpu.memory_space<vmem>>
        %dma_start3A_139 = tpu.memref_squeeze %dma_start3A_138 : memref<1x80xi32, #tpu.memory_space<vmem>> -> memref<80xi32, #tpu.memory_space<vmem>>
        %dma_start3A_140 = arith.constant 0 : i32
        %dma_start3A_141 = arith.constant 0 : i32
        %dma_start3A_142 = tpu.memref_slice %arg12[%dma_start3A_140, %dma_start3A_141] : memref<10240x128xf32, #tpu.memory_space<vmem_shared>> -> memref<10240x128xf32, #tpu.memory_space<vmem_shared>>
        tpu.enqueue_indirect_dma source(%arg10 : memref<80x128xf32, #tpu.memory_space<vmem>>) target(%dma_start3A_142 : memref<10240x128xf32, #tpu.memory_space<vmem_shared>>) offsets(%dma_start3A_139 : memref<80xi32, #tpu.memory_space<vmem>>) semaphore(%run_scoped3A_136 : memref<!tpu.dma_semaphore, #tpu.memory_space<semaphore_mem>>) {add = true}
        %dma_wait3A_143 = arith.constant 0 : i32
        %dma_wait3A_144 = tpu.memref_slice %arg8[%add3A_113, %dma_wait3A_143] : memref<63x80xi32, #tpu.memory_space<vmem>> -> memref<1x80xi32, #tpu.memory_space<vmem>>
        %dma_wait3A_145 = tpu.memref_squeeze %dma_wait3A_144 : memref<1x80xi32, #tpu.memory_space<vmem>> -> memref<80xi32, #tpu.memory_space<vmem>>
        %dma_wait3A_146 = arith.constant 0 : i32
        %dma_wait3A_147 = arith.constant 0 : i32
        %dma_wait3A_148 = tpu.memref_slice %arg12[%dma_wait3A_146, %dma_wait3A_147] : memref<10240x128xf32, #tpu.memory_space<vmem_shared>> -> memref<10240x128xf32, #tpu.memory_space<vmem_shared>>
        tpu.wait_indirect_dma semaphore(%run_scoped3A_136 : memref<!tpu.dma_semaphore, #tpu.memory_space<semaphore_mem>>) src(%arg10 : memref<80x128xf32, #tpu.memory_space<vmem>>) dst(%dma_wait3A_148 : memref<10240x128xf32, #tpu.memory_space<vmem_shared>>)
        tpu.yield
      }) : () -> ()
      %add3A_120 = arith.constant 4 : i32
      %add3A_121 = arith.addi %mul3A_89, %add3A_120 : i32
      %mul3A_122 = arith.constant 80 : i32
      %mul3A_123 = arith.muli %add3A_121, %mul3A_122 : i32
      %dma_start3A_124 = tpu.memref_slice %arg7[%mul3A_123] : memref<5040xi32, #tpu.memory_space<vmem>> -> memref<80xi32, #tpu.memory_space<vmem>>
      %dma_start3A_125 = arith.constant 0 : i32
      %dma_start3A_126 = arith.constant 0 : i32
      %dma_start3A_127 = tpu.memref_slice %arg2[%dma_start3A_125, %dma_start3A_126] : memref<10000x128xf32, #tpu.memory_space<hbm>> -> memref<10000x128xf32, #tpu.memory_space<hbm>>
      tpu.enqueue_indirect_dma source(%dma_start3A_127 : memref<10000x128xf32, #tpu.memory_space<hbm>>) target(%arg10 : memref<80x128xf32, #tpu.memory_space<vmem>>) offsets(%dma_start3A_124 : memref<80xi32, #tpu.memory_space<vmem>>) semaphore(%arg14 : memref<!tpu.dma_semaphore, #tpu.memory_space<semaphore_mem>>)
      %add3A_128 = arith.constant 2 : i32
      %add3A_129 = arith.addi %mul3A_89, %add3A_128 : i32
      %mul3A_130 = arith.constant 80 : i32
      %mul3A_131 = arith.muli %add3A_129, %mul3A_130 : i32
      %dma_wait3A_132 = tpu.memref_slice %arg7[%mul3A_131] : memref<5040xi32, #tpu.memory_space<vmem>> -> memref<80xi32, #tpu.memory_space<vmem>>
      %dma_wait3A_133 = arith.constant 0 : i32
      %dma_wait3A_134 = arith.constant 0 : i32
      %dma_wait3A_135 = tpu.memref_slice %arg2[%dma_wait3A_133, %dma_wait3A_134] : memref<10000x128xf32, #tpu.memory_space<hbm>> -> memref<10000x128xf32, #tpu.memory_space<hbm>>
      tpu.wait_indirect_dma semaphore(%arg15 : memref<!tpu.dma_semaphore, #tpu.memory_space<semaphore_mem>>) src(%dma_wait3A_135 : memref<10000x128xf32, #tpu.memory_space<hbm>>) dst(%arg11 : memref<80x128xf32, #tpu.memory_space<vmem>>)
      "tpu.region"() ({
        %run_scoped3A_136 = tpu.sem_alloc : memref<!tpu.dma_semaphore, #tpu.memory_space<semaphore_mem>>
        %dma_start3A_137 = arith.constant 0 : i32
        %dma_start3A_138 = tpu.memref_slice %arg8[%add3A_129, %dma_start3A_137] : memref<63x80xi32, #tpu.memory_space<vmem>> -> memref<1x80xi32, #tpu.memory_space<vmem>>
        %dma_start3A_139 = tpu.memref_squeeze %dma_start3A_138 : memref<1x80xi32, #tpu.memory_space<vmem>> -> memref<80xi32, #tpu.memory_space<vmem>>
        %dma_start3A_140 = arith.constant 0 : i32
        %dma_start3A_141 = arith.constant 0 : i32
        %dma_start3A_142 = tpu.memref_slice %arg12[%dma_start3A_140, %dma_start3A_141] : memref<10240x128xf32, #tpu.memory_space<vmem_shared>> -> memref<10240x128xf32, #tpu.memory_space<vmem_shared>>
        tpu.enqueue_indirect_dma source(%arg11 : memref<80x128xf32, #tpu.memory_space<vmem>>) target(%dma_start3A_142 : memref<10240x128xf32, #tpu.memory_space<vmem_shared>>) offsets(%dma_start3A_139 : memref<80xi32, #tpu.memory_space<vmem>>) semaphore(%run_scoped3A_136 : memref<!tpu.dma_semaphore, #tpu.memory_space<semaphore_mem>>) {add = true}
        %dma_wait3A_143 = arith.constant 0 : i32
        %dma_wait3A_144 = tpu.memref_slice %arg8[%add3A_129, %dma_wait3A_143] : memref<63x80xi32, #tpu.memory_space<vmem>> -> memref<1x80xi32, #tpu.memory_space<vmem>>
        %dma_wait3A_145 = tpu.memref_squeeze %dma_wait3A_144 : memref<1x80xi32, #tpu.memory_space<vmem>> -> memref<80xi32, #tpu.memory_space<vmem>>
        %dma_wait3A_146 = arith.constant 0 : i32
        %dma_wait3A_147 = arith.constant 0 : i32
        %dma_wait3A_148 = tpu.memref_slice %arg12[%dma_wait3A_146, %dma_wait3A_147] : memref<10240x128xf32, #tpu.memory_space<vmem_shared>> -> memref<10240x128xf32, #tpu.memory_space<vmem_shared>>
        tpu.wait_indirect_dma semaphore(%run_scoped3A_136 : memref<!tpu.dma_semaphore, #tpu.memory_space<semaphore_mem>>) src(%arg11 : memref<80x128xf32, #tpu.memory_space<vmem>>) dst(%dma_wait3A_148 : memref<10240x128xf32, #tpu.memory_space<vmem_shared>>)
        tpu.yield
      }) : () -> ()
    }
    %scan3A_22 = arith.constant 20 : i32
    %dma_start3A_23 = arith.constant 4960 : i32
    %dma_start3A_24 = tpu.memref_slice %arg7[%dma_start3A_23] : memref<5040xi32, #tpu.memory_space<vmem>> -> memref<80xi32, #tpu.memory_space<vmem>>
    %dma_start3A_25 = arith.constant 0 : i32
    %dma_start3A_26 = arith.constant 0 : i32
    %dma_start3A_27 = tpu.memref_slice %arg2[%dma_start3A_25, %dma_start3A_26] : memref<10000x128xf32, #tpu.memory_space<hbm>> -> memref<10000x128xf32, #tpu.memory_space<hbm>>
    tpu.enqueue_indirect_dma source(%dma_start3A_27 : memref<10000x128xf32, #tpu.memory_space<hbm>>) target(%arg11 : memref<80x128xf32, #tpu.memory_space<vmem>>) offsets(%dma_start3A_24 : memref<80xi32, #tpu.memory_space<vmem>>) semaphore(%arg15 : memref<!tpu.dma_semaphore, #tpu.memory_space<semaphore_mem>>)
    %dma_wait3A = arith.constant 4800 : i32
    %dma_wait3A_28 = tpu.memref_slice %arg7[%dma_wait3A] : memref<5040xi32, #tpu.memory_space<vmem>> -> memref<80xi32, #tpu.memory_space<vmem>>
    %dma_wait3A_29 = arith.constant 0 : i32
    %dma_wait3A_30 = arith.constant 0 : i32
    %dma_wait3A_31 = tpu.memref_slice %arg2[%dma_wait3A_29, %dma_wait3A_30] : memref<10000x128xf32, #tpu.memory_space<hbm>> -> memref<10000x128xf32, #tpu.memory_space<hbm>>
    tpu.wait_indirect_dma semaphore(%arg13 : memref<!tpu.dma_semaphore, #tpu.memory_space<semaphore_mem>>) src(%dma_wait3A_31 : memref<10000x128xf32, #tpu.memory_space<hbm>>) dst(%arg9 : memref<80x128xf32, #tpu.memory_space<vmem>>)
    %run_scoped3A_32 = arith.constant 60 : i32
    "tpu.region"() ({
      %run_scoped3A_83 = tpu.sem_alloc : memref<!tpu.dma_semaphore, #tpu.memory_space<semaphore_mem>>
      %dma_start3A_84 = arith.constant 0 : i32
      %dma_start3A_85 = tpu.memref_slice %arg8[%run_scoped3A_32, %dma_start3A_84] : memref<63x80xi32, #tpu.memory_space<vmem>> -> memref<1x80xi32, #tpu.memory_space<vmem>>
      %dma_start3A_86 = tpu.memref_squeeze %dma_start3A_85 : memref<1x80xi32, #tpu.memory_space<vmem>> -> memref<80xi32, #tpu.memory_space<vmem>>
      %dma_start3A_87 = arith.constant 0 : i32
      %dma_start3A_88 = arith.constant 0 : i32
      %dma_start3A_89 = tpu.memref_slice %arg12[%dma_start3A_87, %dma_start3A_88] : memref<10240x128xf32, #tpu.memory_space<vmem_shared>> -> memref<10240x128xf32, #tpu.memory_space<vmem_shared>>
      tpu.enqueue_indirect_dma source(%arg9 : memref<80x128xf32, #tpu.memory_space<vmem>>) target(%dma_start3A_89 : memref<10240x128xf32, #tpu.memory_space<vmem_shared>>) offsets(%dma_start3A_86 : memref<80xi32, #tpu.memory_space<vmem>>) semaphore(%run_scoped3A_83 : memref<!tpu.dma_semaphore, #tpu.memory_space<semaphore_mem>>) {add = true}
      %dma_wait3A_90 = arith.constant 0 : i32
      %dma_wait3A_91 = tpu.memref_slice %arg8[%run_scoped3A_32, %dma_wait3A_90] : memref<63x80xi32, #tpu.memory_space<vmem>> -> memref<1x80xi32, #tpu.memory_space<vmem>>
      %dma_wait3A_92 = tpu.memref_squeeze %dma_wait3A_91 : memref<1x80xi32, #tpu.memory_space<vmem>> -> memref<80xi32, #tpu.memory_space<vmem>>
      %dma_wait3A_93 = arith.constant 0 : i32
      %dma_wait3A_94 = arith.constant 0 : i32
      %dma_wait3A_95 = tpu.memref_slice %arg12[%dma_wait3A_93, %dma_wait3A_94] : memref<10240x128xf32, #tpu.memory_space<vmem_shared>> -> memref<10240x128xf32, #tpu.memory_space<vmem_shared>>
      tpu.wait_indirect_dma semaphore(%run_scoped3A_83 : memref<!tpu.dma_semaphore, #tpu.memory_space<semaphore_mem>>) src(%arg9 : memref<80x128xf32, #tpu.memory_space<vmem>>) dst(%dma_wait3A_95 : memref<10240x128xf32, #tpu.memory_space<vmem_shared>>)
      tpu.yield
    }) : () -> ()
    %dma_wait3A_33 = arith.constant 4880 : i32
    %dma_wait3A_34 = tpu.memref_slice %arg7[%dma_wait3A_33] : memref<5040xi32, #tpu.memory_space<vmem>> -> memref<80xi32, #tpu.memory_space<vmem>>
    %dma_wait3A_35 = arith.constant 0 : i32
    %dma_wait3A_36 = arith.constant 0 : i32
    %dma_wait3A_37 = tpu.memref_slice %arg2[%dma_wait3A_35, %dma_wait3A_36] : memref<10000x128xf32, #tpu.memory_space<hbm>> -> memref<10000x128xf32, #tpu.memory_space<hbm>>
    tpu.wait_indirect_dma semaphore(%arg14 : memref<!tpu.dma_semaphore, #tpu.memory_space<semaphore_mem>>) src(%dma_wait3A_37 : memref<10000x128xf32, #tpu.memory_space<hbm>>) dst(%arg10 : memref<80x128xf32, #tpu.memory_space<vmem>>)
    %run_scoped3A_38 = arith.constant 61 : i32
    "tpu.region"() ({
      %run_scoped3A_83 = tpu.sem_alloc : memref<!tpu.dma_semaphore, #tpu.memory_space<semaphore_mem>>
      %dma_start3A_84 = arith.constant 0 : i32
      %dma_start3A_85 = tpu.memref_slice %arg8[%run_scoped3A_38, %dma_start3A_84] : memref<63x80xi32, #tpu.memory_space<vmem>> -> memref<1x80xi32, #tpu.memory_space<vmem>>
      %dma_start3A_86 = tpu.memref_squeeze %dma_start3A_85 : memref<1x80xi32, #tpu.memory_space<vmem>> -> memref<80xi32, #tpu.memory_space<vmem>>
      %dma_start3A_87 = arith.constant 0 : i32
      %dma_start3A_88 = arith.constant 0 : i32
      %dma_start3A_89 = tpu.memref_slice %arg12[%dma_start3A_87, %dma_start3A_88] : memref<10240x128xf32, #tpu.memory_space<vmem_shared>> -> memref<10240x128xf32, #tpu.memory_space<vmem_shared>>
      tpu.enqueue_indirect_dma source(%arg10 : memref<80x128xf32, #tpu.memory_space<vmem>>) target(%dma_start3A_89 : memref<10240x128xf32, #tpu.memory_space<vmem_shared>>) offsets(%dma_start3A_86 : memref<80xi32, #tpu.memory_space<vmem>>) semaphore(%run_scoped3A_83 : memref<!tpu.dma_semaphore, #tpu.memory_space<semaphore_mem>>) {add = true}
      %dma_wait3A_90 = arith.constant 0 : i32
      %dma_wait3A_91 = tpu.memref_slice %arg8[%run_scoped3A_38, %dma_wait3A_90] : memref<63x80xi32, #tpu.memory_space<vmem>> -> memref<1x80xi32, #tpu.memory_space<vmem>>
      %dma_wait3A_92 = tpu.memref_squeeze %dma_wait3A_91 : memref<1x80xi32, #tpu.memory_space<vmem>> -> memref<80xi32, #tpu.memory_space<vmem>>
      %dma_wait3A_93 = arith.constant 0 : i32
      %dma_wait3A_94 = arith.constant 0 : i32
      %dma_wait3A_95 = tpu.memref_slice %arg12[%dma_wait3A_93, %dma_wait3A_94] : memref<10240x128xf32, #tpu.memory_space<vmem_shared>> -> memref<10240x128xf32, #tpu.memory_space<vmem_shared>>
      tpu.wait_indirect_dma semaphore(%run_scoped3A_83 : memref<!tpu.dma_semaphore, #tpu.memory_space<semaphore_mem>>) src(%arg10 : memref<80x128xf32, #tpu.memory_space<vmem>>) dst(%dma_wait3A_95 : memref<10240x128xf32, #tpu.memory_space<vmem_shared>>)
      tpu.yield
    }) : () -> ()
    %dma_wait3A_39 = arith.constant 4960 : i32
    %dma_wait3A_40 = tpu.memref_slice %arg7[%dma_wait3A_39] : memref<5040xi32, #tpu.memory_space<vmem>> -> memref<80xi32, #tpu.memory_space<vmem>>
    %dma_wait3A_41 = arith.constant 0 : i32
    %dma_wait3A_42 = arith.constant 0 : i32
    %dma_wait3A_43 = tpu.memref_slice %arg2[%dma_wait3A_41, %dma_wait3A_42] : memref<10000x128xf32, #tpu.memory_space<hbm>> -> memref<10000x128xf32, #tpu.memory_space<hbm>>
    tpu.wait_indirect_dma semaphore(%arg15 : memref<!tpu.dma_semaphore, #tpu.memory_space<semaphore_mem>>) src(%dma_wait3A_43 : memref<10000x128xf32, #tpu.memory_space<hbm>>) dst(%arg11 : memref<80x128xf32, #tpu.memory_space<vmem>>)
    %run_scoped3A_44 = arith.constant 62 : i32
    "tpu.region"() ({
      %run_scoped3A_83 = tpu.sem_alloc : memref<!tpu.dma_semaphore, #tpu.memory_space<semaphore_mem>>
      %dma_start3A_84 = arith.constant 0 : i32
      %dma_start3A_85 = tpu.memref_slice %arg8[%run_scoped3A_44, %dma_start3A_84] : memref<63x80xi32, #tpu.memory_space<vmem>> -> memref<1x80xi32, #tpu.memory_space<vmem>>
      %dma_start3A_86 = tpu.memref_squeeze %dma_start3A_85 : memref<1x80xi32, #tpu.memory_space<vmem>> -> memref<80xi32, #tpu.memory_space<vmem>>
      %dma_start3A_87 = arith.constant 0 : i32
      %dma_start3A_88 = arith.constant 0 : i32
      %dma_start3A_89 = tpu.memref_slice %arg12[%dma_start3A_87, %dma_start3A_88] : memref<10240x128xf32, #tpu.memory_space<vmem_shared>> -> memref<10240x128xf32, #tpu.memory_space<vmem_shared>>
      tpu.enqueue_indirect_dma source(%arg11 : memref<80x128xf32, #tpu.memory_space<vmem>>) target(%dma_start3A_89 : memref<10240x128xf32, #tpu.memory_space<vmem_shared>>) offsets(%dma_start3A_86 : memref<80xi32, #tpu.memory_space<vmem>>) semaphore(%run_scoped3A_83 : memref<!tpu.dma_semaphore, #tpu.memory_space<semaphore_mem>>) {add = true}
      %dma_wait3A_90 = arith.constant 0 : i32
      %dma_wait3A_91 = tpu.memref_slice %arg8[%run_scoped3A_44, %dma_wait3A_90] : memref<63x80xi32, #tpu.memory_space<vmem>> -> memref<1x80xi32, #tpu.memory_space<vmem>>
      %dma_wait3A_92 = tpu.memref_squeeze %dma_wait3A_91 : memref<1x80xi32, #tpu.memory_space<vmem>> -> memref<80xi32, #tpu.memory_space<vmem>>
      %dma_wait3A_93 = arith.constant 0 : i32
      %dma_wait3A_94 = arith.constant 0 : i32
      %dma_wait3A_95 = tpu.memref_slice %arg12[%dma_wait3A_93, %dma_wait3A_94] : memref<10240x128xf32, #tpu.memory_space<vmem_shared>> -> memref<10240x128xf32, #tpu.memory_space<vmem_shared>>
      tpu.wait_indirect_dma semaphore(%run_scoped3A_83 : memref<!tpu.dma_semaphore, #tpu.memory_space<semaphore_mem>>) src(%arg11 : memref<80x128xf32, #tpu.memory_space<vmem>>) dst(%dma_wait3A_95 : memref<10240x128xf32, #tpu.memory_space<vmem_shared>>)
      tpu.yield
    }) : () -> ()
    %mul3A_45 = arith.constant 10000 : i32
    %mul3A_46 = arith.muli %add3A, %mul3A_45 : i32
    %add3A_47 = arith.constant 5040 : i32
    %add3A_48 = arith.addi %mul3A_46, %add3A_47 : i32
    "tpu.region"() ({
      %run_scoped3A_83 = tpu.sem_alloc : memref<!tpu.dma_semaphore, #tpu.memory_space<semaphore_mem>>
      %dma_start3A_84 = tpu.memref_slice %arg3[%add3A_48] : memref<322560xi32, #tpu.memory_space<hbm>> -> memref<5040xi32, #tpu.memory_space<hbm>>
      %dma_start3A_85 = tpu.memref_slice %arg3[%add3A_48] : memref<322560xi32, #tpu.memory_space<hbm>> -> memref<5040xi32, #tpu.memory_space<hbm>>
      tpu.enqueue_dma source(%dma_start3A_85 : memref<5040xi32, #tpu.memory_space<hbm>>) target(%arg7 : memref<5040xi32, #tpu.memory_space<vmem>>) target_semaphore(%run_scoped3A_83 : memref<!tpu.dma_semaphore, #tpu.memory_space<semaphore_mem>>)
      %dma_wait3A_86 = tpu.memref_slice %arg3[%add3A_48] : memref<322560xi32, #tpu.memory_space<hbm>> -> memref<5040xi32, #tpu.memory_space<hbm>>
      %dma_wait3A_87 = tpu.memref_slice %arg3[%add3A_48] : memref<322560xi32, #tpu.memory_space<hbm>> -> memref<5040xi32, #tpu.memory_space<hbm>>
      tpu.wait_dma2 semaphore(%run_scoped3A_83 : memref<!tpu.dma_semaphore, #tpu.memory_space<semaphore_mem>>) src(%dma_wait3A_87 : memref<5040xi32, #tpu.memory_space<hbm>>) dst(%arg7 : memref<5040xi32, #tpu.memory_space<vmem>>)
      tpu.yield
    }) : () -> ()
    %run_scoped3A_49 = arith.constant 1 : i32
    "tpu.region"() ({
      %run_scoped3A_83 = tpu.sem_alloc : memref<!tpu.dma_semaphore, #tpu.memory_space<semaphore_mem>>
      %dma_start3A_84 = arith.constant 0 : i32
      %dma_start3A_85 = arith.constant 0 : i32
      %dma_start3A_86 = tpu.memref_slice %arg4[%add3A, %run_scoped3A_49, %dma_start3A_84, %dma_start3A_85] : memref<32x2x63x80xi32, #tpu.memory_space<hbm>> -> memref<1x1x63x80xi32, #tpu.memory_space<hbm>>
      %dma_start3A_87 = tpu.memref_squeeze %dma_start3A_86 : memref<1x1x63x80xi32, #tpu.memory_space<hbm>> -> memref<63x80xi32, #tpu.memory_space<hbm>>
      %dma_start3A_88 = arith.constant 0 : i32
      %dma_start3A_89 = arith.constant 0 : i32
      %dma_start3A_90 = tpu.memref_slice %arg4[%add3A, %run_scoped3A_49, %dma_start3A_88, %dma_start3A_89] : memref<32x2x63x80xi32, #tpu.memory_space<hbm>> -> memref<1x1x63x80xi32, #tpu.memory_space<hbm>>
      %dma_start3A_91 = tpu.memref_squeeze %dma_start3A_90 : memref<1x1x63x80xi32, #tpu.memory_space<hbm>> -> memref<63x80xi32, #tpu.memory_space<hbm>>
      tpu.enqueue_dma source(%dma_start3A_91 : memref<63x80xi32, #tpu.memory_space<hbm>>) target(%arg8 : memref<63x80xi32, #tpu.memory_space<vmem>>) target_semaphore(%run_scoped3A_83 : memref<!tpu.dma_semaphore, #tpu.memory_space<semaphore_mem>>)
      %dma_wait3A_92 = arith.constant 0 : i32
      %dma_wait3A_93 = arith.constant 0 : i32
      %dma_wait3A_94 = tpu.memref_slice %arg4[%add3A, %run_scoped3A_49, %dma_wait3A_92, %dma_wait3A_93] : memref<32x2x63x80xi32, #tpu.memory_space<hbm>> -> memref<1x1x63x80xi32, #tpu.memory_space<hbm>>
      %dma_wait3A_95 = tpu.memref_squeeze %dma_wait3A_94 : memref<1x1x63x80xi32, #tpu.memory_space<hbm>> -> memref<63x80xi32, #tpu.memory_space<hbm>>
      %dma_wait3A_96 = arith.constant 0 : i32
      %dma_wait3A_97 = arith.constant 0 : i32
      %dma_wait3A_98 = tpu.memref_slice %arg4[%add3A, %run_scoped3A_49, %dma_wait3A_96, %dma_wait3A_97] : memref<32x2x63x80xi32, #tpu.memory_space<hbm>> -> memref<1x1x63x80xi32, #tpu.memory_space<hbm>>
      %dma_wait3A_99 = tpu.memref_squeeze %dma_wait3A_98 : memref<1x1x63x80xi32, #tpu.memory_space<hbm>> -> memref<63x80xi32, #tpu.memory_space<hbm>>
      tpu.wait_dma2 semaphore(%run_scoped3A_83 : memref<!tpu.dma_semaphore, #tpu.memory_space<semaphore_mem>>) src(%dma_wait3A_99 : memref<63x80xi32, #tpu.memory_space<hbm>>) dst(%arg8 : memref<63x80xi32, #tpu.memory_space<vmem>>)
      tpu.yield
    }) : () -> ()
    %dma_start3A_50 = arith.constant 0 : i32
    %dma_start3A_51 = tpu.memref_slice %arg7[%dma_start3A_50] : memref<5040xi32, #tpu.memory_space<vmem>> -> memref<80xi32, #tpu.memory_space<vmem>>
    %dma_start3A_52 = arith.constant 0 : i32
    %dma_start3A_53 = arith.constant 0 : i32
    %dma_start3A_54 = tpu.memref_slice %arg2[%dma_start3A_52, %dma_start3A_53] : memref<10000x128xf32, #tpu.memory_space<hbm>> -> memref<10000x128xf32, #tpu.memory_space<hbm>>
    tpu.enqueue_indirect_dma source(%dma_start3A_54 : memref<10000x128xf32, #tpu.memory_space<hbm>>) target(%arg9 : memref<80x128xf32, #tpu.memory_space<vmem>>) offsets(%dma_start3A_51 : memref<80xi32, #tpu.memory_space<vmem>>) semaphore(%arg13 : memref<!tpu.dma_semaphore, #tpu.memory_space<semaphore_mem>>)
    %dma_start3A_55 = arith.constant 80 : i32
    %dma_start3A_56 = tpu.memref_slice %arg7[%dma_start3A_55] : memref<5040xi32, #tpu.memory_space<vmem>> -> memref<80xi32, #tpu.memory_space<vmem>>
    %dma_start3A_57 = arith.constant 0 : i32
    %dma_start3A_58 = arith.constant 0 : i32
    %dma_start3A_59 = tpu.memref_slice %arg2[%dma_start3A_57, %dma_start3A_58] : memref<10000x128xf32, #tpu.memory_space<hbm>> -> memref<10000x128xf32, #tpu.memory_space<hbm>>
    tpu.enqueue_indirect_dma source(%dma_start3A_59 : memref<10000x128xf32, #tpu.memory_space<hbm>>) target(%arg10 : memref<80x128xf32, #tpu.memory_space<vmem>>) offsets(%dma_start3A_56 : memref<80xi32, #tpu.memory_space<vmem>>) semaphore(%arg14 : memref<!tpu.dma_semaphore, #tpu.memory_space<semaphore_mem>>)
    %scan3A_60 = arith.constant 0 : i32
    %scan3A_61 = arith.constant 20 : i32
    %scan3A_62 = arith.addi %scan3A_60, %scan3A_61 : i32
    %scan3A_63 = arith.constant 1 : i32
    scf.for %scan3A_83 = %scan3A_60 to %scan3A_62 step %scan3A_63  : i32 {
      %mul3A_84 = arith.constant 1 : i32
      %mul3A_85 = arith.muli %scan3A_83, %mul3A_84 : i32
      %add3A_86 = arith.constant 0 : i32
      %add3A_87 = arith.addi %add3A_86, %mul3A_85 : i32
      %mul3A_88 = arith.constant 3 : i32
      %mul3A_89 = arith.muli %mul3A_88, %add3A_87 : i32
      %add3A_90 = arith.constant 2 : i32
      %add3A_91 = arith.addi %mul3A_89, %add3A_90 : i32
      %mul3A_92 = arith.constant 80 : i32
      %mul3A_93 = arith.muli %add3A_91, %mul3A_92 : i32
      %dma_start3A_94 = tpu.memref_slice %arg7[%mul3A_93] : memref<5040xi32, #tpu.memory_space<vmem>> -> memref<80xi32, #tpu.memory_space<vmem>>
      %dma_start3A_95 = arith.constant 0 : i32
      %dma_start3A_96 = arith.constant 0 : i32
      %dma_start3A_97 = tpu.memref_slice %arg2[%dma_start3A_95, %dma_start3A_96] : memref<10000x128xf32, #tpu.memory_space<hbm>> -> memref<10000x128xf32, #tpu.memory_space<hbm>>
      tpu.enqueue_indirect_dma source(%dma_start3A_97 : memref<10000x128xf32, #tpu.memory_space<hbm>>) target(%arg11 : memref<80x128xf32, #tpu.memory_space<vmem>>) offsets(%dma_start3A_94 : memref<80xi32, #tpu.memory_space<vmem>>) semaphore(%arg15 : memref<!tpu.dma_semaphore, #tpu.memory_space<semaphore_mem>>)
      %mul3A_98 = arith.constant 80 : i32
      %mul3A_99 = arith.muli %mul3A_89, %mul3A_98 : i32
      %dma_wait3A_100 = tpu.memref_slice %arg7[%mul3A_99] : memref<5040xi32, #tpu.memory_space<vmem>> -> memref<80xi32, #tpu.memory_space<vmem>>
      %dma_wait3A_101 = arith.constant 0 : i32
      %dma_wait3A_102 = arith.constant 0 : i32
      %dma_wait3A_103 = tpu.memref_slice %arg2[%dma_wait3A_101, %dma_wait3A_102] : memref<10000x128xf32, #tpu.memory_space<hbm>> -> memref<10000x128xf32, #tpu.memory_space<hbm>>
      tpu.wait_indirect_dma semaphore(%arg13 : memref<!tpu.dma_semaphore, #tpu.memory_space<semaphore_mem>>) src(%dma_wait3A_103 : memref<10000x128xf32, #tpu.memory_space<hbm>>) dst(%arg9 : memref<80x128xf32, #tpu.memory_space<vmem>>)
      "tpu.region"() ({
        %run_scoped3A_136 = tpu.sem_alloc : memref<!tpu.dma_semaphore, #tpu.memory_space<semaphore_mem>>
        %dma_start3A_137 = arith.constant 0 : i32
        %dma_start3A_138 = tpu.memref_slice %arg8[%mul3A_89, %dma_start3A_137] : memref<63x80xi32, #tpu.memory_space<vmem>> -> memref<1x80xi32, #tpu.memory_space<vmem>>
        %dma_start3A_139 = tpu.memref_squeeze %dma_start3A_138 : memref<1x80xi32, #tpu.memory_space<vmem>> -> memref<80xi32, #tpu.memory_space<vmem>>
        %dma_start3A_140 = arith.constant 0 : i32
        %dma_start3A_141 = arith.constant 0 : i32
        %dma_start3A_142 = tpu.memref_slice %arg12[%dma_start3A_140, %dma_start3A_141] : memref<10240x128xf32, #tpu.memory_space<vmem_shared>> -> memref<10240x128xf32, #tpu.memory_space<vmem_shared>>
        tpu.enqueue_indirect_dma source(%arg9 : memref<80x128xf32, #tpu.memory_space<vmem>>) target(%dma_start3A_142 : memref<10240x128xf32, #tpu.memory_space<vmem_shared>>) offsets(%dma_start3A_139 : memref<80xi32, #tpu.memory_space<vmem>>) semaphore(%run_scoped3A_136 : memref<!tpu.dma_semaphore, #tpu.memory_space<semaphore_mem>>) {add = true}
        %dma_wait3A_143 = arith.constant 0 : i32
        %dma_wait3A_144 = tpu.memref_slice %arg8[%mul3A_89, %dma_wait3A_143] : memref<63x80xi32, #tpu.memory_space<vmem>> -> memref<1x80xi32, #tpu.memory_space<vmem>>
        %dma_wait3A_145 = tpu.memref_squeeze %dma_wait3A_144 : memref<1x80xi32, #tpu.memory_space<vmem>> -> memref<80xi32, #tpu.memory_space<vmem>>
        %dma_wait3A_146 = arith.constant 0 : i32
        %dma_wait3A_147 = arith.constant 0 : i32
        %dma_wait3A_148 = tpu.memref_slice %arg12[%dma_wait3A_146, %dma_wait3A_147] : memref<10240x128xf32, #tpu.memory_space<vmem_shared>> -> memref<10240x128xf32, #tpu.memory_space<vmem_shared>>
        tpu.wait_indirect_dma semaphore(%run_scoped3A_136 : memref<!tpu.dma_semaphore, #tpu.memory_space<semaphore_mem>>) src(%arg9 : memref<80x128xf32, #tpu.memory_space<vmem>>) dst(%dma_wait3A_148 : memref<10240x128xf32, #tpu.memory_space<vmem_shared>>)
        tpu.yield
      }) : () -> ()
      %add3A_104 = arith.constant 3 : i32
      %add3A_105 = arith.addi %mul3A_89, %add3A_104 : i32
      %mul3A_106 = arith.constant 80 : i32
      %mul3A_107 = arith.muli %add3A_105, %mul3A_106 : i32
      %dma_start3A_108 = tpu.memref_slice %arg7[%mul3A_107] : memref<5040xi32, #tpu.memory_space<vmem>> -> memref<80xi32, #tpu.memory_space<vmem>>
      %dma_start3A_109 = arith.constant 0 : i32
      %dma_start3A_110 = arith.constant 0 : i32
      %dma_start3A_111 = tpu.memref_slice %arg2[%dma_start3A_109, %dma_start3A_110] : memref<10000x128xf32, #tpu.memory_space<hbm>> -> memref<10000x128xf32, #tpu.memory_space<hbm>>
      tpu.enqueue_indirect_dma source(%dma_start3A_111 : memref<10000x128xf32, #tpu.memory_space<hbm>>) target(%arg9 : memref<80x128xf32, #tpu.memory_space<vmem>>) offsets(%dma_start3A_108 : memref<80xi32, #tpu.memory_space<vmem>>) semaphore(%arg13 : memref<!tpu.dma_semaphore, #tpu.memory_space<semaphore_mem>>)
      %add3A_112 = arith.constant 1 : i32
      %add3A_113 = arith.addi %mul3A_89, %add3A_112 : i32
      %mul3A_114 = arith.constant 80 : i32
      %mul3A_115 = arith.muli %add3A_113, %mul3A_114 : i32
      %dma_wait3A_116 = tpu.memref_slice %arg7[%mul3A_115] : memref<5040xi32, #tpu.memory_space<vmem>> -> memref<80xi32, #tpu.memory_space<vmem>>
      %dma_wait3A_117 = arith.constant 0 : i32
      %dma_wait3A_118 = arith.constant 0 : i32
      %dma_wait3A_119 = tpu.memref_slice %arg2[%dma_wait3A_117, %dma_wait3A_118] : memref<10000x128xf32, #tpu.memory_space<hbm>> -> memref<10000x128xf32, #tpu.memory_space<hbm>>
      tpu.wait_indirect_dma semaphore(%arg14 : memref<!tpu.dma_semaphore, #tpu.memory_space<semaphore_mem>>) src(%dma_wait3A_119 : memref<10000x128xf32, #tpu.memory_space<hbm>>) dst(%arg10 : memref<80x128xf32, #tpu.memory_space<vmem>>)
      "tpu.region"() ({
        %run_scoped3A_136 = tpu.sem_alloc : memref<!tpu.dma_semaphore, #tpu.memory_space<semaphore_mem>>
        %dma_start3A_137 = arith.constant 0 : i32
        %dma_start3A_138 = tpu.memref_slice %arg8[%add3A_113, %dma_start3A_137] : memref<63x80xi32, #tpu.memory_space<vmem>> -> memref<1x80xi32, #tpu.memory_space<vmem>>
        %dma_start3A_139 = tpu.memref_squeeze %dma_start3A_138 : memref<1x80xi32, #tpu.memory_space<vmem>> -> memref<80xi32, #tpu.memory_space<vmem>>
        %dma_start3A_140 = arith.constant 0 : i32
        %dma_start3A_141 = arith.constant 0 : i32
        %dma_start3A_142 = tpu.memref_slice %arg12[%dma_start3A_140, %dma_start3A_141] : memref<10240x128xf32, #tpu.memory_space<vmem_shared>> -> memref<10240x128xf32, #tpu.memory_space<vmem_shared>>
        tpu.enqueue_indirect_dma source(%arg10 : memref<80x128xf32, #tpu.memory_space<vmem>>) target(%dma_start3A_142 : memref<10240x128xf32, #tpu.memory_space<vmem_shared>>) offsets(%dma_start3A_139 : memref<80xi32, #tpu.memory_space<vmem>>) semaphore(%run_scoped3A_136 : memref<!tpu.dma_semaphore, #tpu.memory_space<semaphore_mem>>) {add = true}
        %dma_wait3A_143 = arith.constant 0 : i32
        %dma_wait3A_144 = tpu.memref_slice %arg8[%add3A_113, %dma_wait3A_143] : memref<63x80xi32, #tpu.memory_space<vmem>> -> memref<1x80xi32, #tpu.memory_space<vmem>>
        %dma_wait3A_145 = tpu.memref_squeeze %dma_wait3A_144 : memref<1x80xi32, #tpu.memory_space<vmem>> -> memref<80xi32, #tpu.memory_space<vmem>>
        %dma_wait3A_146 = arith.constant 0 : i32
        %dma_wait3A_147 = arith.constant 0 : i32
        %dma_wait3A_148 = tpu.memref_slice %arg12[%dma_wait3A_146, %dma_wait3A_147] : memref<10240x128xf32, #tpu.memory_space<vmem_shared>> -> memref<10240x128xf32, #tpu.memory_space<vmem_shared>>
        tpu.wait_indirect_dma semaphore(%run_scoped3A_136 : memref<!tpu.dma_semaphore, #tpu.memory_space<semaphore_mem>>) src(%arg10 : memref<80x128xf32, #tpu.memory_space<vmem>>) dst(%dma_wait3A_148 : memref<10240x128xf32, #tpu.memory_space<vmem_shared>>)
        tpu.yield
      }) : () -> ()
      %add3A_120 = arith.constant 4 : i32
      %add3A_121 = arith.addi %mul3A_89, %add3A_120 : i32
      %mul3A_122 = arith.constant 80 : i32
      %mul3A_123 = arith.muli %add3A_121, %mul3A_122 : i32
      %dma_start3A_124 = tpu.memref_slice %arg7[%mul3A_123] : memref<5040xi32, #tpu.memory_space<vmem>> -> memref<80xi32, #tpu.memory_space<vmem>>
      %dma_start3A_125 = arith.constant 0 : i32
      %dma_start3A_126 = arith.constant 0 : i32
      %dma_start3A_127 = tpu.memref_slice %arg2[%dma_start3A_125, %dma_start3A_126] : memref<10000x128xf32, #tpu.memory_space<hbm>> -> memref<10000x128xf32, #tpu.memory_space<hbm>>
      tpu.enqueue_indirect_dma source(%dma_start3A_127 : memref<10000x128xf32, #tpu.memory_space<hbm>>) target(%arg10 : memref<80x128xf32, #tpu.memory_space<vmem>>) offsets(%dma_start3A_124 : memref<80xi32, #tpu.memory_space<vmem>>) semaphore(%arg14 : memref<!tpu.dma_semaphore, #tpu.memory_space<semaphore_mem>>)
      %add3A_128 = arith.constant 2 : i32
      %add3A_129 = arith.addi %mul3A_89, %add3A_128 : i32
      %mul3A_130 = arith.constant 80 : i32
      %mul3A_131 = arith.muli %add3A_129, %mul3A_130 : i32
      %dma_wait3A_132 = tpu.memref_slice %arg7[%mul3A_131] : memref<5040xi32, #tpu.memory_space<vmem>> -> memref<80xi32, #tpu.memory_space<vmem>>
      %dma_wait3A_133 = arith.constant 0 : i32
      %dma_wait3A_134 = arith.constant 0 : i32
      %dma_wait3A_135 = tpu.memref_slice %arg2[%dma_wait3A_133, %dma_wait3A_134] : memref<10000x128xf32, #tpu.memory_space<hbm>> -> memref<10000x128xf32, #tpu.memory_space<hbm>>
      tpu.wait_indirect_dma semaphore(%arg15 : memref<!tpu.dma_semaphore, #tpu.memory_space<semaphore_mem>>) src(%dma_wait3A_135 : memref<10000x128xf32, #tpu.memory_space<hbm>>) dst(%arg11 : memref<80x128xf32, #tpu.memory_space<vmem>>)
      "tpu.region"() ({
        %run_scoped3A_136 = tpu.sem_alloc : memref<!tpu.dma_semaphore, #tpu.memory_space<semaphore_mem>>
        %dma_start3A_137 = arith.constant 0 : i32
        %dma_start3A_138 = tpu.memref_slice %arg8[%add3A_129, %dma_start3A_137] : memref<63x80xi32, #tpu.memory_space<vmem>> -> memref<1x80xi32, #tpu.memory_space<vmem>>
        %dma_start3A_139 = tpu.memref_squeeze %dma_start3A_138 : memref<1x80xi32, #tpu.memory_space<vmem>> -> memref<80xi32, #tpu.memory_space<vmem>>
        %dma_start3A_140 = arith.constant 0 : i32
        %dma_start3A_141 = arith.constant 0 : i32
        %dma_start3A_142 = tpu.memref_slice %arg12[%dma_start3A_140, %dma_start3A_141] : memref<10240x128xf32, #tpu.memory_space<vmem_shared>> -> memref<10240x128xf32, #tpu.memory_space<vmem_shared>>
        tpu.enqueue_indirect_dma source(%arg11 : memref<80x128xf32, #tpu.memory_space<vmem>>) target(%dma_start3A_142 : memref<10240x128xf32, #tpu.memory_space<vmem_shared>>) offsets(%dma_start3A_139 : memref<80xi32, #tpu.memory_space<vmem>>) semaphore(%run_scoped3A_136 : memref<!tpu.dma_semaphore, #tpu.memory_space<semaphore_mem>>) {add = true}
        %dma_wait3A_143 = arith.constant 0 : i32
        %dma_wait3A_144 = tpu.memref_slice %arg8[%add3A_129, %dma_wait3A_143] : memref<63x80xi32, #tpu.memory_space<vmem>> -> memref<1x80xi32, #tpu.memory_space<vmem>>
        %dma_wait3A_145 = tpu.memref_squeeze %dma_wait3A_144 : memref<1x80xi32, #tpu.memory_space<vmem>> -> memref<80xi32, #tpu.memory_space<vmem>>
        %dma_wait3A_146 = arith.constant 0 : i32
        %dma_wait3A_147 = arith.constant 0 : i32
        %dma_wait3A_148 = tpu.memref_slice %arg12[%dma_wait3A_146, %dma_wait3A_147] : memref<10240x128xf32, #tpu.memory_space<vmem_shared>> -> memref<10240x128xf32, #tpu.memory_space<vmem_shared>>
        tpu.wait_indirect_dma semaphore(%run_scoped3A_136 : memref<!tpu.dma_semaphore, #tpu.memory_space<semaphore_mem>>) src(%arg11 : memref<80x128xf32, #tpu.memory_space<vmem>>) dst(%dma_wait3A_148 : memref<10240x128xf32, #tpu.memory_space<vmem_shared>>)
        tpu.yield
      }) : () -> ()
    }
    %scan3A_64 = arith.constant 20 : i32
    %dma_wait3A_65 = arith.constant 4800 : i32
    %dma_wait3A_66 = tpu.memref_slice %arg7[%dma_wait3A_65] : memref<5040xi32, #tpu.memory_space<vmem>> -> memref<80xi32, #tpu.memory_space<vmem>>
    %dma_wait3A_67 = arith.constant 0 : i32
    %dma_wait3A_68 = arith.constant 0 : i32
    %dma_wait3A_69 = tpu.memref_slice %arg2[%dma_wait3A_67, %dma_wait3A_68] : memref<10000x128xf32, #tpu.memory_space<hbm>> -> memref<10000x128xf32, #tpu.memory_space<hbm>>
    tpu.wait_indirect_dma semaphore(%arg13 : memref<!tpu.dma_semaphore, #tpu.memory_space<semaphore_mem>>) src(%dma_wait3A_69 : memref<10000x128xf32, #tpu.memory_space<hbm>>) dst(%arg9 : memref<80x128xf32, #tpu.memory_space<vmem>>)
    %run_scoped3A_70 = arith.constant 60 : i32
    "tpu.region"() ({
      %run_scoped3A_83 = tpu.sem_alloc : memref<!tpu.dma_semaphore, #tpu.memory_space<semaphore_mem>>
      %dma_start3A_84 = arith.constant 0 : i32
      %dma_start3A_85 = tpu.memref_slice %arg8[%run_scoped3A_70, %dma_start3A_84] : memref<63x80xi32, #tpu.memory_space<vmem>> -> memref<1x80xi32, #tpu.memory_space<vmem>>
      %dma_start3A_86 = tpu.memref_squeeze %dma_start3A_85 : memref<1x80xi32, #tpu.memory_space<vmem>> -> memref<80xi32, #tpu.memory_space<vmem>>
      %dma_start3A_87 = arith.constant 0 : i32
      %dma_start3A_88 = arith.constant 0 : i32
      %dma_start3A_89 = tpu.memref_slice %arg12[%dma_start3A_87, %dma_start3A_88] : memref<10240x128xf32, #tpu.memory_space<vmem_shared>> -> memref<10240x128xf32, #tpu.memory_space<vmem_shared>>
      tpu.enqueue_indirect_dma source(%arg9 : memref<80x128xf32, #tpu.memory_space<vmem>>) target(%dma_start3A_89 : memref<10240x128xf32, #tpu.memory_space<vmem_shared>>) offsets(%dma_start3A_86 : memref<80xi32, #tpu.memory_space<vmem>>) semaphore(%run_scoped3A_83 : memref<!tpu.dma_semaphore, #tpu.memory_space<semaphore_mem>>) {add = true}
      %dma_wait3A_90 = arith.constant 0 : i32
      %dma_wait3A_91 = tpu.memref_slice %arg8[%run_scoped3A_70, %dma_wait3A_90] : memref<63x80xi32, #tpu.memory_space<vmem>> -> memref<1x80xi32, #tpu.memory_space<vmem>>
      %dma_wait3A_92 = tpu.memref_squeeze %dma_wait3A_91 : memref<1x80xi32, #tpu.memory_space<vmem>> -> memref<80xi32, #tpu.memory_space<vmem>>
      %dma_wait3A_93 = arith.constant 0 : i32
      %dma_wait3A_94 = arith.constant 0 : i32
      %dma_wait3A_95 = tpu.memref_slice %arg12[%dma_wait3A_93, %dma_wait3A_94] : memref<10240x128xf32, #tpu.memory_space<vmem_shared>> -> memref<10240x128xf32, #tpu.memory_space<vmem_shared>>
      tpu.wait_indirect_dma semaphore(%run_scoped3A_83 : memref<!tpu.dma_semaphore, #tpu.memory_space<semaphore_mem>>) src(%arg9 : memref<80x128xf32, #tpu.memory_space<vmem>>) dst(%dma_wait3A_95 : memref<10240x128xf32, #tpu.memory_space<vmem_shared>>)
      tpu.yield
    }) : () -> ()
    %dma_wait3A_71 = arith.constant 4880 : i32
    %dma_wait3A_72 = tpu.memref_slice %arg7[%dma_wait3A_71] : memref<5040xi32, #tpu.memory_space<vmem>> -> memref<80xi32, #tpu.memory_space<vmem>>
    %dma_wait3A_73 = arith.constant 0 : i32
    %dma_wait3A_74 = arith.constant 0 : i32
    %dma_wait3A_75 = tpu.memref_slice %arg2[%dma_wait3A_73, %dma_wait3A_74] : memref<10000x128xf32, #tpu.memory_space<hbm>> -> memref<10000x128xf32, #tpu.memory_space<hbm>>
    tpu.wait_indirect_dma semaphore(%arg14 : memref<!tpu.dma_semaphore, #tpu.memory_space<semaphore_mem>>) src(%dma_wait3A_75 : memref<10000x128xf32, #tpu.memory_space<hbm>>) dst(%arg10 : memref<80x128xf32, #tpu.memory_space<vmem>>)
    %run_scoped3A_76 = arith.constant 61 : i32
    "tpu.region"() ({
      %run_scoped3A_83 = tpu.sem_alloc : memref<!tpu.dma_semaphore, #tpu.memory_space<semaphore_mem>>
      %dma_start3A_84 = arith.constant 0 : i32
      %dma_start3A_85 = tpu.memref_slice %arg8[%run_scoped3A_76, %dma_start3A_84] : memref<63x80xi32, #tpu.memory_space<vmem>> -> memref<1x80xi32, #tpu.memory_space<vmem>>
      %dma_start3A_86 = tpu.memref_squeeze %dma_start3A_85 : memref<1x80xi32, #tpu.memory_space<vmem>> -> memref<80xi32, #tpu.memory_space<vmem>>
      %dma_start3A_87 = arith.constant 0 : i32
      %dma_start3A_88 = arith.constant 0 : i32
      %dma_start3A_89 = tpu.memref_slice %arg12[%dma_start3A_87, %dma_start3A_88] : memref<10240x128xf32, #tpu.memory_space<vmem_shared>> -> memref<10240x128xf32, #tpu.memory_space<vmem_shared>>
      tpu.enqueue_indirect_dma source(%arg10 : memref<80x128xf32, #tpu.memory_space<vmem>>) target(%dma_start3A_89 : memref<10240x128xf32, #tpu.memory_space<vmem_shared>>) offsets(%dma_start3A_86 : memref<80xi32, #tpu.memory_space<vmem>>) semaphore(%run_scoped3A_83 : memref<!tpu.dma_semaphore, #tpu.memory_space<semaphore_mem>>) {add = true}
      %dma_wait3A_90 = arith.constant 0 : i32
      %dma_wait3A_91 = tpu.memref_slice %arg8[%run_scoped3A_76, %dma_wait3A_90] : memref<63x80xi32, #tpu.memory_space<vmem>> -> memref<1x80xi32, #tpu.memory_space<vmem>>
      %dma_wait3A_92 = tpu.memref_squeeze %dma_wait3A_91 : memref<1x80xi32, #tpu.memory_space<vmem>> -> memref<80xi32, #tpu.memory_space<vmem>>
      %dma_wait3A_93 = arith.constant 0 : i32
      %dma_wait3A_94 = arith.constant 0 : i32
      %dma_wait3A_95 = tpu.memref_slice %arg12[%dma_wait3A_93, %dma_wait3A_94] : memref<10240x128xf32, #tpu.memory_space<vmem_shared>> -> memref<10240x128xf32, #tpu.memory_space<vmem_shared>>
      tpu.wait_indirect_dma semaphore(%run_scoped3A_83 : memref<!tpu.dma_semaphore, #tpu.memory_space<semaphore_mem>>) src(%arg10 : memref<80x128xf32, #tpu.memory_space<vmem>>) dst(%dma_wait3A_95 : memref<10240x128xf32, #tpu.memory_space<vmem_shared>>)
      tpu.yield
    }) : () -> ()
    %barrier3A_77 = arith.constant 0 : index
    tpu.barrier barrier_id(%barrier3A_77)
    %scan3A_78 = arith.constant 0 : i32
    %scan3A_79 = arith.constant 8 : i32
    %scan3A_80 = arith.addi %scan3A_78, %scan3A_79 : i32
    %scan3A_81 = arith.constant 1 : i32
    scf.for %scan3A_83 = %scan3A_78 to %scan3A_80 step %scan3A_81  : i32 {
      %mul3A_84 = arith.constant 1 : i32
      %mul3A_85 = arith.muli %scan3A_83, %mul3A_84 : i32
      %add3A_86 = arith.constant 0 : i32
      %add3A_87 = arith.addi %add3A_86, %mul3A_85 : i32
      %mul3A_88 = arith.constant 640 : i32
      %mul3A_89 = arith.muli %arg1, %mul3A_88 : i32
      %mul3A_90 = arith.constant 80 : i32
      %mul3A_91 = arith.muli %add3A_87, %mul3A_90 : i32
      %add3A_92 = arith.addi %mul3A_89, %mul3A_91 : i32
      "tpu.region"() ({
        %run_scoped3A_93 = tpu.sem_alloc : memref<!tpu.dma_semaphore, #tpu.memory_space<semaphore_mem>>
        %dma_start3A_94 = arith.constant 0 : i32
        %dma_start3A_95 = tpu.memref_slice %arg6[%arg0, %add3A_92, %dma_start3A_94] : memref<2x10240x128xf32, #tpu.memory_space<hbm>> -> memref<1x80x128xf32, #tpu.memory_space<hbm>>
        %dma_start3A_96 = tpu.memref_squeeze %dma_start3A_95 : memref<1x80x128xf32, #tpu.memory_space<hbm>> -> memref<80x128xf32, #tpu.memory_space<hbm>>
        %dma_start3A_97 = arith.constant 0 : i32
        %dma_start3A_98 = tpu.memref_slice %arg12[%add3A_92, %dma_start3A_97] : memref<10240x128xf32, #tpu.memory_space<vmem_shared>> -> memref<80x128xf32, #tpu.memory_space<vmem_shared>>
        tpu.enqueue_dma source(%dma_start3A_98 : memref<80x128xf32, #tpu.memory_space<vmem_shared>>) target(%dma_start3A_96 : memref<80x128xf32, #tpu.memory_space<hbm>>) target_semaphore(%run_scoped3A_93 : memref<!tpu.dma_semaphore, #tpu.memory_space<semaphore_mem>>)
        %dma_wait3A_99 = arith.constant 0 : i32
        %dma_wait3A_100 = tpu.memref_slice %arg6[%arg0, %add3A_92, %dma_wait3A_99] : memref<2x10240x128xf32, #tpu.memory_space<hbm>> -> memref<1x80x128xf32, #tpu.memory_space<hbm>>
        %dma_wait3A_101 = tpu.memref_squeeze %dma_wait3A_100 : memref<1x80x128xf32, #tpu.memory_space<hbm>> -> memref<80x128xf32, #tpu.memory_space<hbm>>
        %dma_wait3A_102 = arith.constant 0 : i32
        %dma_wait3A_103 = tpu.memref_slice %arg12[%add3A_92, %dma_wait3A_102] : memref<10240x128xf32, #tpu.memory_space<vmem_shared>> -> memref<80x128xf32, #tpu.memory_space<vmem_shared>>
        tpu.wait_dma2 semaphore(%run_scoped3A_93 : memref<!tpu.dma_semaphore, #tpu.memory_space<semaphore_mem>>) src(%dma_wait3A_103 : memref<80x128xf32, #tpu.memory_space<vmem_shared>>) dst(%dma_wait3A_101 : memref<80x128xf32, #tpu.memory_space<hbm>>)
        tpu.yield
      }) : () -> ()
    }
    %scan3A_82 = arith.constant 8 : i32
    return
  }
}

module attributes {stable_mosaic.version = 14 : i64} {
  func.func @_tc_a_body(%arg0: i32, %arg1: memref<2048x128xf32, #tpu.memory_space<vmem>>, %arg2: memref<32x1x1x2048xf32, #tpu.memory_space<vmem>>, %arg3: memref<32x1x1x2048xf32, #tpu.memory_space<vmem>>, %arg4: memref<2048x128xf32, #tpu.memory_space<vmem>>, %arg5: memref<1x1x2048xf32, #tpu.memory_space<vmem>>, %arg6: memref<1x1x2048xf32, #tpu.memory_space<vmem>>) attributes {dimension_semantics = [#tpu.dimension_semantics<arbitrary>], iteration_bounds = array<i64: 5>, scalar_prefetch = 0 : i64, scratch_operands = 0 : i64, tpu.core_type = #tpu.core_type<tc>, window_params = [{transform_indices = @transform_0, window_bounds = array<i64: 2048, 128>}, {transform_indices = @transform_1, window_bounds = array<i64: 32, 1, 1, 2048>}, {transform_indices = @transform_2, window_bounds = array<i64: 32, 1, 1, 2048>}, {transform_indices = @transform_3, window_bounds = array<i64: 2048, 128>}, {transform_indices = @transform_4, window_bounds = array<i64: 1, 1, 2048>}, {transform_indices = @transform_5, window_bounds = array<i64: 1, 1, 2048>}]} {
    %get3A = arith.constant 0 : index
    %get3A_0 = arith.constant 0 : index
    %get3A_1 = arith.constant 0 : index
    %get3A_2 = arith.constant 0 : index
    %get3A_3 = vector.load %arg2[%get3A, %get3A_0, %get3A_1, %get3A_2] : memref<32x1x1x2048xf32, #tpu.memory_space<vmem>>, vector<32x1x1x2048xf32>
    %get3A_4 = vector.shape_cast %get3A_3 : vector<32x1x1x2048xf32> to vector<32x2048xf32>
    %reduce_sum3A = arith.constant dense<0.000000e+00> : vector<2048xf32>
    %reduce_sum3A_5 = vector.multi_reduction <add>, %get3A_4, %reduce_sum3A [0] : vector<32x2048xf32> to vector<2048xf32>
    %get3A_6 = arith.constant 0 : index
    %get3A_7 = arith.constant 0 : index
    %get3A_8 = arith.constant 0 : index
    %get3A_9 = arith.constant 0 : index
    %get3A_10 = vector.load %arg3[%get3A_6, %get3A_7, %get3A_8, %get3A_9] : memref<32x1x1x2048xf32, #tpu.memory_space<vmem>>, vector<32x1x1x2048xf32>
    %get3A_11 = vector.shape_cast %get3A_10 : vector<32x1x1x2048xf32> to vector<32x2048xf32>
    %reduce_sum3A_12 = arith.constant dense<0.000000e+00> : vector<2048xf32>
    %reduce_sum3A_13 = vector.multi_reduction <add>, %get3A_11, %reduce_sum3A_12 [0] : vector<32x2048xf32> to vector<2048xf32>
    %gt3A = arith.constant 0.000000e+00 : f32
    %gt3A_14 = vector.broadcast %gt3A : f32 to vector<2048xf32>
    %gt3A_15 = arith.cmpf ogt, %reduce_sum3A_5, %gt3A_14 : vector<2048xf32>
    %rsqrt3A = math.rsqrt %reduce_sum3A_5 : vector<2048xf32>
    %jit3A = arith.constant 0.000000e+00 : f32
    %broadcast_in_dim3A = vector.broadcast %jit3A : f32 to vector<2048xf32>
    %select_n3A = arith.select %gt3A_15, %rsqrt3A, %broadcast_in_dim3A : vector<2048xi1>, vector<2048xf32>
    %gt3A_16 = arith.constant 0.000000e+00 : f32
    %gt3A_17 = vector.broadcast %gt3A_16 : f32 to vector<2048xf32>
    %gt3A_18 = arith.cmpf ogt, %reduce_sum3A_13, %gt3A_17 : vector<2048xf32>
    %rsqrt3A_19 = math.rsqrt %reduce_sum3A_13 : vector<2048xf32>
    %jit3A_20 = arith.constant 0.000000e+00 : f32
    %broadcast_in_dim3A_21 = vector.broadcast %jit3A_20 : f32 to vector<2048xf32>
    %select_n3A_22 = arith.select %gt3A_18, %rsqrt3A_19, %broadcast_in_dim3A_21 : vector<2048xi1>, vector<2048xf32>
    %get3A_23 = arith.constant 0 : index
    %get3A_24 = arith.constant 0 : index
    %get3A_25 = vector.load %arg1[%get3A_23, %get3A_24] : memref<2048x128xf32, #tpu.memory_space<vmem>>, vector<2048x128xf32>
    %broadcast_in_dim3A_26 = vector.shape_cast %select_n3A : vector<2048xf32> to vector<2048x1xf32>
    %mul3A = vector.broadcast %broadcast_in_dim3A_26 : vector<2048x1xf32> to vector<2048x128xf32>
    %mul3A_27 = arith.mulf %get3A_25, %mul3A : vector<2048x128xf32>
    %swap3A = arith.constant 0 : index
    %swap3A_28 = arith.constant 0 : index
    %swap3A_29 = vector.load %arg4[%swap3A, %swap3A_28] : memref<2048x128xf32, #tpu.memory_space<vmem>>, vector<2048x128xf32>
    tpu.vector_store %arg4[%swap3A, %swap3A_28], %mul3A_27 {strides = array<i32>} : memref<2048x128xf32, #tpu.memory_space<vmem>>, vector<2048x128xf32>,
    %swap3A_30 = arith.constant 0 : index
    %swap3A_31 = arith.constant 0 : index
    %swap3A_32 = arith.constant 0 : index
    %swap3A_33 = vector.load %arg5[%swap3A_30, %swap3A_31, %swap3A_32] : memref<1x1x2048xf32, #tpu.memory_space<vmem>>, vector<1x1x2048xf32>
    %swap3A_34 = vector.shape_cast %swap3A_33 : vector<1x1x2048xf32> to vector<2048xf32>
    %swap3A_35 = vector.shape_cast %select_n3A : vector<2048xf32> to vector<1x1x2048xf32>
    tpu.vector_store %arg5[%swap3A_30, %swap3A_31, %swap3A_32], %swap3A_35 {strides = array<i32>} : memref<1x1x2048xf32, #tpu.memory_space<vmem>>, vector<1x1x2048xf32>,
    %swap3A_36 = arith.constant 0 : index
    %swap3A_37 = arith.constant 0 : index
    %swap3A_38 = arith.constant 0 : index
    %swap3A_39 = vector.load %arg6[%swap3A_36, %swap3A_37, %swap3A_38] : memref<1x1x2048xf32, #tpu.memory_space<vmem>>, vector<1x1x2048xf32>
    %swap3A_40 = vector.shape_cast %swap3A_39 : vector<1x1x2048xf32> to vector<2048xf32>
    %swap3A_41 = vector.shape_cast %select_n3A_22 : vector<2048xf32> to vector<1x1x2048xf32>
    tpu.vector_store %arg6[%swap3A_36, %swap3A_37, %swap3A_38], %swap3A_41 {strides = array<i32>} : memref<1x1x2048xf32, #tpu.memory_space<vmem>>, vector<1x1x2048xf32>,
    return
  }
  func.func @transform_0(%arg0: i32) -> (i32, i32) {
    %c0_i32 = arith.constant 0 : i32
    %c0_i32_0 = arith.constant 0 : i32
    return %arg0, %c0_i32 : i32, i32
  }
  func.func @transform_1(%arg0: i32) -> (i32, i32, i32, i32) {
    %c0_i32 = arith.constant 0 : i32
    %c0_i32_0 = arith.constant 0 : i32
    %c0_i32_1 = arith.constant 0 : i32
    %c0_i32_2 = arith.constant 0 : i32
    return %c0_i32, %arg0, %c0_i32_0, %c0_i32_1 : i32, i32, i32, i32
  }
  func.func @transform_2(%arg0: i32) -> (i32, i32, i32, i32) {
    %c0_i32 = arith.constant 0 : i32
    %c0_i32_0 = arith.constant 0 : i32
    %c0_i32_1 = arith.constant 0 : i32
    %c0_i32_2 = arith.constant 0 : i32
    return %c0_i32, %arg0, %c0_i32_0, %c0_i32_1 : i32, i32, i32, i32
  }
  func.func @transform_3(%arg0: i32) -> (i32, i32) {
    %c0_i32 = arith.constant 0 : i32
    %c0_i32_0 = arith.constant 0 : i32
    return %arg0, %c0_i32 : i32, i32
  }
  func.func @transform_4(%arg0: i32) -> (i32, i32, i32) {
    %c0_i32 = arith.constant 0 : i32
    %c0_i32_0 = arith.constant 0 : i32
    %c0_i32_1 = arith.constant 0 : i32
    return %arg0, %c0_i32, %c0_i32_0 : i32, i32, i32
  }
  func.func @transform_5(%arg0: i32) -> (i32, i32, i32) {
    %c0_i32 = arith.constant 0 : i32
    %c0_i32_0 = arith.constant 0 : i32
    %c0_i32_1 = arith.constant 0 : i32
    return %arg0, %c0_i32, %c0_i32_0 : i32, i32, i32
  }
}

module attributes {stable_mosaic.version = 14 : i64} {
  func.func @_tc_b_body(%arg0: i32, %arg1: memref<2x2048x128xf32, #tpu.memory_space<vmem>>, %arg2: memref<1x1x2048xf32, #tpu.memory_space<vmem>>, %arg3: memref<1x1x2048xf32, #tpu.memory_space<vmem>>, %arg4: memref<128x128xf32, #tpu.memory_space<vmem>>, %arg5: memref<1x128xf32, #tpu.memory_space<vmem>>, %arg6: memref<2048x128xf32, #tpu.memory_space<vmem>>, %arg7: memref<2048x128xf32, #tpu.memory_space<vmem>>) attributes {dimension_semantics = [#tpu.dimension_semantics<arbitrary>], iteration_bounds = array<i64: 5>, scalar_prefetch = 0 : i64, scratch_operands = 0 : i64, tpu.core_type = #tpu.core_type<tc>, window_params = [{transform_indices = @transform_0, window_bounds = array<i64: 2, 2048, 128>}, {transform_indices = @transform_1, window_bounds = array<i64: 1, 1, 2048>}, {transform_indices = @transform_2, window_bounds = array<i64: 1, 1, 2048>}, {pipeline_mode = #tpu.pipeline_mode<synchronous>, transform_indices = @transform_3, window_bounds = array<i64: 128, 128>}, {pipeline_mode = #tpu.pipeline_mode<synchronous>, transform_indices = @transform_4, window_bounds = array<i64: 1, 128>}, {transform_indices = @transform_5, window_bounds = array<i64: 2048, 128>}, {transform_indices = @transform_6, window_bounds = array<i64: 2048, 128>}]} {
    %get3A = arith.constant 0 : index
    %get3A_0 = arith.constant 0 : index
    %get3A_1 = arith.constant 0 : index
    %get3A_2 = vector.load %arg1[%get3A, %get3A_0, %get3A_1] : memref<2x2048x128xf32, #tpu.memory_space<vmem>>, vector<1x2048x128xf32>
    %get3A_3 = vector.shape_cast %get3A_2 : vector<1x2048x128xf32> to vector<2048x128xf32>
    %get3A_4 = arith.constant 1 : index
    %get3A_5 = arith.constant 0 : index
    %get3A_6 = arith.constant 0 : index
    %get3A_7 = vector.load %arg1[%get3A_4, %get3A_5, %get3A_6] : memref<2x2048x128xf32, #tpu.memory_space<vmem>>, vector<1x2048x128xf32>
    %get3A_8 = vector.shape_cast %get3A_7 : vector<1x2048x128xf32> to vector<2048x128xf32>
    %add3A = arith.addf %get3A_3, %get3A_8 : vector<2048x128xf32>
    %get3A_9 = arith.constant 0 : index
    %get3A_10 = arith.constant 0 : index
    %get3A_11 = arith.constant 0 : index
    %get3A_12 = vector.load %arg2[%get3A_9, %get3A_10, %get3A_11] : memref<1x1x2048xf32, #tpu.memory_space<vmem>>, vector<1x1x2048xf32>
    %get3A_13 = vector.shape_cast %get3A_12 : vector<1x1x2048xf32> to vector<2048xf32>
    %broadcast_in_dim3A = vector.shape_cast %get3A_13 : vector<2048xf32> to vector<2048x1xf32>
    %mul3A = vector.broadcast %broadcast_in_dim3A : vector<2048x1xf32> to vector<2048x128xf32>
    %mul3A_14 = arith.mulf %add3A, %mul3A : vector<2048x128xf32>
    %get3A_15 = arith.constant 0 : index
    %get3A_16 = arith.constant 0 : index
    %get3A_17 = vector.load %arg4[%get3A_15, %get3A_16] : memref<128x128xf32, #tpu.memory_space<vmem>>, vector<128x128xf32>
    %dot_general3A = arith.constant dense<0.000000e+00> : vector<2048x128xf32>
    %dot_general3A_18 = tpu.matmul %mul3A_14, %get3A_17, %dot_general3A {dimension_numbers = #tpu.dot_dimension_numbers<[1], [0], [0], [1], [0, 0, 1, 1], [], []>, precision = #tpu.contract_precision<fp32>, transpose_lhs_hint = false} : vector<2048x128xf32>, vector<128x128xf32>, vector<2048x128xf32> -> vector<2048x128xf32>
    %get3A_19 = arith.constant 0 : index
    %get3A_20 = arith.constant 0 : index
    %get3A_21 = vector.load %arg5[%get3A_19, %get3A_20] : memref<1x128xf32, #tpu.memory_space<vmem>>, vector<1x128xf32>
    %add3A_22 = vector.broadcast %get3A_21 : vector<1x128xf32> to vector<2048x128xf32>
    %add3A_23 = arith.addf %dot_general3A_18, %add3A_22 : vector<2048x128xf32>
    %max3A = arith.constant 0.000000e+00 : f32
    %max3A_24 = vector.broadcast %max3A : f32 to vector<2048x128xf32>
    %max3A_25 = arith.maximumf %add3A_23, %max3A_24 : vector<2048x128xf32>
    %swap3A = arith.constant 0 : index
    %swap3A_26 = arith.constant 0 : index
    %swap3A_27 = vector.load %arg6[%swap3A, %swap3A_26] : memref<2048x128xf32, #tpu.memory_space<vmem>>, vector<2048x128xf32>
    tpu.vector_store %arg6[%swap3A, %swap3A_26], %max3A_25 {strides = array<i32>} : memref<2048x128xf32, #tpu.memory_space<vmem>>, vector<2048x128xf32>,
    %get3A_28 = arith.constant 0 : index
    %get3A_29 = arith.constant 0 : index
    %get3A_30 = arith.constant 0 : index
    %get3A_31 = vector.load %arg3[%get3A_28, %get3A_29, %get3A_30] : memref<1x1x2048xf32, #tpu.memory_space<vmem>>, vector<1x1x2048xf32>
    %get3A_32 = vector.shape_cast %get3A_31 : vector<1x1x2048xf32> to vector<2048xf32>
    %broadcast_in_dim3A_33 = vector.shape_cast %get3A_32 : vector<2048xf32> to vector<2048x1xf32>
    %mul3A_34 = vector.broadcast %broadcast_in_dim3A_33 : vector<2048x1xf32> to vector<2048x128xf32>
    %mul3A_35 = arith.mulf %max3A_25, %mul3A_34 : vector<2048x128xf32>
    %swap3A_36 = arith.constant 0 : index
    %swap3A_37 = arith.constant 0 : index
    %swap3A_38 = vector.load %arg7[%swap3A_36, %swap3A_37] : memref<2048x128xf32, #tpu.memory_space<vmem>>, vector<2048x128xf32>
    tpu.vector_store %arg7[%swap3A_36, %swap3A_37], %mul3A_35 {strides = array<i32>} : memref<2048x128xf32, #tpu.memory_space<vmem>>, vector<2048x128xf32>,
    return
  }
  func.func @transform_0(%arg0: i32) -> (i32, i32, i32) {
    %c0_i32 = arith.constant 0 : i32
    %c0_i32_0 = arith.constant 0 : i32
    %c0_i32_1 = arith.constant 0 : i32
    return %c0_i32, %arg0, %c0_i32_0 : i32, i32, i32
  }
  func.func @transform_1(%arg0: i32) -> (i32, i32, i32) {
    %c0_i32 = arith.constant 0 : i32
    %c0_i32_0 = arith.constant 0 : i32
    %c0_i32_1 = arith.constant 0 : i32
    return %arg0, %c0_i32, %c0_i32_0 : i32, i32, i32
  }
  func.func @transform_2(%arg0: i32) -> (i32, i32, i32) {
    %c0_i32 = arith.constant 0 : i32
    %c0_i32_0 = arith.constant 0 : i32
    %c0_i32_1 = arith.constant 0 : i32
    return %arg0, %c0_i32, %c0_i32_0 : i32, i32, i32
  }
  func.func @transform_3(%arg0: i32) -> (i32, i32) {
    %c0_i32 = arith.constant 0 : i32
    %c0_i32_0 = arith.constant 0 : i32
    %c0_i32_1 = arith.constant 0 : i32
    return %c0_i32, %c0_i32_0 : i32, i32
  }
  func.func @transform_4(%arg0: i32) -> (i32, i32) {
    %c0_i32 = arith.constant 0 : i32
    %c0_i32_0 = arith.constant 0 : i32
    %c0_i32_1 = arith.constant 0 : i32
    return %c0_i32, %c0_i32_0 : i32, i32
  }
  func.func @transform_5(%arg0: i32) -> (i32, i32) {
    %c0_i32 = arith.constant 0 : i32
    %c0_i32_0 = arith.constant 0 : i32
    return %arg0, %c0_i32 : i32, i32
  }
  func.func @transform_6(%arg0: i32) -> (i32, i32) {
    %c0_i32 = arith.constant 0 : i32
    %c0_i32_0 = arith.constant 0 : i32
    return %arg0, %c0_i32 : i32, i32
  }
}

module attributes {stable_mosaic.version = 14 : i64} {
  func.func @_tc_c_body(%arg0: i32, %arg1: memref<2x2048x128xf32, #tpu.memory_space<vmem>>, %arg2: memref<1x1x2048xf32, #tpu.memory_space<vmem>>, %arg3: memref<128x128xf32, #tpu.memory_space<vmem>>, %arg4: memref<1x128xf32, #tpu.memory_space<vmem>>, %arg5: memref<2048x128xf32, #tpu.memory_space<vmem>>) attributes {dimension_semantics = [#tpu.dimension_semantics<arbitrary>], iteration_bounds = array<i64: 5>, scalar_prefetch = 0 : i64, scratch_operands = 0 : i64, tpu.core_type = #tpu.core_type<tc>, window_params = [{transform_indices = @transform_0, window_bounds = array<i64: 2, 2048, 128>}, {transform_indices = @transform_1, window_bounds = array<i64: 1, 1, 2048>}, {pipeline_mode = #tpu.pipeline_mode<synchronous>, transform_indices = @transform_2, window_bounds = array<i64: 128, 128>}, {pipeline_mode = #tpu.pipeline_mode<synchronous>, transform_indices = @transform_3, window_bounds = array<i64: 1, 128>}, {transform_indices = @transform_4, window_bounds = array<i64: 2048, 128>}]} {
    %get3A = arith.constant 0 : index
    %get3A_0 = arith.constant 0 : index
    %get3A_1 = arith.constant 0 : index
    %get3A_2 = vector.load %arg1[%get3A, %get3A_0, %get3A_1] : memref<2x2048x128xf32, #tpu.memory_space<vmem>>, vector<1x2048x128xf32>
    %get3A_3 = vector.shape_cast %get3A_2 : vector<1x2048x128xf32> to vector<2048x128xf32>
    %get3A_4 = arith.constant 1 : index
    %get3A_5 = arith.constant 0 : index
    %get3A_6 = arith.constant 0 : index
    %get3A_7 = vector.load %arg1[%get3A_4, %get3A_5, %get3A_6] : memref<2x2048x128xf32, #tpu.memory_space<vmem>>, vector<1x2048x128xf32>
    %get3A_8 = vector.shape_cast %get3A_7 : vector<1x2048x128xf32> to vector<2048x128xf32>
    %add3A = arith.addf %get3A_3, %get3A_8 : vector<2048x128xf32>
    %get3A_9 = arith.constant 0 : index
    %get3A_10 = arith.constant 0 : index
    %get3A_11 = arith.constant 0 : index
    %get3A_12 = vector.load %arg2[%get3A_9, %get3A_10, %get3A_11] : memref<1x1x2048xf32, #tpu.memory_space<vmem>>, vector<1x1x2048xf32>
    %get3A_13 = vector.shape_cast %get3A_12 : vector<1x1x2048xf32> to vector<2048xf32>
    %broadcast_in_dim3A = vector.shape_cast %get3A_13 : vector<2048xf32> to vector<2048x1xf32>
    %mul3A = vector.broadcast %broadcast_in_dim3A : vector<2048x1xf32> to vector<2048x128xf32>
    %mul3A_14 = arith.mulf %add3A, %mul3A : vector<2048x128xf32>
    %get3A_15 = arith.constant 0 : index
    %get3A_16 = arith.constant 0 : index
    %get3A_17 = vector.load %arg3[%get3A_15, %get3A_16] : memref<128x128xf32, #tpu.memory_space<vmem>>, vector<128x128xf32>
    %dot_general3A = arith.constant dense<0.000000e+00> : vector<2048x128xf32>
    %dot_general3A_18 = tpu.matmul %mul3A_14, %get3A_17, %dot_general3A {dimension_numbers = #tpu.dot_dimension_numbers<[1], [0], [0], [1], [0, 0, 1, 1], [], []>, precision = #tpu.contract_precision<fp32>, transpose_lhs_hint = false} : vector<2048x128xf32>, vector<128x128xf32>, vector<2048x128xf32> -> vector<2048x128xf32>
    %get3A_19 = arith.constant 0 : index
    %get3A_20 = arith.constant 0 : index
    %get3A_21 = vector.load %arg4[%get3A_19, %get3A_20] : memref<1x128xf32, #tpu.memory_space<vmem>>, vector<1x128xf32>
    %add3A_22 = vector.broadcast %get3A_21 : vector<1x128xf32> to vector<2048x128xf32>
    %add3A_23 = arith.addf %dot_general3A_18, %add3A_22 : vector<2048x128xf32>
    %swap3A = arith.constant 0 : index
    %swap3A_24 = arith.constant 0 : index
    %swap3A_25 = vector.load %arg5[%swap3A, %swap3A_24] : memref<2048x128xf32, #tpu.memory_space<vmem>>, vector<2048x128xf32>
    tpu.vector_store %arg5[%swap3A, %swap3A_24], %add3A_23 {strides = array<i32>} : memref<2048x128xf32, #tpu.memory_space<vmem>>, vector<2048x128xf32>,
    return
  }
  func.func @transform_0(%arg0: i32) -> (i32, i32, i32) {
    %c0_i32 = arith.constant 0 : i32
    %c0_i32_0 = arith.constant 0 : i32
    %c0_i32_1 = arith.constant 0 : i32
    return %c0_i32, %arg0, %c0_i32_0 : i32, i32, i32
  }
  func.func @transform_1(%arg0: i32) -> (i32, i32, i32) {
    %c0_i32 = arith.constant 0 : i32
    %c0_i32_0 = arith.constant 0 : i32
    %c0_i32_1 = arith.constant 0 : i32
    return %arg0, %c0_i32, %c0_i32_0 : i32, i32, i32
  }
  func.func @transform_2(%arg0: i32) -> (i32, i32) {
    %c0_i32 = arith.constant 0 : i32
    %c0_i32_0 = arith.constant 0 : i32
    %c0_i32_1 = arith.constant 0 : i32
    return %c0_i32, %c0_i32_0 : i32, i32
  }
  func.func @transform_3(%arg0: i32) -> (i32, i32) {
    %c0_i32 = arith.constant 0 : i32
    %c0_i32_0 = arith.constant 0 : i32
    %c0_i32_1 = arith.constant 0 : i32
    return %c0_i32, %c0_i32_0 : i32, i32
  }
  func.func @transform_4(%arg0: i32) -> (i32, i32) {
    %c0_i32 = arith.constant 0 : i32
    %c0_i32_0 = arith.constant 0 : i32
    return %arg0, %c0_i32 : i32, i32
  }
}

</mosaic_0001>

<sc_bundles>
// kernel: kernel.11.cloned.1.call-start
scs
__scs_entry_jumppad:
0x0: {  	(pc) =	sbr.rel $0x88, $3  }
0x1: {  	(tag) =	ssettag $0x0;
	lr =	simm.s32 $0x1  }
0x2: {  	[smem:$0x3F9B] =	sst lr;
	_ =	strace $0xD0000000  }
0x3: {  	_ = 	snop  }
0x4: {  	_ = 	snop  }
0x5: {  	_ = 	snop  }
0x6: {  	_ = 	snop  }
0x7: {  	_ = 	snop  }
__scs_overlays_trampoline_lowered:
0x8: {  	[smem:$0x3FAA] =	sst s0  }
0x9: {  	[smem:$0x3FAB] =	sst s1  }
0xa: {  	[smem:$0x3FAC] =	sst s2  }
0xb: {  	[smem:$0x3FAD] =	sst s3  }
0xc: {  	[smem:$0x3FAE] =	sst s4  }
0xd: {  	[smem:$0x3FAF] =	sst s5  }
0xe: {  	[smem:$0x3FB0] =	sst s6  }
0xf: {  	[smem:$0x3FB1] =	sst s7  }
0x10: {  	[smem:$0x3FB2] =	sst s8  }
0x11: {  	[smem:$0x3FB3] =	sst s9;
	s0 =	simm.s32 @!p0 $0x0  }
0x12: {  	s1 =	sld [smem:$0x3F99];
	s0 =	simm.s32 @p0 $0x1  }
0x13: {  	[smem:$0x3FB4] =	sst s0;
	s0 =	simm.s32 @!p1 $0x0  }
0x14: {  	s2 =	sld [smem:$0x3F98];
	s0 =	simm.s32 @p1 $0x1  }
0x15: {  	[smem:$0x3FB5] =	sst s0;
	s0 =	simm.s32 @!p2 $0x0  }
0x16: {  	s3 =	sld [smem:$0x3FDB];
	s0 =	simm.s32 @p2 $0x1  }
0x17: {  	s4 =	simm.s32 $0x1BF5;
	[smem:$0x3FB7] =	sst s0  }
0x18: {  	s0 =	sld [smem:$0x3F9A];
	_ =	swait.ge [sflag:s4], $0x0  }
0x19: {  	s7 =	sld [smem:$0x3F9B]  }
0x1a: {  	s8 =	sadd.s32 $0xFFFFE003, lr  }
0x1b: {  	s9 =	sadd.s32 $0xFFFFFEF7, lr;
	s5 =	simm.s32 $0xFFFFFFFF;
	p2 =	slt.u32 s8, $0xFFFFF086  }
0x1c: {  	p1 =	slt.u32 s9, $0xF7A;
	s5 =	simm.s32 @!p2 $0x0  }
0x1d: {  	s5 =	simm.s32 @p1 $0x1;
	p0 =	seq.s32 s7, s2  }
0x1e: {  	s7 =	smul.u32 @!p0 $0xF7A, s2;
	p2 =	seq.s32 @!p0 s5, $0x0  }
0x1f: {  	s9 =	smul.u32 $0xF7A, s1;
	s8 =	simm.s32 @!p0 $0x1BF5;
	p2 =	por !p2, p0  }
0x20: {  	[sflag:s8] =	ssyncset.s32 @!p0 $0xFFFFF086;
	s6 =	sadd.s32 @!p0 s3, s7;
	s7 =	simm.s32 @!p0 $0x108  }
0x21: {  	s3 =	sadd.s32 s3, s9;
	s6 =	sadd.s32 @!p0 $0x88, s6;
	s7 =	simm.s32 @p2 $0x1082  }
0x22: {  	[simem:s7], [sflag:s8] =	dma.local @!p0 [hbm:s6], $0xF7A  }
0x23: {  	s9 =	sor.u32 $0xD0000000, s2;
	s6 =	simm.s32 $0x108;
	_ =	swait.ge @!p0 [sflag:s8], $0x0  }
0x24: {  	s3 =	sadd.s32 $0x88, s3;
	s6 =	simm.s32 @!p1 $0x1082;
	[sflag:s4] =	ssyncset.s32 $0xFFFFF086  }
0x25: {  	[simem:s6], [sflag:s4] =	dma.local [hbm:s3], $0xF7A  }
0x26: {  	[smem:$0x3F9B] =	sst s1;
	(tag) =	ssettag s2;
	_ =	strace s9  }
0x27: {  	s1 =	sld [smem:$0x3FAB]  }
0x28: {  	s2 =	sld [smem:$0x3FAC]  }
0x29: {  	s4 =	sld [smem:$0x3FAE]  }
0x2a: {  	p0 =	seq.s32 s5, $0x0;
	s5 =	sld [smem:$0x3FAF]  }
0x2b: {  	s6 =	sld [smem:$0x3FB0]  }
0x2c: {  	s7 =	sld [smem:$0x3FB1]  }
0x2d: {  	s3 =	simm.s32 $0x108;
	s8 =	sld [smem:$0x3FB2]  }
0x2e: {  	s3 =	simm.s32 @!p0 $0x1082;
	s9 =	sld [smem:$0x3FB3]  }
0x2f: {  	lr =	sadd.s32 s0, s3;
	s0 =	sld [smem:$0x3FAA]  }
0x30: {  	s3 =	sld [smem:$0x3FAD]  }
0x31: {  	[smem:$0x3FB6] =	sst s10  }
0x32: {  	s10 =	sld [smem:$0x3FB4];
	_ =	sdelay $0x3  }
0x33: {  	p0 =	seq.s32 s10, $0x1;
	s10 =	sld [smem:$0x3FB6];
	_ =	sdelay $0x3  }
0x34: {  	[smem:$0x3FB6] =	sst s10  }
0x35: {  	s10 =	sld [smem:$0x3FB5];
	_ =	sdelay $0x3  }
0x36: {  	p1 =	seq.s32 s10, $0x1;
	s10 =	sld [smem:$0x3FB6];
	_ =	sdelay $0x3  }
0x37: {  	[smem:$0x3FB6] =	sst s10  }
0x38: {  	s10 =	sld [smem:$0x3FB7]  }
0x39: {  	_ = 	snop;
	(pc) =	sbr.ind lr, $3  }
0x3a: {  	_ = 	snop  }
0x3b: {  	_ = 	snop  }
0x3c: {  	p2 =	seq.s32 s10, $0x1;
	s10 =	sld [smem:$0x3FB6]  }
0x3d: {  	_ =	shalt  }
0x3e: {  	_ =	shalt  }
0x3f: {  	_ =	shalt  }
0x40: {  	_ =	shalt  }
0x41: {  	_ =	shalt  }
0x42: {  	_ =	shalt  }
0x43: {  	_ =	shalt  }
0x44: {  	_ =	shalt  }
0x45: {  	_ =	shalt  }
0x46: {  	_ =	shalt  }
0x47: {  	_ =	shalt  }
0x48: {  	_ =	shalt  }
0x49: {  	_ =	shalt  }
0x4a: {  	_ =	shalt  }
0x4b: {  	_ =	shalt  }
0x4c: {  	_ =	shalt  }
0x4d: {  	_ =	shalt  }
0x4e: {  	_ =	shalt  }
0x4f: {  	_ =	shalt  }
0x50: {  	_ =	shalt  }
0x51: {  	_ =	shalt  }
0x52: {  	_ =	shalt  }
0x53: {  	_ =	shalt  }
0x54: {  	_ =	shalt  }
0x55: {  	_ =	shalt  }
0x56: {  	_ =	shalt  }
0x57: {  	_ =	shalt  }
0x58: {  	_ =	shalt  }
0x59: {  	_ =	shalt  }
0x5a: {  	_ =	shalt  }
0x5b: {  	_ =	shalt  }
0x5c: {  	_ =	shalt  }
0x5d: {  	_ =	shalt  }
0x5e: {  	_ =	shalt  }
0x5f: {  	_ =	shalt  }
0x60: {  	_ =	shalt  }
0x61: {  	_ =	shalt  }
0x62: {  	_ =	shalt  }
0x63: {  	_ =	shalt  }
0x64: {  	_ =	shalt  }
0x65: {  	_ =	shalt  }
0x66: {  	_ =	shalt  }
0x67: {  	_ =	shalt  }
0x68: {  	_ =	shalt  }
0x69: {  	_ =	shalt  }
0x6a: {  	_ =	shalt  }
0x6b: {  	_ =	shalt  }
0x6c: {  	_ =	shalt  }
0x6d: {  	_ =	shalt  }
0x6e: {  	_ =	shalt  }
0x6f: {  	_ =	shalt  }
0x70: {  	_ =	shalt  }
0x71: {  	_ =	shalt  }
0x72: {  	_ =	shalt  }
0x73: {  	_ =	shalt  }
0x74: {  	_ =	shalt  }
0x75: {  	_ =	shalt  }
0x76: {  	_ =	shalt  }
0x77: {  	_ =	shalt  }
0x78: {  	_ =	shalt  }
0x79: {  	_ =	shalt  }
0x7a: {  	_ =	shalt  }
0x7b: {  	_ =	shalt  }
0x7c: {  	_ =	shalt  }
0x7d: {  	_ =	shalt  }
0x7e: {  	_ =	shalt  }
0x7f: {  	_ =	shalt  }
0x80: {  	_ =	shalt  }
0x81: {  	_ =	shalt  }
0x82: {  	_ =	shalt  }
0x83: {  	_ =	shalt  }
0x84: {  	_ =	shalt  }
0x85: {  	_ =	shalt  }
0x86: {  	_ =	shalt  }
0x87: {  	_ =	shalt  }
.Lfunc_end0:
.L_simem_size_0:
called_computation.1_lowered:
.L_overlay_start_0:
0x88: {  	s2 =	sld [smem:$0x3FD9]  }
0x89: {  	s3 =	sld [smem:$0x3FFE];
	_ =	sdelay $0x1  }
0x8a: {  	s1 =	srdreg.scid  }
0x8b: {  	s0 =	sand.u32 $0x1, s1  }
0x8c: {  	s14 =	sshll.u32 s0, $0xA;
	s2 =	sadd.s32 s3, s2  }
0x8d: {  	s2 =	sadd.s32 s2, s14  }
0x8e: {  	[smem:$0x3FC2] =	sst s2  }
0x8f: {  	_ = 	snop  }
0x90: {  	s2 =	sld [smem:$0x3FD0];
	_ =	sdelay $0x2  }
0x91: {  	s15 =	simm.s32 $0xA;
	s4 =	simm.s32 $0x10  }
0x92: {  	[smem:s4], [sflag:s15] =	dma.local [hbm:s2], $0x1  }
0x93: {  	_ =	swait.eq [sflag:s15], $0x1  }
0x94: {  	[sflag:s15] =	ssyncset.done $0x0  }
0x95: {  	s16 =	sld [smem:$0x10];
	[sflag:s15] =	ssyncadd.s32 $0xFFFFFFFF  }
0x96: {  	s17 =	sld [smem:$0x12];
	(tm) =	ssettm $0x1  }
0x97: {  	s18 =	sld [smem:$0x3FFB];
	_ =	sdelay $0x3  }
0x98: {  	_ =	strace s18  }
0x99: {  	s4 =	sld [smem:$0x3FFC];
	_ =	sdelay $0x3  }
0x9a: {  	_ =	strace s4  }
0x9b: {  	s4 =	sld [smem:$0x3FFD];
	_ =	sdelay $0x3  }
0x9c: {  	_ =	strace s4  }
0x9d: {  	_ =	strace $0x8FFFFFFF  }
0x9e: {  	s19 =	sld [smem:$0x3FDB];
	_ =	sdelay $0x1  }
0x9f: {  	s5 =	simm.s32 $_scs_section_size  }
0xa0: {  	s6 =	simm.s32 $_size__tile_overlayer_lowered;
	s7 =	simm.s32 $_tile_overlayer_lowered  }
0xa1: {  	s22 =	simm.s32 $0x1BFF;
	s21 =	sshll.u32 s7, $0x1;
	s4 =	sadd.s32 s5, s19  }
0xa2: {  	s8 =	simm.s32 $0x0;
	s20 =	sshll.u32 s6, $0x1;
	s6 =	sadd.s32 s21, s4  }
0xa3: {  	[timem:s8], [sflag:s22] =	dma.local [hbm:s6], s20  }
0xa4: {  	_ =	swait.ge [sflag:s22], s20  }
0xa5: {  	s5 =	ssub.s32 $0x0, s20;
	[sflag:s22] =	ssyncset.done $0x0  }
0xa6: {  	[sflag:s22] =	ssyncadd.s32 s5;
	_ =	sdelay $0x1  }
0xa7: {  	s23 =	simm.s32 $0x1B8B  }
0xa8: {  	_ =	swait.ge [sflag:s23], $0x1  }
0xa9: {  	[sflag:s23] =	ssyncset.done $0x0  }
0xaa: {  	s25 =	simm.s32 $0x1B8E;
	s24 =	sld [smem:$0x3FFE];
	[sflag:s23] =	ssyncadd.s32 $0xFFFFFFFF  }
0xab: {  	s26 =	simm.s32 $execute0_lowered;
	[smem:$0x3FD2] =	sst s25  }
0xac: {  	s6 =	sshll.u32 s26, $0x1;
	_ =	strace $0x80000049;
	[dreg:$0x1] =	wrdreg $0xFFFFFFFF  }
0xad: {  	s28 =	simm.s32 $_size_execute0_lowered;
	s4 =	sadd.s32 s4, s6;
	[dreg:$0x0] =	wrdreg $0x0  }
0xae: {  	s6 =	sshll.u32 s28, $0x1;
	[dreg:$0x2] =	wrdreg s4  }
0xaf: {  	[dreg:$0x3] =	wrdreg s6  }
0xb0: {  	[dreg:$0x4] =	wrdreg $0xC0  }
0xb1: {  	_ =	task [dreg:s8], $0x5FFFF  }
0xb2: {  	[dreg:$0x1] =	wrdreg $0xFFFFFFFF  }
0xb3: {  	[dreg:$0x0] =	wrdreg $0x60  }
0xb4: {  	[dreg:$0x2] =	wrdreg s17  }
0xb5: {  	[dreg:$0x3] =	wrdreg s24  }
0xb6: {  	[dreg:$0x4] =	wrdreg s16  }
0xb7: {  	[dreg:$0x5] =	wrdreg $0xAC000  }
0xb8: {  	[dreg:$0x6] =	wrdreg $0x9  }
0xb9: {  	_ =	task.clear_ibuf [dreg:s8], $0x7FFFF;
	_ =	strace $0x90000049  }
0xba: {  	s29 =	simm.s32 $0x9;
	_ =	strace $0x8000004B  }
0xbb: {  	_ =	swait.ge [sflag:s29], $0x1  }
0xbc: {  	[sflag:s29] =	ssyncadd.s32 $0xFFFFFFFF  }
0xbd: {  	_ =	strace $0x9000004B  }
0xbe: {  	_ =	sfence  }
0xbf: {  	s30 =	sld [smem:$0x0];
	_ =	sdelay $0x2  }
0xc0: {  	s31 =	sshll.u32 s1, $0xD;
	s1 =	sshrl.u32 s1, $0x2  }
0xc1: {  	s3 =	sand.u32 $0x4000, s31;
	s1 =	sadd.s32 s1, s30  }
0xc2: {  	s0 =	sor.u32 s3, s0;
	s1 =	sshll.u32 s1, $0x11  }
0xc3: {  	s0 =	sor.u32 s1, s0  }
0xc4: {  	s0 =	sadd.s32 $0x8F2B, s0  }
0xc5: {  	[sflag:s0] =	ssyncadd.remote.s32 $0x1  }
0xc6: {  	_ =	sfence.sel $0xFFFF  }
0xc7: {  	[dreg:$0x0] =	wrdreg $0xFFFFFFFF;
	(pc) =	sbr.abs _section_cstart, $3  }
0xc8: {  	[dreg:$0x1] =	wrdreg $0xFFFFFFFF  }
0xc9: {  	_ =	task.clear_ibuf [dreg:s8], $0x2FFFF;
	_ =	strace $0x9FFFFFFF  }
0xca: {  	(tm) =	ssettm $0x7FFFFFFF  }
0xcb: {  	_ =	shalt  }
tec
execute0_lowered:
.L_overlay_start_1:
0x0: {  	(tag) =	ssettag $0x1  }
0x1: {  	s0 =	rddreg [dreg:$0x0]  }
0x2: {  	s2 =	rddreg [dreg:$0x1]  }
0x3: {  	s1 =	srdreg.scid;
	s5 =	rddreg [dreg:$0x2]  }
0x4: {  	s19 =	stileid.u32;
	s3 =	rddreg [dreg:$0x3];
	s29 =	simm.s32 $0x4  }
0x5: {  	s31 =	simm.s32 $0x50;
	s1 =	sand.u32 $0x1, s1;
	s9 =	smul.u32 $0x14000, s19  }
0x6: {  	s10 =	sadd.s32 $0x20C00, s2;
	s12 =	sshll.u32 s19, $0x6;
	s4 =	sshll.u32 s1, $0x4  }
0x7: {  	s8 =	smul.u32 $0x140000, s1;
	s1 =	ssub.s32 $0x2, s1;
	s6 =	sor.u32 s19, s4  }
0x8: {  	s4 =	simm.s32 $0x0;
	s11 =	sshrl.u32 s1, $0x1;
	s13 =	sadd.s32 $0xA000, s9  }
0x9: {  	s16 =	sadd.s32 $0xC800, s9;
	s17 =	sadd.s32 $0xF000, s9;
	s7 =	smul.u32 $0x2710, s6  }
0xa: {  	[smem:$0x7FF] =	sst s4;
	s1 =	ssub.s32 s1, s11;
	s6 =	sshll.u32 s6, $0xB  }
0xb: {  	s25 =	sadd.s32 s8, s9;
	s11 =	sadd.s32 $0x7800, s9;
	s18 =	sadd.s32 s8, s13  }
0xc: {  	s23 =	sadd.s32 s8, s16;
	s24 =	sadd.s32 s8, s17;
	_ =	strace $0x8000004A  }
0xd: {  	s20 =	sadd.s32 s5, s6;
	s26 =	sshrl.u32 s25, $0x3;
	s6 =	sadd.s32 $0x5000, s9  }
0xe: {  	s15 =	sadd.s32 s8, s11;
	s21 =	sshrl.u32 s18, $0x3;
	s25 =	sshrl.u32 s24, $0x3  }
0xf: {  	s1 =	smax.u32 s1, $0x1;
	s24 =	sadd.s32 s16, s3;
	s7 =	sshrl.u32 s7, $0x3  }
0x10: {  	s5 =	sadd.s32 s10, s26;
	s30 =	sadd.s32 s8, s6;
	[dreg:$0xf] =	wrdreg s1  }
0x11: {  	s15 =	sshrl.u32 s15, $0x3;
	s22 =	sadd.s32 s10, s21;
	[dreg:$0x15] =	wrdreg s24  }
0x12: {  	s26 =	smul.u32 $0x50000, s19;
	s21 =	sadd.s32 s6, s3;
	[dreg:$0x5] =	wrdreg s5  }
0x13: {  	s28 =	smov.u32 s20;
	s1 =	simm.s32 $0x5C00;
	[dreg:$0x9] =	wrdreg s22  }
0x14: {  	s5 =	sor.u32 $0x2800, s9;
	s9 =	sadd.s32 $0x11800, s9;
	[dreg:$0x12] =	wrdreg s21  }
0x15: {  	s22 =	sadd.s32 s11, s3;
	s14 =	sadd.s32 s8, s5;
	s8 =	sadd.s32 s8, s9  }
0x16: {  	s19 =	sadd.s32 s5, s3;
	[dreg:$0x13] =	wrdreg s22;
	s14 =	sshrl.u32 s14, $0x3  }
0x17: {  	s8 =	sshrl.u32 s8, $0x3;
	[dreg:$0x11] =	wrdreg s19;
	s14 =	sadd.s32 s10, s14  }
0x18: {  	s7 =	sadd.s32 s7, s2;
	s8 =	sadd.s32 s10, s8;
	[dreg:$0x6] =	wrdreg s14  }
0x19: {  	s14 =	sshrl.u32 s30, $0x3;
	[dreg:$0xc] =	wrdreg s8;
	s30 =	sadd.s32 $0x16E00, s7  }
0x1a: {  	s6 =	simm.s32 $0x8400;
	s14 =	sadd.s32 s10, s14;
	[dreg:$0xd] =	wrdreg s30  }
0x1b: {  	s11 =	simm.s32 $0x0;
	s30 =	sadd.s32 $0x400, s20;
	[dreg:$0x7] =	wrdreg s14  }
0x1c: {  	s14 =	sadd.s32 s10, s15;
	s15 =	sor.u32 $0x1C04, s12;
	[dreg:$0x18] =	wrdreg s30  }
0x1d: {  	s12 =	sshrl.u32 s26, $0x2;
	s26 =	sadd.s32 s9, s3;
	[dreg:$0x8] =	wrdreg s14  }
0x1e: {  	s5 =	simm.s32 $0x2;
	s18 =	sadd.s32 s12, s3;
	[dreg:$0x17] =	wrdreg s26  }
0x1f: {  	s14 =	sshrl.u32 s23, $0x3;
	s23 =	sadd.s32 s13, s3;
	[dreg:$0x10] =	wrdreg s18  }
0x20: {  	s8 =	simm.s32 $0x3;
	s14 =	sadd.s32 s10, s14;
	[dreg:$0x14] =	wrdreg s23  }
0x21: {  	s9 =	simm.s32 $0x3200;
	[dreg:$0xa] =	wrdreg s14;
	s14 =	sadd.s32 s10, s25  }
0x22: {  	s10 =	sadd.s32 $0x17076, s7;
	s25 =	sadd.s32 s17, s3;
	[dreg:$0xb] =	wrdreg s14  }
0x23: {  	s7 =	simm.s32 $0x1;
	s14 =	sadd.s32 $0x2C00, s2;
	[dreg:$0xe] =	wrdreg s10  }
0x24: {  	[dreg:$0x16] =	wrdreg s25;
	s2 =	simm.s32 $0x3400;
	s10 =	simm.s32 $0x3280  }
.LBB2_1:
0x25: {  	s12 =	rddreg [dreg:$0x10]  }
0x26: {  	s12 =	sshrl.u32 s12, $0x3  }
0x27: {  	[spmem:s12], [sflag:s15] =	dma.local [hbm:s14], $0x500  }
0x28: {  	_ =	swait.ge [sflag:s29], $0x500  }
0x29: {  	[sflag:s29] =	ssyncset.done $0x0;
	s13 =	rddreg [dreg:$0x11]  }
0x2a: {  	[sflag:s29] =	ssyncadd.s32 $0xFFFFFB00;
	s13 =	sshrl.u32 s13, $0x3  }
0x2b: {  	[spmem:s13], [sflag:s15] =	dma.local [hbm:s14], $0x500  }
0x2c: {  	_ =	swait.ge [sflag:s29], $0x500  }
0x2d: {  	[sflag:s29] =	ssyncset.done $0x0;
	s16 =	rddreg [dreg:$0x12]  }
0x2e: {  	[sflag:s29] =	ssyncadd.s32 $0xFFFFFB00;
	s16 =	sshrl.u32 s16, $0x3  }
0x2f: {  	[spmem:s16], [sflag:s15] =	dma.local [hbm:s14], $0x500  }
0x30: {  	_ =	swait.ge [sflag:s29], $0x500  }
0x31: {  	[sflag:s29] =	ssyncset.done $0x0;
	s17 =	rddreg [dreg:$0x13]  }
0x32: {  	[sflag:s29] =	ssyncadd.s32 $0xFFFFFB00;
	s17 =	sshrl.u32 s17, $0x3  }
0x33: {  	[spmem:s17], [sflag:s15] =	dma.local [hbm:s14], $0x500  }
0x34: {  	_ =	swait.ge [sflag:s29], $0x500  }
0x35: {  	[sflag:s29] =	ssyncset.done $0x0;
	s18 =	rddreg [dreg:$0x14]  }
0x36: {  	[sflag:s29] =	ssyncadd.s32 $0xFFFFFB00;
	s18 =	sshrl.u32 s18, $0x3  }
0x37: {  	[spmem:s18], [sflag:s15] =	dma.local [hbm:s14], $0x500  }
0x38: {  	_ =	swait.ge [sflag:s29], $0x500  }
0x39: {  	[sflag:s29] =	ssyncset.done $0x0;
	s19 =	rddreg [dreg:$0x15]  }
0x3a: {  	[sflag:s29] =	ssyncadd.s32 $0xFFFFFB00;
	s19 =	sshrl.u32 s19, $0x3  }
0x3b: {  	[spmem:s19], [sflag:s15] =	dma.local [hbm:s14], $0x500  }
0x3c: {  	_ =	swait.ge [sflag:s29], $0x500  }
0x3d: {  	[sflag:s29] =	ssyncset.done $0x0;
	s20 =	rddreg [dreg:$0x16]  }
0x3e: {  	[sflag:s29] =	ssyncadd.s32 $0xFFFFFB00;
	s20 =	sshrl.u32 s20, $0x3  }
0x3f: {  	[spmem:s20], [sflag:s15] =	dma.local [hbm:s14], $0x500  }
0x40: {  	_ =	swait.ge [sflag:s29], $0x500  }
0x41: {  	[sflag:s29] =	ssyncset.done $0x0;
	s21 =	rddreg [dreg:$0x17]  }
0x42: {  	[sflag:s29] =	ssyncadd.s32 $0xFFFFFB00;
	s21 =	sshrl.u32 s21, $0x3  }
0x43: {  	[spmem:s21], [sflag:s15] =	dma.local [hbm:s14], $0x500  }
0x44: {  	_ =	swait.ge [sflag:s29], $0x500  }
0x45: {  	[sflag:s29] =	ssyncset.done $0x0  }
0x46: {  	[sflag:s29] =	ssyncadd.s32 $0xFFFFFB00  }
0x47: {  	[bflag:$0x0] =	sbarrier.arrive $0xFFFF  }
0x48: {  	s22 =	rddreg [dreg:$0xd]  }
0x49: {  	[tilespmem:s4], [sflag:$0x4] =	stream.linear.gather [hbm4b:s22+s4], $0x13B0, $0x38;
	[tilespmem:$0x1EC00] =	vst v63  }
0x4a: {  	_ =	swait.ge [sflag:s29], $0x13B0  }
0x4b: {  	[sflag:s29] =	ssyncset.done $0x0  }
0x4c: {  	s24 =	simm.s32 $0x1400;
	[sflag:s29] =	ssyncadd.s32 $0xFFFFEC50  }
0x4d: {  	[tilespmem:s24], [sflag:$0x4] =	stream.linear.gather [hbm4b:s28+s4], $0x1F80, $0x38;
	[tilespmem:$0x1EC00] =	vst v63  }
0x4e: {  	_ =	swait.ge [sflag:s29], $0x1F80  }
0x4f: {  	[sflag:s29] =	ssyncset.done $0x0  }
0x50: {  	[sflag:s29] =	ssyncadd.s32 $0xFFFFE080  }
0x51: {  	[tilespmem:s2], [sflag:$0x1] =	stream.indirect.gather [hbm4b:s0+s31], $0x80, s4, s31, $0xb8;
	[tilespmem:$0x1EC00] =	vst v63  }
0x52: {  	_ = 	snop  }
0x53: {  	[tilespmem:s1], [sflag:$0x2] =	stream.indirect.gather [hbm4b:s0+s31], $0x80, s31, s31, $0xb8;
	[tilespmem:$0x1EC00] =	vst v63  }
0x54: {  	s25 =	simm.s32 $0xA0  }
0x55: {  	[tilespmem:s6], [sflag:$0x3] =	stream.indirect.gather [hbm4b:s0+s31], $0x80, s25, s31, $0xb8;
	[tilespmem:$0x1EC00] =	vst v63  }
0x56: {  	_ =	swait.ge [sflag:s7], $0x2800  }
0x57: {  	[sflag:s7] =	ssyncset.done $0x0  }
0x58: {  	s26 =	simm.s32 $0x1400;
	[sflag:s7] =	ssyncadd.s32 $0xFFFFD800  }
0x59: {  	[spmem:s3] =	stream.indirect.scatter.add.f32 [tilespmem:s2], [sflag:$0x4], $0x80, s26, s31, $0xb8;
	[tilespmem:$0x1EC00] =	vst v63  }
0x5a: {  	_ =	swait.ge [sflag:s29], $0x2800  }
0x5b: {  	[sflag:s29] =	ssyncset.done $0x0  }
0x5c: {  	s23 =	simm.s32 $0xF0;
	[sflag:s29] =	ssyncadd.s32 $0xFFFFD800  }
0x5d: {  	[tilespmem:s2], [sflag:$0x1] =	stream.indirect.gather [hbm4b:s0+s31], $0x80, s23, s31, $0xb8;
	[tilespmem:$0x1EC00] =	vst v63  }
0x5e: {  	_ =	swait.ge [sflag:s5], $0x2800  }
0x5f: {  	[sflag:s5] =	ssyncset.done $0x0  }
0x60: {  	s24 =	simm.s32 $0x1480;
	[sflag:s5] =	ssyncadd.s32 $0xFFFFD800  }
0x61: {  	[spmem:s3] =	stream.indirect.scatter.add.f32 [tilespmem:s1], [sflag:$0x4], $0x80, s24, s31, $0xb8;
	[tilespmem:$0x1EC00] =	vst v63  }
0x62: {  	_ =	swait.ge [sflag:s29], $0x2800  }
0x63: {  	[sflag:s29] =	ssyncset.done $0x0  }
0x64: {  	s25 =	simm.s32 $0x140;
	[sflag:s29] =	ssyncadd.s32 $0xFFFFD800  }
0x65: {  	[tilespmem:s1], [sflag:$0x2] =	stream.indirect.gather [hbm4b:s0+s31], $0x80, s25, s31, $0xb8;
	[tilespmem:$0x1EC00] =	vst v63  }
0x66: {  	_ =	swait.ge [sflag:s8], $0x2800  }
0x67: {  	[sflag:s8] =	ssyncset.done $0x0  }
0x68: {  	s26 =	simm.s32 $0x1500;
	[sflag:s8] =	ssyncadd.s32 $0xFFFFD800  }
0x69: {  	[spmem:s3] =	stream.indirect.scatter.add.f32 [tilespmem:s6], [sflag:$0x4], $0x80, s26, s31, $0xb8;
	[tilespmem:$0x1EC00] =	vst v63  }
0x6a: {  	s30 =	simm.s32 $0xF0;
	_ =	swait.ge [sflag:s29], $0x2800  }
0x6b: {  	s22 =	simm.s32 $0x1600;
	s23 =	simm.s32 $0x780;
	[sflag:s29] =	ssyncset.done $0x0  }
.LBB2_2:
0x6c: {  	s24 =	sadd.s32 $0xA0, s30  }
0x6d: {  	[sflag:s29] =	ssyncadd.s32 $0xFFFFD800;
	s25 =	smov.u32 s23;
	s26 =	sadd.s32 $0x3C0, s23  }
0x6e: {  	[tilespmem:s6], [sflag:$0x3] =	stream.indirect.gather [hbm4b:s0+s31], $0x80, s24, s31, $0xb8;
	[tilespmem:$0x1EC00] =	vst v63  }
0x6f: {  	p0 =	sne.s32 s23, $0x4740;
	_ =	swait.ge [sflag:s7], $0x2800  }
0x70: {  	[sflag:s7] =	ssyncset.done $0x0  }
0x71: {  	s23 =	sadd.s32 $0xFFFFFF80, s22;
	[sflag:s7] =	ssyncadd.s32 $0xFFFFD800  }
0x72: {  	[spmem:s3] =	stream.indirect.scatter.add.f32 [tilespmem:s2], [sflag:$0x4], $0x80, s23, s31, $0xb8;
	[tilespmem:$0x1EC00] =	vst v63  }
0x73: {  	_ =	swait.ge [sflag:s29], $0x2800  }
0x74: {  	[sflag:s29] =	ssyncset.done $0x0  }
0x75: {  	s23 =	sadd.s32 $0xF0, s30;
	[sflag:s29] =	ssyncadd.s32 $0xFFFFD800  }
0x76: {  	[tilespmem:s2], [sflag:$0x1] =	stream.indirect.gather [hbm4b:s0+s31], $0x80, s23, s31, $0xb8;
	[tilespmem:$0x1EC00] =	vst v63  }
0x77: {  	_ =	swait.ge [sflag:s5], $0x2800  }
0x78: {  	[sflag:s5] =	ssyncset.done $0x0  }
0x79: {  	[sflag:s5] =	ssyncadd.s32 $0xFFFFD800  }
0x7a: {  	[spmem:s3] =	stream.indirect.scatter.add.f32 [tilespmem:s1], [sflag:$0x4], $0x80, s22, s31, $0xb8;
	[tilespmem:$0x1EC00] =	vst v63  }
0x7b: {  	_ =	swait.ge [sflag:s29], $0x2800  }
0x7c: {  	[sflag:s29] =	ssyncset.done $0x0  }
0x7d: {  	s23 =	sadd.s32 $0x140, s30;
	[sflag:s29] =	ssyncadd.s32 $0xFFFFD800  }
0x7e: {  	[tilespmem:s1], [sflag:$0x2] =	stream.indirect.gather [hbm4b:s0+s31], $0x80, s23, s31, $0xb8;
	[tilespmem:$0x1EC00] =	vst v63  }
0x7f: {  	_ =	swait.ge [sflag:s8], $0x2800  }
.Ltmp0:
0x80: {  	[sflag:s8] =	ssyncset.done $0x0;
	(pc) =	sbr.rel @p0 .LBB2_2-.Ltmp0, $4  }
0x81: {  	s23 =	sadd.s32 $0x80, s22;
	[sflag:s8] =	ssyncadd.s32 $0xFFFFD800  }
0x82: {  	[spmem:s3] =	stream.indirect.scatter.add.f32 [tilespmem:s6], [sflag:$0x4], $0x80, s23, s31, $0xb8;
	[tilespmem:$0x1EC00] =	vst v63  }
0x83: {  	s30 =	sshra.s32 s25, $0x2;
	_ =	swait.ge [sflag:s29], $0x2800  }
0x84: {  	s22 =	sadd.s32 $0x180, s22;
	s23 =	smov.u32 s26;
	[sflag:s29] =	ssyncset.done $0x0  }
0x85: {  	s23 =	sadd.s32 $0xA0, s30;
	[sflag:s29] =	ssyncadd.s32 $0xFFFFD800  }
0x86: {  	[tilespmem:s6], [sflag:$0x3] =	stream.indirect.gather [hbm4b:s0+s31], $0x80, s23, s31, $0xb8;
	[tilespmem:$0x1EC00] =	vst v63  }
0x87: {  	_ =	swait.ge [sflag:s7], $0x2800  }
0x88: {  	[sflag:s7] =	ssyncset.done $0x0  }
0x89: {  	s26 =	sadd.s32 $0xFFFFFF80, s22;
	[sflag:s7] =	ssyncadd.s32 $0xFFFFD800  }
0x8a: {  	[spmem:s3] =	stream.indirect.scatter.add.f32 [tilespmem:s2], [sflag:$0x4], $0x80, s26, s31, $0xb8;
	[tilespmem:$0x1EC00] =	vst v63  }
0x8b: {  	_ =	swait.ge [sflag:s29], $0x2800  }
0x8c: {  	[sflag:s29] =	ssyncset.done $0x0  }
0x8d: {  	s24 =	sadd.s32 $0xF0, s30;
	[sflag:s29] =	ssyncadd.s32 $0xFFFFD800  }
0x8e: {  	[tilespmem:s2], [sflag:$0x1] =	stream.indirect.gather [hbm4b:s0+s31], $0x80, s24, s31, $0xb8;
	[tilespmem:$0x1EC00] =	vst v63  }
0x8f: {  	_ =	swait.ge [sflag:s5], $0x2800  }
0x90: {  	[sflag:s5] =	ssyncset.done $0x0  }
0x91: {  	[sflag:s5] =	ssyncadd.s32 $0xFFFFD800  }
0x92: {  	[spmem:s3] =	stream.indirect.scatter.add.f32 [tilespmem:s1], [sflag:$0x4], $0x80, s22, s31, $0xb8;
	[tilespmem:$0x1EC00] =	vst v63  }
0x93: {  	_ =	swait.ge [sflag:s29], $0x2800  }
0x94: {  	[sflag:s29] =	ssyncset.done $0x0  }
0x95: {  	s25 =	sadd.s32 $0x140, s30;
	[sflag:s29] =	ssyncadd.s32 $0xFFFFD800  }
0x96: {  	[tilespmem:s1], [sflag:$0x2] =	stream.indirect.gather [hbm4b:s0+s31], $0x80, s25, s31, $0xb8;
	[tilespmem:$0x1EC00] =	vst v63  }
0x97: {  	_ =	swait.ge [sflag:s8], $0x2800  }
0x98: {  	[sflag:s8] =	ssyncset.done $0x0  }
0x99: {  	s26 =	sadd.s32 $0x80, s22;
	[sflag:s8] =	ssyncadd.s32 $0xFFFFD800  }
0x9a: {  	[spmem:s3] =	stream.indirect.scatter.add.f32 [tilespmem:s6], [sflag:$0x4], $0x80, s26, s31, $0xb8;
	[tilespmem:$0x1EC00] =	vst v63  }
0x9b: {  	_ =	swait.ge [sflag:s29], $0x2800  }
0x9c: {  	[sflag:s29] =	ssyncset.done $0x0  }
0x9d: {  	s23 =	simm.s32 $0x1360;
	[sflag:s29] =	ssyncadd.s32 $0xFFFFD800  }
0x9e: {  	[tilespmem:s6], [sflag:$0x3] =	stream.indirect.gather [hbm4b:s0+s31], $0x80, s23, s31, $0xb8;
	[tilespmem:$0x1EC00] =	vst v63  }
0x9f: {  	_ =	swait.ge [sflag:s7], $0x2800  }
0xa0: {  	[sflag:s7] =	ssyncset.done $0x0  }
0xa1: {  	[sflag:s7] =	ssyncadd.s32 $0xFFFFD800  }
0xa2: {  	[spmem:s3] =	stream.indirect.scatter.add.f32 [tilespmem:s2], [sflag:$0x4], $0x80, s9, s31, $0xb8;
	[tilespmem:$0x1EC00] =	vst v63  }
0xa3: {  	_ =	swait.ge [sflag:s29], $0x2800  }
0xa4: {  	[sflag:s29] =	ssyncset.done $0x0  }
0xa5: {  	[sflag:s29] =	ssyncadd.s32 $0xFFFFD800  }
0xa6: {  	_ =	swait.ge [sflag:s5], $0x2800  }
0xa7: {  	[sflag:s5] =	ssyncset.done $0x0  }
0xa8: {  	[sflag:s5] =	ssyncadd.s32 $0xFFFFD800  }
0xa9: {  	[spmem:s3] =	stream.indirect.scatter.add.f32 [tilespmem:s1], [sflag:$0x4], $0x80, s10, s31, $0xb8;
	[tilespmem:$0x1EC00] =	vst v63  }
0xaa: {  	_ =	swait.ge [sflag:s29], $0x2800  }
0xab: {  	[sflag:s29] =	ssyncset.done $0x0  }
0xac: {  	[sflag:s29] =	ssyncadd.s32 $0xFFFFD800  }
0xad: {  	_ =	swait.ge [sflag:s8], $0x2800  }
0xae: {  	[sflag:s8] =	ssyncset.done $0x0  }
0xaf: {  	s24 =	simm.s32 $0x3300;
	[sflag:s8] =	ssyncadd.s32 $0xFFFFD800  }
0xb0: {  	[spmem:s3] =	stream.indirect.scatter.add.f32 [tilespmem:s6], [sflag:$0x4], $0x80, s24, s31, $0xb8;
	[tilespmem:$0x1EC00] =	vst v63  }
0xb1: {  	_ =	swait.ge [sflag:s29], $0x2800  }
0xb2: {  	[sflag:s29] =	ssyncset.done $0x0  }
0xb3: {  	s22 =	simm.s32 $0x0;
	s25 =	rddreg [dreg:$0xe];
	[sflag:s29] =	ssyncadd.s32 $0xFFFFD800  }
0xb4: {  	[tilespmem:s22], [sflag:$0x4] =	stream.linear.gather [hbm4b:s25+s22], $0x13B0, $0x38;
	[tilespmem:$0x1EC00] =	vst v63  }
0xb5: {  	_ =	swait.ge [sflag:s29], $0x13B0  }
0xb6: {  	[sflag:s29] =	ssyncset.done $0x0  }
0xb7: {  	s24 =	simm.s32 $0x1400;
	s26 =	rddreg [dreg:$0x18];
	[sflag:s29] =	ssyncadd.s32 $0xFFFFEC50  }
0xb8: {  	[tilespmem:s24], [sflag:$0x4] =	stream.linear.gather [hbm4b:s26+s22], $0x1F80, $0x38;
	[tilespmem:$0x1EC00] =	vst v63  }
0xb9: {  	_ =	swait.ge [sflag:s29], $0x1F80  }
0xba: {  	[sflag:s29] =	ssyncset.done $0x0  }
0xbb: {  	[sflag:s29] =	ssyncadd.s32 $0xFFFFE080  }
0xbc: {  	[tilespmem:s2], [sflag:$0x1] =	stream.indirect.gather [hbm4b:s0+s31], $0x80, s22, s31, $0xb8;
	[tilespmem:$0x1EC00] =	vst v63  }
0xbd: {  	_ = 	snop  }
0xbe: {  	[tilespmem:s1], [sflag:$0x2] =	stream.indirect.gather [hbm4b:s0+s31], $0x80, s31, s31, $0xb8;
	[tilespmem:$0x1EC00] =	vst v63  }
0xbf: {  	s25 =	simm.s32 $0xA0  }
0xc0: {  	[tilespmem:s6], [sflag:$0x3] =	stream.indirect.gather [hbm4b:s0+s31], $0x80, s25, s31, $0xb8;
	[tilespmem:$0x1EC00] =	vst v63  }
0xc1: {  	_ =	swait.ge [sflag:s7], $0x2800  }
0xc2: {  	[sflag:s7] =	ssyncset.done $0x0  }
0xc3: {  	s26 =	simm.s32 $0x1400;
	[sflag:s7] =	ssyncadd.s32 $0xFFFFD800  }
0xc4: {  	[spmem:s3] =	stream.indirect.scatter.add.f32 [tilespmem:s2], [sflag:$0x4], $0x80, s26, s31, $0xb8;
	[tilespmem:$0x1EC00] =	vst v63  }
0xc5: {  	_ =	swait.ge [sflag:s29], $0x2800  }
0xc6: {  	[sflag:s29] =	ssyncset.done $0x0  }
0xc7: {  	s23 =	simm.s32 $0xF0;
	[sflag:s29] =	ssyncadd.s32 $0xFFFFD800  }
0xc8: {  	[tilespmem:s2], [sflag:$0x1] =	stream.indirect.gather [hbm4b:s0+s31], $0x80, s23, s31, $0xb8;
	[tilespmem:$0x1EC00] =	vst v63  }
0xc9: {  	_ =	swait.ge [sflag:s5], $0x2800  }
0xca: {  	[sflag:s5] =	ssyncset.done $0x0  }
0xcb: {  	s24 =	simm.s32 $0x1480;
	[sflag:s5] =	ssyncadd.s32 $0xFFFFD800  }
0xcc: {  	[spmem:s3] =	stream.indirect.scatter.add.f32 [tilespmem:s1], [sflag:$0x4], $0x80, s24, s31, $0xb8;
	[tilespmem:$0x1EC00] =	vst v63  }
0xcd: {  	_ =	swait.ge [sflag:s29], $0x2800  }
0xce: {  	[sflag:s29] =	ssyncset.done $0x0  }
0xcf: {  	s25 =	simm.s32 $0x140;
	[sflag:s29] =	ssyncadd.s32 $0xFFFFD800  }
0xd0: {  	[tilespmem:s1], [sflag:$0x2] =	stream.indirect.gather [hbm4b:s0+s31], $0x80, s25, s31, $0xb8;
	[tilespmem:$0x1EC00] =	vst v63  }
0xd1: {  	_ =	swait.ge [sflag:s8], $0x2800  }
0xd2: {  	[sflag:s8] =	ssyncset.done $0x0  }
0xd3: {  	s26 =	simm.s32 $0x1500;
	[sflag:s8] =	ssyncadd.s32 $0xFFFFD800  }
0xd4: {  	[spmem:s3] =	stream.indirect.scatter.add.f32 [tilespmem:s6], [sflag:$0x4], $0x80, s26, s31, $0xb8;
	[tilespmem:$0x1EC00] =	vst v63  }
0xd5: {  	s30 =	simm.s32 $0xF0;
	_ =	swait.ge [sflag:s29], $0x2800  }
0xd6: {  	s22 =	simm.s32 $0x1600;
	s23 =	simm.s32 $0x780;
	[sflag:s29] =	ssyncset.done $0x0  }
.LBB2_4:
0xd7: {  	s24 =	sadd.s32 $0xA0, s30  }
0xd8: {  	[sflag:s29] =	ssyncadd.s32 $0xFFFFD800;
	s25 =	smov.u32 s23;
	s26 =	sadd.s32 $0x3C0, s23  }
0xd9: {  	[tilespmem:s6], [sflag:$0x3] =	stream.indirect.gather [hbm4b:s0+s31], $0x80, s24, s31, $0xb8;
	[tilespmem:$0x1EC00] =	vst v63  }
0xda: {  	p0 =	sne.s32 s23, $0x4740;
	_ =	swait.ge [sflag:s7], $0x2800  }
0xdb: {  	[sflag:s7] =	ssyncset.done $0x0  }
0xdc: {  	s23 =	sadd.s32 $0xFFFFFF80, s22;
	[sflag:s7] =	ssyncadd.s32 $0xFFFFD800  }
0xdd: {  	[spmem:s3] =	stream.indirect.scatter.add.f32 [tilespmem:s2], [sflag:$0x4], $0x80, s23, s31, $0xb8;
	[tilespmem:$0x1EC00] =	vst v63  }
0xde: {  	_ =	swait.ge [sflag:s29], $0x2800  }
0xdf: {  	[sflag:s29] =	ssyncset.done $0x0  }
0xe0: {  	s23 =	sadd.s32 $0xF0, s30;
	[sflag:s29] =	ssyncadd.s32 $0xFFFFD800  }
0xe1: {  	[tilespmem:s2], [sflag:$0x1] =	stream.indirect.gather [hbm4b:s0+s31], $0x80, s23, s31, $0xb8;
	[tilespmem:$0x1EC00] =	vst v63  }
0xe2: {  	_ =	swait.ge [sflag:s5], $0x2800  }
0xe3: {  	[sflag:s5] =	ssyncset.done $0x0  }
0xe4: {  	[sflag:s5] =	ssyncadd.s32 $0xFFFFD800  }
0xe5: {  	[spmem:s3] =	stream.indirect.scatter.add.f32 [tilespmem:s1], [sflag:$0x4], $0x80, s22, s31, $0xb8;
	[tilespmem:$0x1EC00] =	vst v63  }
0xe6: {  	_ =	swait.ge [sflag:s29], $0x2800  }
0xe7: {  	[sflag:s29] =	ssyncset.done $0x0  }
0xe8: {  	s23 =	sadd.s32 $0x140, s30;
	[sflag:s29] =	ssyncadd.s32 $0xFFFFD800  }
0xe9: {  	[tilespmem:s1], [sflag:$0x2] =	stream.indirect.gather [hbm4b:s0+s31], $0x80, s23, s31, $0xb8;
	[tilespmem:$0x1EC00] =	vst v63  }
0xea: {  	_ =	swait.ge [sflag:s8], $0x2800  }
.Ltmp1:
0xeb: {  	[sflag:s8] =	ssyncset.done $0x0;
	(pc) =	sbr.rel @p0 .LBB2_4-.Ltmp1, $4  }
0xec: {  	s23 =	sadd.s32 $0x80, s22;
	[sflag:s8] =	ssyncadd.s32 $0xFFFFD800  }
0xed: {  	[spmem:s3] =	stream.indirect.scatter.add.f32 [tilespmem:s6], [sflag:$0x4], $0x80, s23, s31, $0xb8;
	[tilespmem:$0x1EC00] =	vst v63  }
0xee: {  	s30 =	sshra.s32 s25, $0x2;
	_ =	swait.ge [sflag:s29], $0x2800  }
0xef: {  	s22 =	sadd.s32 $0x180, s22;
	s23 =	smov.u32 s26;
	[sflag:s29] =	ssyncset.done $0x0  }
0xf0: {  	s23 =	sadd.s32 $0xA0, s30;
	[sflag:s29] =	ssyncadd.s32 $0xFFFFD800  }
0xf1: {  	[tilespmem:s6], [sflag:$0x3] =	stream.indirect.gather [hbm4b:s0+s31], $0x80, s23, s31, $0xb8;
	[tilespmem:$0x1EC00] =	vst v63  }
0xf2: {  	_ =	swait.ge [sflag:s7], $0x2800  }
0xf3: {  	[sflag:s7] =	ssyncset.done $0x0  }
0xf4: {  	s25 =	sadd.s32 $0xFFFFFF80, s22;
	[sflag:s7] =	ssyncadd.s32 $0xFFFFD800  }
0xf5: {  	[spmem:s3] =	stream.indirect.scatter.add.f32 [tilespmem:s2], [sflag:$0x4], $0x80, s25, s31, $0xb8;
	[tilespmem:$0x1EC00] =	vst v63  }
0xf6: {  	_ =	swait.ge [sflag:s29], $0x2800  }
0xf7: {  	[sflag:s29] =	ssyncset.done $0x0  }
0xf8: {  	s26 =	sadd.s32 $0xF0, s30;
	[sflag:s29] =	ssyncadd.s32 $0xFFFFD800  }
0xf9: {  	[tilespmem:s2], [sflag:$0x1] =	stream.indirect.gather [hbm4b:s0+s31], $0x80, s26, s31, $0xb8;
	[tilespmem:$0x1EC00] =	vst v63  }
0xfa: {  	_ =	swait.ge [sflag:s5], $0x2800  }
0xfb: {  	[sflag:s5] =	ssyncset.done $0x0  }
0xfc: {  	[sflag:s5] =	ssyncadd.s32 $0xFFFFD800  }
0xfd: {  	[spmem:s3] =	stream.indirect.scatter.add.f32 [tilespmem:s1], [sflag:$0x4], $0x80, s22, s31, $0xb8;
	[tilespmem:$0x1EC00] =	vst v63  }
0xfe: {  	_ =	swait.ge [sflag:s29], $0x2800  }
0xff: {  	[sflag:s29] =	ssyncset.done $0x0  }
0x100: {  	s24 =	sadd.s32 $0x140, s30;
	[sflag:s29] =	ssyncadd.s32 $0xFFFFD800  }
0x101: {  	[tilespmem:s1], [sflag:$0x2] =	stream.indirect.gather [hbm4b:s0+s31], $0x80, s24, s31, $0xb8;
	[tilespmem:$0x1EC00] =	vst v63  }
0x102: {  	_ =	swait.ge [sflag:s8], $0x2800  }
0x103: {  	[sflag:s8] =	ssyncset.done $0x0  }
0x104: {  	s25 =	sadd.s32 $0x80, s22;
	[sflag:s8] =	ssyncadd.s32 $0xFFFFD800  }
0x105: {  	[spmem:s3] =	stream.indirect.scatter.add.f32 [tilespmem:s6], [sflag:$0x4], $0x80, s25, s31, $0xb8;
	[tilespmem:$0x1EC00] =	vst v63  }
0x106: {  	_ =	swait.ge [sflag:s29], $0x2800  }
0x107: {  	[sflag:s29] =	ssyncset.done $0x0  }
0x108: {  	[sflag:s29] =	ssyncadd.s32 $0xFFFFD800  }
0x109: {  	_ =	swait.ge [sflag:s7], $0x2800  }
0x10a: {  	[sflag:s7] =	ssyncset.done $0x0  }
0x10b: {  	[sflag:s7] =	ssyncadd.s32 $0xFFFFD800  }
0x10c: {  	[spmem:s3] =	stream.indirect.scatter.add.f32 [tilespmem:s2], [sflag:$0x4], $0x80, s9, s31, $0xb8;
	[tilespmem:$0x1EC00] =	vst v63  }
0x10d: {  	_ =	swait.ge [sflag:s29], $0x2800  }
0x10e: {  	[sflag:s29] =	ssyncset.done $0x0  }
0x10f: {  	[sflag:s29] =	ssyncadd.s32 $0xFFFFD800  }
0x110: {  	_ =	swait.ge [sflag:s5], $0x2800  }
0x111: {  	[sflag:s5] =	ssyncset.done $0x0  }
0x112: {  	[sflag:s5] =	ssyncadd.s32 $0xFFFFD800  }
0x113: {  	[spmem:s3] =	stream.indirect.scatter.add.f32 [tilespmem:s1], [sflag:$0x4], $0x80, s10, s31, $0xb8;
	[tilespmem:$0x1EC00] =	vst v63  }
0x114: {  	_ =	swait.ge [sflag:s29], $0x2800  }
0x115: {  	[sflag:s29] =	ssyncset.done $0x0  }
0x116: {  	[sflag:s29] =	ssyncadd.s32 $0xFFFFD800  }
0x117: {  	[bflag:$0x0] =	sbarrier.arrive $0xFFFF  }
0x118: {  	s26 =	rddreg [dreg:$0x5]  }
0x119: {  	[hbm:s26], [sflag:s15] =	dma.local [spmem:s12], $0x500  }
0x11a: {  	_ =	swait.ge [sflag:s29], $0x500  }
0x11b: {  	[sflag:s29] =	ssyncset.done $0x0  }
0x11c: {  	s30 =	rddreg [dreg:$0x6];
	[sflag:s29] =	ssyncadd.s32 $0xFFFFFB00  }
0x11d: {  	[hbm:s30], [sflag:s15] =	dma.local [spmem:s13], $0x500  }
0x11e: {  	_ =	swait.ge [sflag:s29], $0x500  }
0x11f: {  	[sflag:s29] =	ssyncset.done $0x0  }
0x120: {  	s13 =	rddreg [dreg:$0x7];
	[sflag:s29] =	ssyncadd.s32 $0xFFFFFB00  }
0x121: {  	[hbm:s13], [sflag:s15] =	dma.local [spmem:s16], $0x500  }
0x122: {  	_ =	swait.ge [sflag:s29], $0x500  }
0x123: {  	[sflag:s29] =	ssyncset.done $0x0  }
0x124: {  	s22 =	rddreg [dreg:$0x8];
	[sflag:s29] =	ssyncadd.s32 $0xFFFFFB00  }
0x125: {  	[hbm:s22], [sflag:s15] =	dma.local [spmem:s17], $0x500  }
0x126: {  	_ =	swait.ge [sflag:s29], $0x500  }
0x127: {  	[sflag:s29] =	ssyncset.done $0x0  }
0x128: {  	s23 =	rddreg [dreg:$0x9];
	[sflag:s29] =	ssyncadd.s32 $0xFFFFFB00  }
0x129: {  	[hbm:s23], [sflag:s15] =	dma.local [spmem:s18], $0x500  }
0x12a: {  	_ =	swait.ge [sflag:s29], $0x500  }
0x12b: {  	[sflag:s29] =	ssyncset.done $0x0  }
0x12c: {  	s24 =	rddreg [dreg:$0xa];
	[sflag:s29] =	ssyncadd.s32 $0xFFFFFB00  }
0x12d: {  	[hbm:s24], [sflag:s15] =	dma.local [spmem:s19], $0x500  }
0x12e: {  	_ =	swait.ge [sflag:s29], $0x500  }
0x12f: {  	[sflag:s29] =	ssyncset.done $0x0  }
0x130: {  	s25 =	rddreg [dreg:$0xb];
	[sflag:s29] =	ssyncadd.s32 $0xFFFFFB00  }
0x131: {  	[hbm:s25], [sflag:s15] =	dma.local [spmem:s20], $0x500  }
0x132: {  	_ =	swait.ge [sflag:s29], $0x500  }
0x133: {  	[sflag:s29] =	ssyncset.done $0x0  }
0x134: {  	s26 =	rddreg [dreg:$0xc];
	[sflag:s29] =	ssyncadd.s32 $0xFFFFFB00  }
0x135: {  	[hbm:s26], [sflag:s15] =	dma.local [spmem:s21], $0x500  }
0x136: {  	_ =	swait.ge [sflag:s29], $0x500  }
0x137: {  	s11 =	sadd.s32 $0x1, s11;
	s30 =	rddreg [dreg:$0xf]  }
0x138: {  	p0 =	sne.s32 s11, s30  }
.Ltmp2:
0x139: {  	_ = 	snop;
	(pc) =	sbr.rel @p0 .LBB2_1-.Ltmp2, $3  }
0x13a: {  	_ =	sdelay $0x1  }
0x13b: {  	[sflag:s29] =	ssyncset.done $0x0  }
0x13c: {  	[sflag:s29] =	ssyncadd.s32 $0xFFFFFB00  }
0x13d: {  	_ =	sfence.sel $0x180000  }
0x13e: {  	[bflag:$0x0] =	sbarrier.arrive $0xFFFF  }
0x13f: {  	_ =	strace $0x9000004A  }
0x140: {  	s0 =	stileid.u32;
	[bflag:$0x2] =	sbarrier.arrive $0xFFFF  }
0x141: {  	p0 =	sne.s32 s0, $0x0;
	s0 =	rddreg [dreg:$0x4]  }
0x142: {  	s0 =	sadd.s32 @!p0 $0x100000, s0  }
0x143: {  	[sflag:s0] =	ssyncadd.tile.s32 @!p0 $0x1;
	_ =	shalt  }
.Lfunc_end2:
_tile_overlayer_lowered:
.L_overlay_start_2:
0x144: {  	(tag) =	ssettag $0x2  }
0x145: {  	s0 =	rddreg [dreg:$0x0];
	s2 =	stileid.u32  }
0x146: {  	s1 =	rddreg [dreg:$0x1];
	p0 =	sne.s32 s2, $0x0  }
0x147: {  	s3 =	rddreg [dreg:$0x2];
	[bflag:$0x3] =	sbarrier.arrive $0xFFFF;
	s2 =	simm.s32 @!p0 $0x1C04  }
0x148: {  	[timem:s3], [sflag:s2] =	dma.local @!p0 [hbm:s0], s1  }
0x149: {  	s0 =	simm.s32 @!p0 $0x4  }
0x14a: {  	_ =	swait.ge @!p0 [sflag:s0], s1  }
0x14b: {  	s1 =	ssub.s32 @!p0 $0x0, s1;
	[sflag:s0] =	ssyncset.done @!p0 $0x0  }
0x14c: {  	[sflag:s0] =	ssyncadd.s32 @!p0 s1  }
0x14d: {  	[bflag:$0x3] =	sbarrier.arrive $0xFFFF  }
0x14e: {  	_ =	shalt  }

// kernel: kernel.14.cloned.1.call-start
scs
__scs_entry_jumppad:
0x0: {  	(pc) =	sbr.rel $0x88, $3  }
0x1: {  	(tag) =	ssettag $0x0;
	lr =	simm.s32 $0x1  }
0x2: {  	[smem:$0x3F9B] =	sst lr;
	_ =	strace $0xD0000000  }
0x3: {  	_ = 	snop  }
0x4: {  	_ = 	snop  }
0x5: {  	_ = 	snop  }
0x6: {  	_ = 	snop  }
0x7: {  	_ = 	snop  }
__scs_overlays_trampoline_lowered:
0x8: {  	[smem:$0x3FAA] =	sst s0  }
0x9: {  	[smem:$0x3FAB] =	sst s1  }
0xa: {  	[smem:$0x3FAC] =	sst s2  }
0xb: {  	[smem:$0x3FAD] =	sst s3  }
0xc: {  	[smem:$0x3FAE] =	sst s4  }
0xd: {  	[smem:$0x3FAF] =	sst s5  }
0xe: {  	[smem:$0x3FB0] =	sst s6  }
0xf: {  	[smem:$0x3FB1] =	sst s7  }
0x10: {  	[smem:$0x3FB2] =	sst s8  }
0x11: {  	[smem:$0x3FB3] =	sst s9;
	s0 =	simm.s32 @!p0 $0x0  }
0x12: {  	s1 =	sld [smem:$0x3F99];
	s0 =	simm.s32 @p0 $0x1  }
0x13: {  	[smem:$0x3FB4] =	sst s0;
	s0 =	simm.s32 @!p1 $0x0  }
0x14: {  	s2 =	sld [smem:$0x3F98];
	s0 =	simm.s32 @p1 $0x1  }
0x15: {  	[smem:$0x3FB5] =	sst s0;
	s0 =	simm.s32 @!p2 $0x0  }
0x16: {  	s3 =	sld [smem:$0x3FDB];
	s0 =	simm.s32 @p2 $0x1  }
0x17: {  	s4 =	simm.s32 $0x1BF5;
	[smem:$0x3FB7] =	sst s0  }
0x18: {  	s0 =	sld [smem:$0x3F9A];
	_ =	swait.ge [sflag:s4], $0x0  }
0x19: {  	s7 =	sld [smem:$0x3F9B]  }
0x1a: {  	s8 =	sadd.s32 $0xFFFFE003, lr  }
0x1b: {  	s9 =	sadd.s32 $0xFFFFFEF7, lr;
	s5 =	simm.s32 $0xFFFFFFFF;
	p2 =	slt.u32 s8, $0xFFFFF086  }
0x1c: {  	p1 =	slt.u32 s9, $0xF7A;
	s5 =	simm.s32 @!p2 $0x0  }
0x1d: {  	s5 =	simm.s32 @p1 $0x1;
	p0 =	seq.s32 s7, s2  }
0x1e: {  	s7 =	smul.u32 @!p0 $0xF7A, s2;
	p2 =	seq.s32 @!p0 s5, $0x0  }
0x1f: {  	s9 =	smul.u32 $0xF7A, s1;
	s8 =	simm.s32 @!p0 $0x1BF5;
	p2 =	por !p2, p0  }
0x20: {  	[sflag:s8] =	ssyncset.s32 @!p0 $0xFFFFF086;
	s6 =	sadd.s32 @!p0 s3, s7;
	s7 =	simm.s32 @!p0 $0x108  }
0x21: {  	s3 =	sadd.s32 s3, s9;
	s6 =	sadd.s32 @!p0 $0x88, s6;
	s7 =	simm.s32 @p2 $0x1082  }
0x22: {  	[simem:s7], [sflag:s8] =	dma.local @!p0 [hbm:s6], $0xF7A  }
0x23: {  	s9 =	sor.u32 $0xD0000000, s2;
	s6 =	simm.s32 $0x108;
	_ =	swait.ge @!p0 [sflag:s8], $0x0  }
0x24: {  	s3 =	sadd.s32 $0x88, s3;
	s6 =	simm.s32 @!p1 $0x1082;
	[sflag:s4] =	ssyncset.s32 $0xFFFFF086  }
0x25: {  	[simem:s6], [sflag:s4] =	dma.local [hbm:s3], $0xF7A  }
0x26: {  	[smem:$0x3F9B] =	sst s1;
	(tag) =	ssettag s2;
	_ =	strace s9  }
0x27: {  	s1 =	sld [smem:$0x3FAB]  }
0x28: {  	s2 =	sld [smem:$0x3FAC]  }
0x29: {  	s4 =	sld [smem:$0x3FAE]  }
0x2a: {  	p0 =	seq.s32 s5, $0x0;
	s5 =	sld [smem:$0x3FAF]  }
0x2b: {  	s6 =	sld [smem:$0x3FB0]  }
0x2c: {  	s7 =	sld [smem:$0x3FB1]  }
0x2d: {  	s3 =	simm.s32 $0x108;
	s8 =	sld [smem:$0x3FB2]  }
0x2e: {  	s3 =	simm.s32 @!p0 $0x1082;
	s9 =	sld [smem:$0x3FB3]  }
0x2f: {  	lr =	sadd.s32 s0, s3;
	s0 =	sld [smem:$0x3FAA]  }
0x30: {  	s3 =	sld [smem:$0x3FAD]  }
0x31: {  	[smem:$0x3FB6] =	sst s10  }
0x32: {  	s10 =	sld [smem:$0x3FB4];
	_ =	sdelay $0x3  }
0x33: {  	p0 =	seq.s32 s10, $0x1;
	s10 =	sld [smem:$0x3FB6];
	_ =	sdelay $0x3  }
0x34: {  	[smem:$0x3FB6] =	sst s10  }
0x35: {  	s10 =	sld [smem:$0x3FB5];
	_ =	sdelay $0x3  }
0x36: {  	p1 =	seq.s32 s10, $0x1;
	s10 =	sld [smem:$0x3FB6];
	_ =	sdelay $0x3  }
0x37: {  	[smem:$0x3FB6] =	sst s10  }
0x38: {  	s10 =	sld [smem:$0x3FB7]  }
0x39: {  	_ = 	snop;
	(pc) =	sbr.ind lr, $3  }
0x3a: {  	_ = 	snop  }
0x3b: {  	_ = 	snop  }
0x3c: {  	p2 =	seq.s32 s10, $0x1;
	s10 =	sld [smem:$0x3FB6]  }
0x3d: {  	_ =	shalt  }
0x3e: {  	_ =	shalt  }
0x3f: {  	_ =	shalt  }
0x40: {  	_ =	shalt  }
0x41: {  	_ =	shalt  }
0x42: {  	_ =	shalt  }
0x43: {  	_ =	shalt  }
0x44: {  	_ =	shalt  }
0x45: {  	_ =	shalt  }
0x46: {  	_ =	shalt  }
0x47: {  	_ =	shalt  }
0x48: {  	_ =	shalt  }
0x49: {  	_ =	shalt  }
0x4a: {  	_ =	shalt  }
0x4b: {  	_ =	shalt  }
0x4c: {  	_ =	shalt  }
0x4d: {  	_ =	shalt  }
0x4e: {  	_ =	shalt  }
0x4f: {  	_ =	shalt  }
0x50: {  	_ =	shalt  }
0x51: {  	_ =	shalt  }
0x52: {  	_ =	shalt  }
0x53: {  	_ =	shalt  }
0x54: {  	_ =	shalt  }
0x55: {  	_ =	shalt  }
0x56: {  	_ =	shalt  }
0x57: {  	_ =	shalt  }
0x58: {  	_ =	shalt  }
0x59: {  	_ =	shalt  }
0x5a: {  	_ =	shalt  }
0x5b: {  	_ =	shalt  }
0x5c: {  	_ =	shalt  }
0x5d: {  	_ =	shalt  }
0x5e: {  	_ =	shalt  }
0x5f: {  	_ =	shalt  }
0x60: {  	_ =	shalt  }
0x61: {  	_ =	shalt  }
0x62: {  	_ =	shalt  }
0x63: {  	_ =	shalt  }
0x64: {  	_ =	shalt  }
0x65: {  	_ =	shalt  }
0x66: {  	_ =	shalt  }
0x67: {  	_ =	shalt  }
0x68: {  	_ =	shalt  }
0x69: {  	_ =	shalt  }
0x6a: {  	_ =	shalt  }
0x6b: {  	_ =	shalt  }
0x6c: {  	_ =	shalt  }
0x6d: {  	_ =	shalt  }
0x6e: {  	_ =	shalt  }
0x6f: {  	_ =	shalt  }
0x70: {  	_ =	shalt  }
0x71: {  	_ =	shalt  }
0x72: {  	_ =	shalt  }
0x73: {  	_ =	shalt  }
0x74: {  	_ =	shalt  }
0x75: {  	_ =	shalt  }
0x76: {  	_ =	shalt  }
0x77: {  	_ =	shalt  }
0x78: {  	_ =	shalt  }
0x79: {  	_ =	shalt  }
0x7a: {  	_ =	shalt  }
0x7b: {  	_ =	shalt  }
0x7c: {  	_ =	shalt  }
0x7d: {  	_ =	shalt  }
0x7e: {  	_ =	shalt  }
0x7f: {  	_ =	shalt  }
0x80: {  	_ =	shalt  }
0x81: {  	_ =	shalt  }
0x82: {  	_ =	shalt  }
0x83: {  	_ =	shalt  }
0x84: {  	_ =	shalt  }
0x85: {  	_ =	shalt  }
0x86: {  	_ =	shalt  }
0x87: {  	_ =	shalt  }
.Lfunc_end0:
.L_simem_size_0:
called_computation.2_lowered:
.L_overlay_start_0:
0x88: {  	s2 =	sld [smem:$0x3FD9]  }
0x89: {  	s3 =	sld [smem:$0x3FFE];
	_ =	sdelay $0x1  }
0x8a: {  	s1 =	srdreg.scid  }
0x8b: {  	s0 =	sand.u32 $0x1, s1  }
0x8c: {  	s14 =	sshll.u32 s0, $0xA;
	s2 =	sadd.s32 s3, s2  }
0x8d: {  	s2 =	sadd.s32 s2, s14  }
0x8e: {  	[smem:$0x3FC2] =	sst s2  }
0x8f: {  	_ = 	snop  }
0x90: {  	s2 =	sld [smem:$0x3FD0];
	_ =	sdelay $0x2  }
0x91: {  	s15 =	simm.s32 $0xA;
	s4 =	simm.s32 $0x10  }
0x92: {  	[smem:s4], [sflag:s15] =	dma.local [hbm:s2], $0x1  }
0x93: {  	_ =	swait.eq [sflag:s15], $0x1  }
0x94: {  	[sflag:s15] =	ssyncset.done $0x0  }
0x95: {  	s16 =	sld [smem:$0x10];
	[sflag:s15] =	ssyncadd.s32 $0xFFFFFFFF  }
0x96: {  	s17 =	sld [smem:$0x12];
	(tm) =	ssettm $0x1  }
0x97: {  	s18 =	sld [smem:$0x3FFB];
	_ =	sdelay $0x3  }
0x98: {  	_ =	strace s18  }
0x99: {  	s4 =	sld [smem:$0x3FFC];
	_ =	sdelay $0x3  }
0x9a: {  	_ =	strace s4  }
0x9b: {  	s4 =	sld [smem:$0x3FFD];
	_ =	sdelay $0x3  }
0x9c: {  	_ =	strace s4  }
0x9d: {  	_ =	strace $0x8FFFFFFF  }
0x9e: {  	s19 =	sld [smem:$0x3FDB];
	_ =	sdelay $0x1  }
0x9f: {  	s5 =	simm.s32 $_scs_section_size  }
0xa0: {  	s6 =	simm.s32 $_size__tile_overlayer_lowered;
	s7 =	simm.s32 $_tile_overlayer_lowered  }
0xa1: {  	s22 =	simm.s32 $0x1BFF;
	s21 =	sshll.u32 s7, $0x1;
	s4 =	sadd.s32 s5, s19  }
0xa2: {  	s8 =	simm.s32 $0x0;
	s20 =	sshll.u32 s6, $0x1;
	s6 =	sadd.s32 s21, s4  }
0xa3: {  	[timem:s8], [sflag:s22] =	dma.local [hbm:s6], s20  }
0xa4: {  	_ =	swait.ge [sflag:s22], s20  }
0xa5: {  	s5 =	ssub.s32 $0x0, s20;
	[sflag:s22] =	ssyncset.done $0x0  }
0xa6: {  	[sflag:s22] =	ssyncadd.s32 s5;
	_ =	sdelay $0x1  }
0xa7: {  	s23 =	simm.s32 $0x1B8B  }
0xa8: {  	_ =	swait.ge [sflag:s23], $0x1  }
0xa9: {  	[sflag:s23] =	ssyncset.done $0x0  }
0xaa: {  	s25 =	simm.s32 $0x1B8E;
	s24 =	sld [smem:$0x3FFE];
	[sflag:s23] =	ssyncadd.s32 $0xFFFFFFFF  }
0xab: {  	s26 =	simm.s32 $execute0_lowered;
	[smem:$0x3FD2] =	sst s25  }
0xac: {  	s6 =	sshll.u32 s26, $0x1;
	_ =	strace $0x8000004C;
	[dreg:$0x1] =	wrdreg $0xFFFFFFFF  }
0xad: {  	s28 =	simm.s32 $_size_execute0_lowered;
	s4 =	sadd.s32 s4, s6;
	[dreg:$0x0] =	wrdreg $0x0  }
0xae: {  	s6 =	sshll.u32 s28, $0x1;
	[dreg:$0x2] =	wrdreg s4  }
0xaf: {  	[dreg:$0x3] =	wrdreg s6  }
0xb0: {  	[dreg:$0x4] =	wrdreg $0xC0  }
0xb1: {  	_ =	task [dreg:s8], $0x5FFFF  }
0xb2: {  	[dreg:$0x1] =	wrdreg $0xFFFFFFFF  }
0xb3: {  	[dreg:$0x0] =	wrdreg $0x60  }
0xb4: {  	[dreg:$0x2] =	wrdreg s17  }
0xb5: {  	[dreg:$0x3] =	wrdreg s24  }
0xb6: {  	[dreg:$0x4] =	wrdreg s16  }
0xb7: {  	[dreg:$0x5] =	wrdreg $0xAC000  }
0xb8: {  	[dreg:$0x6] =	wrdreg $0x9  }
0xb9: {  	_ =	task.clear_ibuf [dreg:s8], $0x7FFFF;
	_ =	strace $0x9000004C  }
0xba: {  	s29 =	simm.s32 $0x9;
	_ =	strace $0x8000004E  }
0xbb: {  	_ =	swait.ge [sflag:s29], $0x1  }
0xbc: {  	[sflag:s29] =	ssyncadd.s32 $0xFFFFFFFF  }
0xbd: {  	_ =	strace $0x9000004E  }
0xbe: {  	_ =	sfence  }
0xbf: {  	s30 =	sld [smem:$0x0];
	_ =	sdelay $0x2  }
0xc0: {  	s31 =	sshll.u32 s1, $0xD;
	s1 =	sshrl.u32 s1, $0x2  }
0xc1: {  	s3 =	sand.u32 $0x4000, s31;
	s1 =	sadd.s32 s1, s30  }
0xc2: {  	s0 =	sor.u32 s3, s0;
	s1 =	sshll.u32 s1, $0x11  }
0xc3: {  	s0 =	sor.u32 s1, s0  }
0xc4: {  	s0 =	sadd.s32 $0x8F2B, s0  }
0xc5: {  	[sflag:s0] =	ssyncadd.remote.s32 $0x1  }
0xc6: {  	_ =	sfence.sel $0xFFFF  }
0xc7: {  	[dreg:$0x0] =	wrdreg $0xFFFFFFFF;
	(pc) =	sbr.abs _section_cstart, $3  }
0xc8: {  	[dreg:$0x1] =	wrdreg $0xFFFFFFFF  }
0xc9: {  	_ =	task.clear_ibuf [dreg:s8], $0x2FFFF;
	_ =	strace $0x9FFFFFFF  }
0xca: {  	(tm) =	ssettm $0x7FFFFFFF  }
0xcb: {  	_ =	shalt  }
tec
execute0_lowered:
.L_overlay_start_1:
0x0: {  	(tag) =	ssettag $0x1  }
0x1: {  	s0 =	rddreg [dreg:$0x0]  }
0x2: {  	s2 =	rddreg [dreg:$0x1]  }
0x3: {  	s1 =	srdreg.scid;
	s5 =	rddreg [dreg:$0x2]  }
0x4: {  	s19 =	stileid.u32;
	s3 =	rddreg [dreg:$0x3];
	s29 =	simm.s32 $0x4  }
0x5: {  	s31 =	simm.s32 $0x50;
	s1 =	sand.u32 $0x1, s1;
	s9 =	smul.u32 $0x14000, s19  }
0x6: {  	s10 =	sadd.s32 $0x20C00, s2;
	s12 =	sshll.u32 s19, $0x6;
	s4 =	sshll.u32 s1, $0x4  }
0x7: {  	s8 =	smul.u32 $0x140000, s1;
	s1 =	ssub.s32 $0x2, s1;
	s6 =	sor.u32 s19, s4  }
0x8: {  	s4 =	simm.s32 $0x0;
	s11 =	sshrl.u32 s1, $0x1;
	s13 =	sadd.s32 $0xA000, s9  }
0x9: {  	s16 =	sadd.s32 $0xC800, s9;
	s17 =	sadd.s32 $0xF000, s9;
	s7 =	smul.u32 $0x2710, s6  }
0xa: {  	[smem:$0x7FF] =	sst s4;
	s1 =	ssub.s32 s1, s11;
	s6 =	sshll.u32 s6, $0xB  }
0xb: {  	s25 =	sadd.s32 s8, s9;
	s11 =	sadd.s32 $0x7800, s9;
	s18 =	sadd.s32 s8, s13  }
0xc: {  	s23 =	sadd.s32 s8, s16;
	s24 =	sadd.s32 s8, s17;
	_ =	strace $0x8000004D  }
0xd: {  	s20 =	sadd.s32 s5, s6;
	s26 =	sshrl.u32 s25, $0x3;
	s6 =	sadd.s32 $0x5000, s9  }
0xe: {  	s15 =	sadd.s32 s8, s11;
	s21 =	sshrl.u32 s18, $0x3;
	s25 =	sshrl.u32 s24, $0x3  }
0xf: {  	s1 =	smax.u32 s1, $0x1;
	s24 =	sadd.s32 s16, s3;
	s7 =	sshrl.u32 s7, $0x3  }
0x10: {  	s5 =	sadd.s32 s10, s26;
	s30 =	sadd.s32 s8, s6;
	[dreg:$0xf] =	wrdreg s1  }
0x11: {  	s15 =	sshrl.u32 s15, $0x3;
	s22 =	sadd.s32 s10, s21;
	[dreg:$0x15] =	wrdreg s24  }
0x12: {  	s26 =	smul.u32 $0x50000, s19;
	s21 =	sadd.s32 s6, s3;
	[dreg:$0x5] =	wrdreg s5  }
0x13: {  	s28 =	smov.u32 s20;
	s1 =	simm.s32 $0x5C00;
	[dreg:$0x9] =	wrdreg s22  }
0x14: {  	s5 =	sor.u32 $0x2800, s9;
	s9 =	sadd.s32 $0x11800, s9;
	[dreg:$0x12] =	wrdreg s21  }
0x15: {  	s22 =	sadd.s32 s11, s3;
	s14 =	sadd.s32 s8, s5;
	s8 =	sadd.s32 s8, s9  }
0x16: {  	s19 =	sadd.s32 s5, s3;
	[dreg:$0x13] =	wrdreg s22;
	s14 =	sshrl.u32 s14, $0x3  }
0x17: {  	s8 =	sshrl.u32 s8, $0x3;
	[dreg:$0x11] =	wrdreg s19;
	s14 =	sadd.s32 s10, s14  }
0x18: {  	s7 =	sadd.s32 s7, s2;
	s8 =	sadd.s32 s10, s8;
	[dreg:$0x6] =	wrdreg s14  }
0x19: {  	s14 =	sshrl.u32 s30, $0x3;
	[dreg:$0xc] =	wrdreg s8;
	s30 =	sadd.s32 $0x16E00, s7  }
0x1a: {  	s6 =	simm.s32 $0x8400;
	s14 =	sadd.s32 s10, s14;
	[dreg:$0xd] =	wrdreg s30  }
0x1b: {  	s11 =	simm.s32 $0x0;
	s30 =	sadd.s32 $0x400, s20;
	[dreg:$0x7] =	wrdreg s14  }
0x1c: {  	s14 =	sadd.s32 s10, s15;
	s15 =	sor.u32 $0x1C04, s12;
	[dreg:$0x18] =	wrdreg s30  }
0x1d: {  	s12 =	sshrl.u32 s26, $0x2;
	s26 =	sadd.s32 s9, s3;
	[dreg:$0x8] =	wrdreg s14  }
0x1e: {  	s5 =	simm.s32 $0x2;
	s18 =	sadd.s32 s12, s3;
	[dreg:$0x17] =	wrdreg s26  }
0x1f: {  	s14 =	sshrl.u32 s23, $0x3;
	s23 =	sadd.s32 s13, s3;
	[dreg:$0x10] =	wrdreg s18  }
0x20: {  	s8 =	simm.s32 $0x3;
	s14 =	sadd.s32 s10, s14;
	[dreg:$0x14] =	wrdreg s23  }
0x21: {  	s9 =	simm.s32 $0x3200;
	[dreg:$0xa] =	wrdreg s14;
	s14 =	sadd.s32 s10, s25  }
0x22: {  	s10 =	sadd.s32 $0x17076, s7;
	s25 =	sadd.s32 s17, s3;
	[dreg:$0xb] =	wrdreg s14  }
0x23: {  	s7 =	simm.s32 $0x1;
	s14 =	sadd.s32 $0x2C00, s2;
	[dreg:$0xe] =	wrdreg s10  }
0x24: {  	[dreg:$0x16] =	wrdreg s25;
	s2 =	simm.s32 $0x3400;
	s10 =	simm.s32 $0x3280  }
.LBB2_1:
0x25: {  	s12 =	rddreg [dreg:$0x10]  }
0x26: {  	s12 =	sshrl.u32 s12, $0x3  }
0x27: {  	[spmem:s12], [sflag:s15] =	dma.local [hbm:s14], $0x500  }
0x28: {  	_ =	swait.ge [sflag:s29], $0x500  }
0x29: {  	[sflag:s29] =	ssyncset.done $0x0;
	s13 =	rddreg [dreg:$0x11]  }
0x2a: {  	[sflag:s29] =	ssyncadd.s32 $0xFFFFFB00;
	s13 =	sshrl.u32 s13, $0x3  }
0x2b: {  	[spmem:s13], [sflag:s15] =	dma.local [hbm:s14], $0x500  }
0x2c: {  	_ =	swait.ge [sflag:s29], $0x500  }
0x2d: {  	[sflag:s29] =	ssyncset.done $0x0;
	s16 =	rddreg [dreg:$0x12]  }
0x2e: {  	[sflag:s29] =	ssyncadd.s32 $0xFFFFFB00;
	s16 =	sshrl.u32 s16, $0x3  }
0x2f: {  	[spmem:s16], [sflag:s15] =	dma.local [hbm:s14], $0x500  }
0x30: {  	_ =	swait.ge [sflag:s29], $0x500  }
0x31: {  	[sflag:s29] =	ssyncset.done $0x0;
	s17 =	rddreg [dreg:$0x13]  }
0x32: {  	[sflag:s29] =	ssyncadd.s32 $0xFFFFFB00;
	s17 =	sshrl.u32 s17, $0x3  }
0x33: {  	[spmem:s17], [sflag:s15] =	dma.local [hbm:s14], $0x500  }
0x34: {  	_ =	swait.ge [sflag:s29], $0x500  }
0x35: {  	[sflag:s29] =	ssyncset.done $0x0;
	s18 =	rddreg [dreg:$0x14]  }
0x36: {  	[sflag:s29] =	ssyncadd.s32 $0xFFFFFB00;
	s18 =	sshrl.u32 s18, $0x3  }
0x37: {  	[spmem:s18], [sflag:s15] =	dma.local [hbm:s14], $0x500  }
0x38: {  	_ =	swait.ge [sflag:s29], $0x500  }
0x39: {  	[sflag:s29] =	ssyncset.done $0x0;
	s19 =	rddreg [dreg:$0x15]  }
0x3a: {  	[sflag:s29] =	ssyncadd.s32 $0xFFFFFB00;
	s19 =	sshrl.u32 s19, $0x3  }
0x3b: {  	[spmem:s19], [sflag:s15] =	dma.local [hbm:s14], $0x500  }
0x3c: {  	_ =	swait.ge [sflag:s29], $0x500  }
0x3d: {  	[sflag:s29] =	ssyncset.done $0x0;
	s20 =	rddreg [dreg:$0x16]  }
0x3e: {  	[sflag:s29] =	ssyncadd.s32 $0xFFFFFB00;
	s20 =	sshrl.u32 s20, $0x3  }
0x3f: {  	[spmem:s20], [sflag:s15] =	dma.local [hbm:s14], $0x500  }
0x40: {  	_ =	swait.ge [sflag:s29], $0x500  }
0x41: {  	[sflag:s29] =	ssyncset.done $0x0;
	s21 =	rddreg [dreg:$0x17]  }
0x42: {  	[sflag:s29] =	ssyncadd.s32 $0xFFFFFB00;
	s21 =	sshrl.u32 s21, $0x3  }
0x43: {  	[spmem:s21], [sflag:s15] =	dma.local [hbm:s14], $0x500  }
0x44: {  	_ =	swait.ge [sflag:s29], $0x500  }
0x45: {  	[sflag:s29] =	ssyncset.done $0x0  }
0x46: {  	[sflag:s29] =	ssyncadd.s32 $0xFFFFFB00  }
0x47: {  	[bflag:$0x0] =	sbarrier.arrive $0xFFFF  }
0x48: {  	s22 =	rddreg [dreg:$0xd]  }
0x49: {  	[tilespmem:s4], [sflag:$0x4] =	stream.linear.gather [hbm4b:s22+s4], $0x13B0, $0x38;
	[tilespmem:$0x1EC00] =	vst v63  }
0x4a: {  	_ =	swait.ge [sflag:s29], $0x13B0  }
0x4b: {  	[sflag:s29] =	ssyncset.done $0x0  }
0x4c: {  	s24 =	simm.s32 $0x1400;
	[sflag:s29] =	ssyncadd.s32 $0xFFFFEC50  }
0x4d: {  	[tilespmem:s24], [sflag:$0x4] =	stream.linear.gather [hbm4b:s28+s4], $0x1F80, $0x38;
	[tilespmem:$0x1EC00] =	vst v63  }
0x4e: {  	_ =	swait.ge [sflag:s29], $0x1F80  }
0x4f: {  	[sflag:s29] =	ssyncset.done $0x0  }
0x50: {  	[sflag:s29] =	ssyncadd.s32 $0xFFFFE080  }
0x51: {  	[tilespmem:s2], [sflag:$0x1] =	stream.indirect.gather [hbm4b:s0+s31], $0x80, s4, s31, $0xb8;
	[tilespmem:$0x1EC00] =	vst v63  }
0x52: {  	_ = 	snop  }
0x53: {  	[tilespmem:s1], [sflag:$0x2] =	stream.indirect.gather [hbm4b:s0+s31], $0x80, s31, s31, $0xb8;
	[tilespmem:$0x1EC00] =	vst v63  }
0x54: {  	s25 =	simm.s32 $0xA0  }
0x55: {  	[tilespmem:s6], [sflag:$0x3] =	stream.indirect.gather [hbm4b:s0+s31], $0x80, s25, s31, $0xb8;
	[tilespmem:$0x1EC00] =	vst v63  }
0x56: {  	_ =	swait.ge [sflag:s7], $0x2800  }
0x57: {  	[sflag:s7] =	ssyncset.done $0x0  }
0x58: {  	s26 =	simm.s32 $0x1400;
	[sflag:s7] =	ssyncadd.s32 $0xFFFFD800  }
0x59: {  	[spmem:s3] =	stream.indirect.scatter.add.f32 [tilespmem:s2], [sflag:$0x4], $0x80, s26, s31, $0xb8;
	[tilespmem:$0x1EC00] =	vst v63  }
0x5a: {  	_ =	swait.ge [sflag:s29], $0x2800  }
0x5b: {  	[sflag:s29] =	ssyncset.done $0x0  }
0x5c: {  	s23 =	simm.s32 $0xF0;
	[sflag:s29] =	ssyncadd.s32 $0xFFFFD800  }
0x5d: {  	[tilespmem:s2], [sflag:$0x1] =	stream.indirect.gather [hbm4b:s0+s31], $0x80, s23, s31, $0xb8;
	[tilespmem:$0x1EC00] =	vst v63  }
0x5e: {  	_ =	swait.ge [sflag:s5], $0x2800  }
0x5f: {  	[sflag:s5] =	ssyncset.done $0x0  }
0x60: {  	s24 =	simm.s32 $0x1480;
	[sflag:s5] =	ssyncadd.s32 $0xFFFFD800  }
0x61: {  	[spmem:s3] =	stream.indirect.scatter.add.f32 [tilespmem:s1], [sflag:$0x4], $0x80, s24, s31, $0xb8;
	[tilespmem:$0x1EC00] =	vst v63  }
0x62: {  	_ =	swait.ge [sflag:s29], $0x2800  }
0x63: {  	[sflag:s29] =	ssyncset.done $0x0  }
0x64: {  	s25 =	simm.s32 $0x140;
	[sflag:s29] =	ssyncadd.s32 $0xFFFFD800  }
0x65: {  	[tilespmem:s1], [sflag:$0x2] =	stream.indirect.gather [hbm4b:s0+s31], $0x80, s25, s31, $0xb8;
	[tilespmem:$0x1EC00] =	vst v63  }
0x66: {  	_ =	swait.ge [sflag:s8], $0x2800  }
0x67: {  	[sflag:s8] =	ssyncset.done $0x0  }
0x68: {  	s26 =	simm.s32 $0x1500;
	[sflag:s8] =	ssyncadd.s32 $0xFFFFD800  }
0x69: {  	[spmem:s3] =	stream.indirect.scatter.add.f32 [tilespmem:s6], [sflag:$0x4], $0x80, s26, s31, $0xb8;
	[tilespmem:$0x1EC00] =	vst v63  }
0x6a: {  	s30 =	simm.s32 $0xF0;
	_ =	swait.ge [sflag:s29], $0x2800  }
0x6b: {  	s22 =	simm.s32 $0x1600;
	s23 =	simm.s32 $0x780;
	[sflag:s29] =	ssyncset.done $0x0  }
.LBB2_2:
0x6c: {  	s24 =	sadd.s32 $0xA0, s30  }
0x6d: {  	[sflag:s29] =	ssyncadd.s32 $0xFFFFD800;
	s25 =	smov.u32 s23;
	s26 =	sadd.s32 $0x3C0, s23  }
0x6e: {  	[tilespmem:s6], [sflag:$0x3] =	stream.indirect.gather [hbm4b:s0+s31], $0x80, s24, s31, $0xb8;
	[tilespmem:$0x1EC00] =	vst v63  }
0x6f: {  	p0 =	sne.s32 s23, $0x4740;
	_ =	swait.ge [sflag:s7], $0x2800  }
0x70: {  	[sflag:s7] =	ssyncset.done $0x0  }
0x71: {  	s23 =	sadd.s32 $0xFFFFFF80, s22;
	[sflag:s7] =	ssyncadd.s32 $0xFFFFD800  }
0x72: {  	[spmem:s3] =	stream.indirect.scatter.add.f32 [tilespmem:s2], [sflag:$0x4], $0x80, s23, s31, $0xb8;
	[tilespmem:$0x1EC00] =	vst v63  }
0x73: {  	_ =	swait.ge [sflag:s29], $0x2800  }
0x74: {  	[sflag:s29] =	ssyncset.done $0x0  }
0x75: {  	s23 =	sadd.s32 $0xF0, s30;
	[sflag:s29] =	ssyncadd.s32 $0xFFFFD800  }
0x76: {  	[tilespmem:s2], [sflag:$0x1] =	stream.indirect.gather [hbm4b:s0+s31], $0x80, s23, s31, $0xb8;
	[tilespmem:$0x1EC00] =	vst v63  }
0x77: {  	_ =	swait.ge [sflag:s5], $0x2800  }
0x78: {  	[sflag:s5] =	ssyncset.done $0x0  }
0x79: {  	[sflag:s5] =	ssyncadd.s32 $0xFFFFD800  }
0x7a: {  	[spmem:s3] =	stream.indirect.scatter.add.f32 [tilespmem:s1], [sflag:$0x4], $0x80, s22, s31, $0xb8;
	[tilespmem:$0x1EC00] =	vst v63  }
0x7b: {  	_ =	swait.ge [sflag:s29], $0x2800  }
0x7c: {  	[sflag:s29] =	ssyncset.done $0x0  }
0x7d: {  	s23 =	sadd.s32 $0x140, s30;
	[sflag:s29] =	ssyncadd.s32 $0xFFFFD800  }
0x7e: {  	[tilespmem:s1], [sflag:$0x2] =	stream.indirect.gather [hbm4b:s0+s31], $0x80, s23, s31, $0xb8;
	[tilespmem:$0x1EC00] =	vst v63  }
0x7f: {  	_ =	swait.ge [sflag:s8], $0x2800  }
.Ltmp0:
0x80: {  	[sflag:s8] =	ssyncset.done $0x0;
	(pc) =	sbr.rel @p0 .LBB2_2-.Ltmp0, $4  }
0x81: {  	s23 =	sadd.s32 $0x80, s22;
	[sflag:s8] =	ssyncadd.s32 $0xFFFFD800  }
0x82: {  	[spmem:s3] =	stream.indirect.scatter.add.f32 [tilespmem:s6], [sflag:$0x4], $0x80, s23, s31, $0xb8;
	[tilespmem:$0x1EC00] =	vst v63  }
0x83: {  	s30 =	sshra.s32 s25, $0x2;
	_ =	swait.ge [sflag:s29], $0x2800  }
0x84: {  	s22 =	sadd.s32 $0x180, s22;
	s23 =	smov.u32 s26;
	[sflag:s29] =	ssyncset.done $0x0  }
0x85: {  	s23 =	sadd.s32 $0xA0, s30;
	[sflag:s29] =	ssyncadd.s32 $0xFFFFD800  }
0x86: {  	[tilespmem:s6], [sflag:$0x3] =	stream.indirect.gather [hbm4b:s0+s31], $0x80, s23, s31, $0xb8;
	[tilespmem:$0x1EC00] =	vst v63  }
0x87: {  	_ =	swait.ge [sflag:s7], $0x2800  }
0x88: {  	[sflag:s7] =	ssyncset.done $0x0  }
0x89: {  	s26 =	sadd.s32 $0xFFFFFF80, s22;
	[sflag:s7] =	ssyncadd.s32 $0xFFFFD800  }
0x8a: {  	[spmem:s3] =	stream.indirect.scatter.add.f32 [tilespmem:s2], [sflag:$0x4], $0x80, s26, s31, $0xb8;
	[tilespmem:$0x1EC00] =	vst v63  }
0x8b: {  	_ =	swait.ge [sflag:s29], $0x2800  }
0x8c: {  	[sflag:s29] =	ssyncset.done $0x0  }
0x8d: {  	s24 =	sadd.s32 $0xF0, s30;
	[sflag:s29] =	ssyncadd.s32 $0xFFFFD800  }
0x8e: {  	[tilespmem:s2], [sflag:$0x1] =	stream.indirect.gather [hbm4b:s0+s31], $0x80, s24, s31, $0xb8;
	[tilespmem:$0x1EC00] =	vst v63  }
0x8f: {  	_ =	swait.ge [sflag:s5], $0x2800  }
0x90: {  	[sflag:s5] =	ssyncset.done $0x0  }
0x91: {  	[sflag:s5] =	ssyncadd.s32 $0xFFFFD800  }
0x92: {  	[spmem:s3] =	stream.indirect.scatter.add.f32 [tilespmem:s1], [sflag:$0x4], $0x80, s22, s31, $0xb8;
	[tilespmem:$0x1EC00] =	vst v63  }
0x93: {  	_ =	swait.ge [sflag:s29], $0x2800  }
0x94: {  	[sflag:s29] =	ssyncset.done $0x0  }
0x95: {  	s25 =	sadd.s32 $0x140, s30;
	[sflag:s29] =	ssyncadd.s32 $0xFFFFD800  }
0x96: {  	[tilespmem:s1], [sflag:$0x2] =	stream.indirect.gather [hbm4b:s0+s31], $0x80, s25, s31, $0xb8;
	[tilespmem:$0x1EC00] =	vst v63  }
0x97: {  	_ =	swait.ge [sflag:s8], $0x2800  }
0x98: {  	[sflag:s8] =	ssyncset.done $0x0  }
0x99: {  	s26 =	sadd.s32 $0x80, s22;
	[sflag:s8] =	ssyncadd.s32 $0xFFFFD800  }
0x9a: {  	[spmem:s3] =	stream.indirect.scatter.add.f32 [tilespmem:s6], [sflag:$0x4], $0x80, s26, s31, $0xb8;
	[tilespmem:$0x1EC00] =	vst v63  }
0x9b: {  	_ =	swait.ge [sflag:s29], $0x2800  }
0x9c: {  	[sflag:s29] =	ssyncset.done $0x0  }
0x9d: {  	s23 =	simm.s32 $0x1360;
	[sflag:s29] =	ssyncadd.s32 $0xFFFFD800  }
0x9e: {  	[tilespmem:s6], [sflag:$0x3] =	stream.indirect.gather [hbm4b:s0+s31], $0x80, s23, s31, $0xb8;
	[tilespmem:$0x1EC00] =	vst v63  }
0x9f: {  	_ =	swait.ge [sflag:s7], $0x2800  }
0xa0: {  	[sflag:s7] =	ssyncset.done $0x0  }
0xa1: {  	[sflag:s7] =	ssyncadd.s32 $0xFFFFD800  }
0xa2: {  	[spmem:s3] =	stream.indirect.scatter.add.f32 [tilespmem:s2], [sflag:$0x4], $0x80, s9, s31, $0xb8;
	[tilespmem:$0x1EC00] =	vst v63  }
0xa3: {  	_ =	swait.ge [sflag:s29], $0x2800  }
0xa4: {  	[sflag:s29] =	ssyncset.done $0x0  }
0xa5: {  	[sflag:s29] =	ssyncadd.s32 $0xFFFFD800  }
0xa6: {  	_ =	swait.ge [sflag:s5], $0x2800  }
0xa7: {  	[sflag:s5] =	ssyncset.done $0x0  }
0xa8: {  	[sflag:s5] =	ssyncadd.s32 $0xFFFFD800  }
0xa9: {  	[spmem:s3] =	stream.indirect.scatter.add.f32 [tilespmem:s1], [sflag:$0x4], $0x80, s10, s31, $0xb8;
	[tilespmem:$0x1EC00] =	vst v63  }
0xaa: {  	_ =	swait.ge [sflag:s29], $0x2800  }
0xab: {  	[sflag:s29] =	ssyncset.done $0x0  }
0xac: {  	[sflag:s29] =	ssyncadd.s32 $0xFFFFD800  }
0xad: {  	_ =	swait.ge [sflag:s8], $0x2800  }
0xae: {  	[sflag:s8] =	ssyncset.done $0x0  }
0xaf: {  	s24 =	simm.s32 $0x3300;
	[sflag:s8] =	ssyncadd.s32 $0xFFFFD800  }
0xb0: {  	[spmem:s3] =	stream.indirect.scatter.add.f32 [tilespmem:s6], [sflag:$0x4], $0x80, s24, s31, $0xb8;
	[tilespmem:$0x1EC00] =	vst v63  }
0xb1: {  	_ =	swait.ge [sflag:s29], $0x2800  }
0xb2: {  	[sflag:s29] =	ssyncset.done $0x0  }
0xb3: {  	s22 =	simm.s32 $0x0;
	s25 =	rddreg [dreg:$0xe];
	[sflag:s29] =	ssyncadd.s32 $0xFFFFD800  }
0xb4: {  	[tilespmem:s22], [sflag:$0x4] =	stream.linear.gather [hbm4b:s25+s22], $0x13B0, $0x38;
	[tilespmem:$0x1EC00] =	vst v63  }
0xb5: {  	_ =	swait.ge [sflag:s29], $0x13B0  }
0xb6: {  	[sflag:s29] =	ssyncset.done $0x0  }
0xb7: {  	s24 =	simm.s32 $0x1400;
	s26 =	rddreg [dreg:$0x18];
	[sflag:s29] =	ssyncadd.s32 $0xFFFFEC50  }
0xb8: {  	[tilespmem:s24], [sflag:$0x4] =	stream.linear.gather [hbm4b:s26+s22], $0x1F80, $0x38;
	[tilespmem:$0x1EC00] =	vst v63  }
0xb9: {  	_ =	swait.ge [sflag:s29], $0x1F80  }
0xba: {  	[sflag:s29] =	ssyncset.done $0x0  }
0xbb: {  	[sflag:s29] =	ssyncadd.s32 $0xFFFFE080  }
0xbc: {  	[tilespmem:s2], [sflag:$0x1] =	stream.indirect.gather [hbm4b:s0+s31], $0x80, s22, s31, $0xb8;
	[tilespmem:$0x1EC00] =	vst v63  }
0xbd: {  	_ = 	snop  }
0xbe: {  	[tilespmem:s1], [sflag:$0x2] =	stream.indirect.gather [hbm4b:s0+s31], $0x80, s31, s31, $0xb8;
	[tilespmem:$0x1EC00] =	vst v63  }
0xbf: {  	s25 =	simm.s32 $0xA0  }
0xc0: {  	[tilespmem:s6], [sflag:$0x3] =	stream.indirect.gather [hbm4b:s0+s31], $0x80, s25, s31, $0xb8;
	[tilespmem:$0x1EC00] =	vst v63  }
0xc1: {  	_ =	swait.ge [sflag:s7], $0x2800  }
0xc2: {  	[sflag:s7] =	ssyncset.done $0x0  }
0xc3: {  	s26 =	simm.s32 $0x1400;
	[sflag:s7] =	ssyncadd.s32 $0xFFFFD800  }
0xc4: {  	[spmem:s3] =	stream.indirect.scatter.add.f32 [tilespmem:s2], [sflag:$0x4], $0x80, s26, s31, $0xb8;
	[tilespmem:$0x1EC00] =	vst v63  }
0xc5: {  	_ =	swait.ge [sflag:s29], $0x2800  }
0xc6: {  	[sflag:s29] =	ssyncset.done $0x0  }
0xc7: {  	s23 =	simm.s32 $0xF0;
	[sflag:s29] =	ssyncadd.s32 $0xFFFFD800  }
0xc8: {  	[tilespmem:s2], [sflag:$0x1] =	stream.indirect.gather [hbm4b:s0+s31], $0x80, s23, s31, $0xb8;
	[tilespmem:$0x1EC00] =	vst v63  }
0xc9: {  	_ =	swait.ge [sflag:s5], $0x2800  }
0xca: {  	[sflag:s5] =	ssyncset.done $0x0  }
0xcb: {  	s24 =	simm.s32 $0x1480;
	[sflag:s5] =	ssyncadd.s32 $0xFFFFD800  }
0xcc: {  	[spmem:s3] =	stream.indirect.scatter.add.f32 [tilespmem:s1], [sflag:$0x4], $0x80, s24, s31, $0xb8;
	[tilespmem:$0x1EC00] =	vst v63  }
0xcd: {  	_ =	swait.ge [sflag:s29], $0x2800  }
0xce: {  	[sflag:s29] =	ssyncset.done $0x0  }
0xcf: {  	s25 =	simm.s32 $0x140;
	[sflag:s29] =	ssyncadd.s32 $0xFFFFD800  }
0xd0: {  	[tilespmem:s1], [sflag:$0x2] =	stream.indirect.gather [hbm4b:s0+s31], $0x80, s25, s31, $0xb8;
	[tilespmem:$0x1EC00] =	vst v63  }
0xd1: {  	_ =	swait.ge [sflag:s8], $0x2800  }
0xd2: {  	[sflag:s8] =	ssyncset.done $0x0  }
0xd3: {  	s26 =	simm.s32 $0x1500;
	[sflag:s8] =	ssyncadd.s32 $0xFFFFD800  }
0xd4: {  	[spmem:s3] =	stream.indirect.scatter.add.f32 [tilespmem:s6], [sflag:$0x4], $0x80, s26, s31, $0xb8;
	[tilespmem:$0x1EC00] =	vst v63  }
0xd5: {  	s30 =	simm.s32 $0xF0;
	_ =	swait.ge [sflag:s29], $0x2800  }
0xd6: {  	s22 =	simm.s32 $0x1600;
	s23 =	simm.s32 $0x780;
	[sflag:s29] =	ssyncset.done $0x0  }
.LBB2_4:
0xd7: {  	s24 =	sadd.s32 $0xA0, s30  }
0xd8: {  	[sflag:s29] =	ssyncadd.s32 $0xFFFFD800;
	s25 =	smov.u32 s23;
	s26 =	sadd.s32 $0x3C0, s23  }
0xd9: {  	[tilespmem:s6], [sflag:$0x3] =	stream.indirect.gather [hbm4b:s0+s31], $0x80, s24, s31, $0xb8;
	[tilespmem:$0x1EC00] =	vst v63  }
0xda: {  	p0 =	sne.s32 s23, $0x4740;
	_ =	swait.ge [sflag:s7], $0x2800  }
0xdb: {  	[sflag:s7] =	ssyncset.done $0x0  }
0xdc: {  	s23 =	sadd.s32 $0xFFFFFF80, s22;
	[sflag:s7] =	ssyncadd.s32 $0xFFFFD800  }
0xdd: {  	[spmem:s3] =	stream.indirect.scatter.add.f32 [tilespmem:s2], [sflag:$0x4], $0x80, s23, s31, $0xb8;
	[tilespmem:$0x1EC00] =	vst v63  }
0xde: {  	_ =	swait.ge [sflag:s29], $0x2800  }
0xdf: {  	[sflag:s29] =	ssyncset.done $0x0  }
0xe0: {  	s23 =	sadd.s32 $0xF0, s30;
	[sflag:s29] =	ssyncadd.s32 $0xFFFFD800  }
0xe1: {  	[tilespmem:s2], [sflag:$0x1] =	stream.indirect.gather [hbm4b:s0+s31], $0x80, s23, s31, $0xb8;
	[tilespmem:$0x1EC00] =	vst v63  }
0xe2: {  	_ =	swait.ge [sflag:s5], $0x2800  }
0xe3: {  	[sflag:s5] =	ssyncset.done $0x0  }
0xe4: {  	[sflag:s5] =	ssyncadd.s32 $0xFFFFD800  }
0xe5: {  	[spmem:s3] =	stream.indirect.scatter.add.f32 [tilespmem:s1], [sflag:$0x4], $0x80, s22, s31, $0xb8;
	[tilespmem:$0x1EC00] =	vst v63  }
0xe6: {  	_ =	swait.ge [sflag:s29], $0x2800  }
0xe7: {  	[sflag:s29] =	ssyncset.done $0x0  }
0xe8: {  	s23 =	sadd.s32 $0x140, s30;
	[sflag:s29] =	ssyncadd.s32 $0xFFFFD800  }
0xe9: {  	[tilespmem:s1], [sflag:$0x2] =	stream.indirect.gather [hbm4b:s0+s31], $0x80, s23, s31, $0xb8;
	[tilespmem:$0x1EC00] =	vst v63  }
0xea: {  	_ =	swait.ge [sflag:s8], $0x2800  }
.Ltmp1:
0xeb: {  	[sflag:s8] =	ssyncset.done $0x0;
	(pc) =	sbr.rel @p0 .LBB2_4-.Ltmp1, $4  }
0xec: {  	s23 =	sadd.s32 $0x80, s22;
	[sflag:s8] =	ssyncadd.s32 $0xFFFFD800  }
0xed: {  	[spmem:s3] =	stream.indirect.scatter.add.f32 [tilespmem:s6], [sflag:$0x4], $0x80, s23, s31, $0xb8;
	[tilespmem:$0x1EC00] =	vst v63  }
0xee: {  	s30 =	sshra.s32 s25, $0x2;
	_ =	swait.ge [sflag:s29], $0x2800  }
0xef: {  	s22 =	sadd.s32 $0x180, s22;
	s23 =	smov.u32 s26;
	[sflag:s29] =	ssyncset.done $0x0  }
0xf0: {  	s23 =	sadd.s32 $0xA0, s30;
	[sflag:s29] =	ssyncadd.s32 $0xFFFFD800  }
0xf1: {  	[tilespmem:s6], [sflag:$0x3] =	stream.indirect.gather [hbm4b:s0+s31], $0x80, s23, s31, $0xb8;
	[tilespmem:$0x1EC00] =	vst v63  }
0xf2: {  	_ =	swait.ge [sflag:s7], $0x2800  }
0xf3: {  	[sflag:s7] =	ssyncset.done $0x0  }
0xf4: {  	s25 =	sadd.s32 $0xFFFFFF80, s22;
	[sflag:s7] =	ssyncadd.s32 $0xFFFFD800  }
0xf5: {  	[spmem:s3] =	stream.indirect.scatter.add.f32 [tilespmem:s2], [sflag:$0x4], $0x80, s25, s31, $0xb8;
	[tilespmem:$0x1EC00] =	vst v63  }
0xf6: {  	_ =	swait.ge [sflag:s29], $0x2800  }
0xf7: {  	[sflag:s29] =	ssyncset.done $0x0  }
0xf8: {  	s26 =	sadd.s32 $0xF0, s30;
	[sflag:s29] =	ssyncadd.s32 $0xFFFFD800  }
0xf9: {  	[tilespmem:s2], [sflag:$0x1] =	stream.indirect.gather [hbm4b:s0+s31], $0x80, s26, s31, $0xb8;
	[tilespmem:$0x1EC00] =	vst v63  }
0xfa: {  	_ =	swait.ge [sflag:s5], $0x2800  }
0xfb: {  	[sflag:s5] =	ssyncset.done $0x0  }
0xfc: {  	[sflag:s5] =	ssyncadd.s32 $0xFFFFD800  }
0xfd: {  	[spmem:s3] =	stream.indirect.scatter.add.f32 [tilespmem:s1], [sflag:$0x4], $0x80, s22, s31, $0xb8;
	[tilespmem:$0x1EC00] =	vst v63  }
0xfe: {  	_ =	swait.ge [sflag:s29], $0x2800  }
0xff: {  	[sflag:s29] =	ssyncset.done $0x0  }
0x100: {  	s24 =	sadd.s32 $0x140, s30;
	[sflag:s29] =	ssyncadd.s32 $0xFFFFD800  }
0x101: {  	[tilespmem:s1], [sflag:$0x2] =	stream.indirect.gather [hbm4b:s0+s31], $0x80, s24, s31, $0xb8;
	[tilespmem:$0x1EC00] =	vst v63  }
0x102: {  	_ =	swait.ge [sflag:s8], $0x2800  }
0x103: {  	[sflag:s8] =	ssyncset.done $0x0  }
0x104: {  	s25 =	sadd.s32 $0x80, s22;
	[sflag:s8] =	ssyncadd.s32 $0xFFFFD800  }
0x105: {  	[spmem:s3] =	stream.indirect.scatter.add.f32 [tilespmem:s6], [sflag:$0x4], $0x80, s25, s31, $0xb8;
	[tilespmem:$0x1EC00] =	vst v63  }
0x106: {  	_ =	swait.ge [sflag:s29], $0x2800  }
0x107: {  	[sflag:s29] =	ssyncset.done $0x0  }
0x108: {  	[sflag:s29] =	ssyncadd.s32 $0xFFFFD800  }
0x109: {  	_ =	swait.ge [sflag:s7], $0x2800  }
0x10a: {  	[sflag:s7] =	ssyncset.done $0x0  }
0x10b: {  	[sflag:s7] =	ssyncadd.s32 $0xFFFFD800  }
0x10c: {  	[spmem:s3] =	stream.indirect.scatter.add.f32 [tilespmem:s2], [sflag:$0x4], $0x80, s9, s31, $0xb8;
	[tilespmem:$0x1EC00] =	vst v63  }
0x10d: {  	_ =	swait.ge [sflag:s29], $0x2800  }
0x10e: {  	[sflag:s29] =	ssyncset.done $0x0  }
0x10f: {  	[sflag:s29] =	ssyncadd.s32 $0xFFFFD800  }
0x110: {  	_ =	swait.ge [sflag:s5], $0x2800  }
0x111: {  	[sflag:s5] =	ssyncset.done $0x0  }
0x112: {  	[sflag:s5] =	ssyncadd.s32 $0xFFFFD800  }
0x113: {  	[spmem:s3] =	stream.indirect.scatter.add.f32 [tilespmem:s1], [sflag:$0x4], $0x80, s10, s31, $0xb8;
	[tilespmem:$0x1EC00] =	vst v63  }
0x114: {  	_ =	swait.ge [sflag:s29], $0x2800  }
0x115: {  	[sflag:s29] =	ssyncset.done $0x0  }
0x116: {  	[sflag:s29] =	ssyncadd.s32 $0xFFFFD800  }
0x117: {  	[bflag:$0x0] =	sbarrier.arrive $0xFFFF  }
0x118: {  	s26 =	rddreg [dreg:$0x5]  }
0x119: {  	[hbm:s26], [sflag:s15] =	dma.local [spmem:s12], $0x500  }
0x11a: {  	_ =	swait.ge [sflag:s29], $0x500  }
0x11b: {  	[sflag:s29] =	ssyncset.done $0x0  }
0x11c: {  	s30 =	rddreg [dreg:$0x6];
	[sflag:s29] =	ssyncadd.s32 $0xFFFFFB00  }
0x11d: {  	[hbm:s30], [sflag:s15] =	dma.local [spmem:s13], $0x500  }
0x11e: {  	_ =	swait.ge [sflag:s29], $0x500  }
0x11f: {  	[sflag:s29] =	ssyncset.done $0x0  }
0x120: {  	s13 =	rddreg [dreg:$0x7];
	[sflag:s29] =	ssyncadd.s32 $0xFFFFFB00  }
0x121: {  	[hbm:s13], [sflag:s15] =	dma.local [spmem:s16], $0x500  }
0x122: {  	_ =	swait.ge [sflag:s29], $0x500  }
0x123: {  	[sflag:s29] =	ssyncset.done $0x0  }
0x124: {  	s22 =	rddreg [dreg:$0x8];
	[sflag:s29] =	ssyncadd.s32 $0xFFFFFB00  }
0x125: {  	[hbm:s22], [sflag:s15] =	dma.local [spmem:s17], $0x500  }
0x126: {  	_ =	swait.ge [sflag:s29], $0x500  }
0x127: {  	[sflag:s29] =	ssyncset.done $0x0  }
0x128: {  	s23 =	rddreg [dreg:$0x9];
	[sflag:s29] =	ssyncadd.s32 $0xFFFFFB00  }
0x129: {  	[hbm:s23], [sflag:s15] =	dma.local [spmem:s18], $0x500  }
0x12a: {  	_ =	swait.ge [sflag:s29], $0x500  }
0x12b: {  	[sflag:s29] =	ssyncset.done $0x0  }
0x12c: {  	s24 =	rddreg [dreg:$0xa];
	[sflag:s29] =	ssyncadd.s32 $0xFFFFFB00  }
0x12d: {  	[hbm:s24], [sflag:s15] =	dma.local [spmem:s19], $0x500  }
0x12e: {  	_ =	swait.ge [sflag:s29], $0x500  }
0x12f: {  	[sflag:s29] =	ssyncset.done $0x0  }
0x130: {  	s25 =	rddreg [dreg:$0xb];
	[sflag:s29] =	ssyncadd.s32 $0xFFFFFB00  }
0x131: {  	[hbm:s25], [sflag:s15] =	dma.local [spmem:s20], $0x500  }
0x132: {  	_ =	swait.ge [sflag:s29], $0x500  }
0x133: {  	[sflag:s29] =	ssyncset.done $0x0  }
0x134: {  	s26 =	rddreg [dreg:$0xc];
	[sflag:s29] =	ssyncadd.s32 $0xFFFFFB00  }
0x135: {  	[hbm:s26], [sflag:s15] =	dma.local [spmem:s21], $0x500  }
0x136: {  	_ =	swait.ge [sflag:s29], $0x500  }
0x137: {  	s11 =	sadd.s32 $0x1, s11;
	s30 =	rddreg [dreg:$0xf]  }
0x138: {  	p0 =	sne.s32 s11, s30  }
.Ltmp2:
0x139: {  	_ = 	snop;
	(pc) =	sbr.rel @p0 .LBB2_1-.Ltmp2, $3  }
0x13a: {  	_ =	sdelay $0x1  }
0x13b: {  	[sflag:s29] =	ssyncset.done $0x0  }
0x13c: {  	[sflag:s29] =	ssyncadd.s32 $0xFFFFFB00  }
0x13d: {  	_ =	sfence.sel $0x180000  }
0x13e: {  	[bflag:$0x0] =	sbarrier.arrive $0xFFFF  }
0x13f: {  	_ =	strace $0x9000004D  }
0x140: {  	s0 =	stileid.u32;
	[bflag:$0x2] =	sbarrier.arrive $0xFFFF  }
0x141: {  	p0 =	sne.s32 s0, $0x0;
	s0 =	rddreg [dreg:$0x4]  }
0x142: {  	s0 =	sadd.s32 @!p0 $0x100000, s0  }
0x143: {  	[sflag:s0] =	ssyncadd.tile.s32 @!p0 $0x1;
	_ =	shalt  }
.Lfunc_end2:
_tile_overlayer_lowered:
.L_overlay_start_2:
0x144: {  	(tag) =	ssettag $0x2  }
0x145: {  	s0 =	rddreg [dreg:$0x0];
	s2 =	stileid.u32  }
0x146: {  	s1 =	rddreg [dreg:$0x1];
	p0 =	sne.s32 s2, $0x0  }
0x147: {  	s3 =	rddreg [dreg:$0x2];
	[bflag:$0x3] =	sbarrier.arrive $0xFFFF;
	s2 =	simm.s32 @!p0 $0x1C04  }
0x148: {  	[timem:s3], [sflag:s2] =	dma.local @!p0 [hbm:s0], s1  }
0x149: {  	s0 =	simm.s32 @!p0 $0x4  }
0x14a: {  	_ =	swait.ge @!p0 [sflag:s0], s1  }
0x14b: {  	s1 =	ssub.s32 @!p0 $0x0, s1;
	[sflag:s0] =	ssyncset.done @!p0 $0x0  }
0x14c: {  	[sflag:s0] =	ssyncadd.s32 @!p0 s1  }
0x14d: {  	[bflag:$0x3] =	sbarrier.arrive $0xFFFF  }
0x14e: {  	_ =	shalt  }

// kernel: kernel.8.cloned.1.call-start
scs
__scs_entry_jumppad:
0x0: {  	(pc) =	sbr.rel $0x88, $3  }
0x1: {  	(tag) =	ssettag $0x0;
	lr =	simm.s32 $0x1  }
0x2: {  	[smem:$0x3F9B] =	sst lr;
	_ =	strace $0xD0000000  }
0x3: {  	_ = 	snop  }
0x4: {  	_ = 	snop  }
0x5: {  	_ = 	snop  }
0x6: {  	_ = 	snop  }
0x7: {  	_ = 	snop  }
__scs_overlays_trampoline_lowered:
0x8: {  	[smem:$0x3FAA] =	sst s0  }
0x9: {  	[smem:$0x3FAB] =	sst s1  }
0xa: {  	[smem:$0x3FAC] =	sst s2  }
0xb: {  	[smem:$0x3FAD] =	sst s3  }
0xc: {  	[smem:$0x3FAE] =	sst s4  }
0xd: {  	[smem:$0x3FAF] =	sst s5  }
0xe: {  	[smem:$0x3FB0] =	sst s6  }
0xf: {  	[smem:$0x3FB1] =	sst s7  }
0x10: {  	[smem:$0x3FB2] =	sst s8  }
0x11: {  	[smem:$0x3FB3] =	sst s9;
	s0 =	simm.s32 @!p0 $0x0  }
0x12: {  	s1 =	sld [smem:$0x3F99];
	s0 =	simm.s32 @p0 $0x1  }
0x13: {  	[smem:$0x3FB4] =	sst s0;
	s0 =	simm.s32 @!p1 $0x0  }
0x14: {  	s2 =	sld [smem:$0x3F98];
	s0 =	simm.s32 @p1 $0x1  }
0x15: {  	[smem:$0x3FB5] =	sst s0;
	s0 =	simm.s32 @!p2 $0x0  }
0x16: {  	s3 =	sld [smem:$0x3FDB];
	s0 =	simm.s32 @p2 $0x1  }
0x17: {  	s4 =	simm.s32 $0x1BF5;
	[smem:$0x3FB7] =	sst s0  }
0x18: {  	s0 =	sld [smem:$0x3F9A];
	_ =	swait.ge [sflag:s4], $0x0  }
0x19: {  	s7 =	sld [smem:$0x3F9B]  }
0x1a: {  	s8 =	sadd.s32 $0xFFFFE003, lr  }
0x1b: {  	s9 =	sadd.s32 $0xFFFFFEF7, lr;
	s5 =	simm.s32 $0xFFFFFFFF;
	p2 =	slt.u32 s8, $0xFFFFF086  }
0x1c: {  	p1 =	slt.u32 s9, $0xF7A;
	s5 =	simm.s32 @!p2 $0x0  }
0x1d: {  	s5 =	simm.s32 @p1 $0x1;
	p0 =	seq.s32 s7, s2  }
0x1e: {  	s7 =	smul.u32 @!p0 $0xF7A, s2;
	p2 =	seq.s32 @!p0 s5, $0x0  }
0x1f: {  	s9 =	smul.u32 $0xF7A, s1;
	s8 =	simm.s32 @!p0 $0x1BF5;
	p2 =	por !p2, p0  }
0x20: {  	[sflag:s8] =	ssyncset.s32 @!p0 $0xFFFFF086;
	s6 =	sadd.s32 @!p0 s3, s7;
	s7 =	simm.s32 @!p0 $0x108  }
0x21: {  	s3 =	sadd.s32 s3, s9;
	s6 =	sadd.s32 @!p0 $0x88, s6;
	s7 =	simm.s32 @p2 $0x1082  }
0x22: {  	[simem:s7], [sflag:s8] =	dma.local @!p0 [hbm:s6], $0xF7A  }
0x23: {  	s9 =	sor.u32 $0xD0000000, s2;
	s6 =	simm.s32 $0x108;
	_ =	swait.ge @!p0 [sflag:s8], $0x0  }
0x24: {  	s3 =	sadd.s32 $0x88, s3;
	s6 =	simm.s32 @!p1 $0x1082;
	[sflag:s4] =	ssyncset.s32 $0xFFFFF086  }
0x25: {  	[simem:s6], [sflag:s4] =	dma.local [hbm:s3], $0xF7A  }
0x26: {  	[smem:$0x3F9B] =	sst s1;
	(tag) =	ssettag s2;
	_ =	strace s9  }
0x27: {  	s1 =	sld [smem:$0x3FAB]  }
0x28: {  	s2 =	sld [smem:$0x3FAC]  }
0x29: {  	s4 =	sld [smem:$0x3FAE]  }
0x2a: {  	p0 =	seq.s32 s5, $0x0;
	s5 =	sld [smem:$0x3FAF]  }
0x2b: {  	s6 =	sld [smem:$0x3FB0]  }
0x2c: {  	s7 =	sld [smem:$0x3FB1]  }
0x2d: {  	s3 =	simm.s32 $0x108;
	s8 =	sld [smem:$0x3FB2]  }
0x2e: {  	s3 =	simm.s32 @!p0 $0x1082;
	s9 =	sld [smem:$0x3FB3]  }
0x2f: {  	lr =	sadd.s32 s0, s3;
	s0 =	sld [smem:$0x3FAA]  }
0x30: {  	s3 =	sld [smem:$0x3FAD]  }
0x31: {  	[smem:$0x3FB6] =	sst s10  }
0x32: {  	s10 =	sld [smem:$0x3FB4];
	_ =	sdelay $0x3  }
0x33: {  	p0 =	seq.s32 s10, $0x1;
	s10 =	sld [smem:$0x3FB6];
	_ =	sdelay $0x3  }
0x34: {  	[smem:$0x3FB6] =	sst s10  }
0x35: {  	s10 =	sld [smem:$0x3FB5];
	_ =	sdelay $0x3  }
0x36: {  	p1 =	seq.s32 s10, $0x1;
	s10 =	sld [smem:$0x3FB6];
	_ =	sdelay $0x3  }
0x37: {  	[smem:$0x3FB6] =	sst s10  }
0x38: {  	s10 =	sld [smem:$0x3FB7]  }
0x39: {  	_ = 	snop;
	(pc) =	sbr.ind lr, $3  }
0x3a: {  	_ = 	snop  }
0x3b: {  	_ = 	snop  }
0x3c: {  	p2 =	seq.s32 s10, $0x1;
	s10 =	sld [smem:$0x3FB6]  }
0x3d: {  	_ =	shalt  }
0x3e: {  	_ =	shalt  }
0x3f: {  	_ =	shalt  }
0x40: {  	_ =	shalt  }
0x41: {  	_ =	shalt  }
0x42: {  	_ =	shalt  }
0x43: {  	_ =	shalt  }
0x44: {  	_ =	shalt  }
0x45: {  	_ =	shalt  }
0x46: {  	_ =	shalt  }
0x47: {  	_ =	shalt  }
0x48: {  	_ =	shalt  }
0x49: {  	_ =	shalt  }
0x4a: {  	_ =	shalt  }
0x4b: {  	_ =	shalt  }
0x4c: {  	_ =	shalt  }
0x4d: {  	_ =	shalt  }
0x4e: {  	_ =	shalt  }
0x4f: {  	_ =	shalt  }
0x50: {  	_ =	shalt  }
0x51: {  	_ =	shalt  }
0x52: {  	_ =	shalt  }
0x53: {  	_ =	shalt  }
0x54: {  	_ =	shalt  }
0x55: {  	_ =	shalt  }
0x56: {  	_ =	shalt  }
0x57: {  	_ =	shalt  }
0x58: {  	_ =	shalt  }
0x59: {  	_ =	shalt  }
0x5a: {  	_ =	shalt  }
0x5b: {  	_ =	shalt  }
0x5c: {  	_ =	shalt  }
0x5d: {  	_ =	shalt  }
0x5e: {  	_ =	shalt  }
0x5f: {  	_ =	shalt  }
0x60: {  	_ =	shalt  }
0x61: {  	_ =	shalt  }
0x62: {  	_ =	shalt  }
0x63: {  	_ =	shalt  }
0x64: {  	_ =	shalt  }
0x65: {  	_ =	shalt  }
0x66: {  	_ =	shalt  }
0x67: {  	_ =	shalt  }
0x68: {  	_ =	shalt  }
0x69: {  	_ =	shalt  }
0x6a: {  	_ =	shalt  }
0x6b: {  	_ =	shalt  }
0x6c: {  	_ =	shalt  }
0x6d: {  	_ =	shalt  }
0x6e: {  	_ =	shalt  }
0x6f: {  	_ =	shalt  }
0x70: {  	_ =	shalt  }
0x71: {  	_ =	shalt  }
0x72: {  	_ =	shalt  }
0x73: {  	_ =	shalt  }
0x74: {  	_ =	shalt  }
0x75: {  	_ =	shalt  }
0x76: {  	_ =	shalt  }
0x77: {  	_ =	shalt  }
0x78: {  	_ =	shalt  }
0x79: {  	_ =	shalt  }
0x7a: {  	_ =	shalt  }
0x7b: {  	_ =	shalt  }
0x7c: {  	_ =	shalt  }
0x7d: {  	_ =	shalt  }
0x7e: {  	_ =	shalt  }
0x7f: {  	_ =	shalt  }
0x80: {  	_ =	shalt  }
0x81: {  	_ =	shalt  }
0x82: {  	_ =	shalt  }
0x83: {  	_ =	shalt  }
0x84: {  	_ =	shalt  }
0x85: {  	_ =	shalt  }
0x86: {  	_ =	shalt  }
0x87: {  	_ =	shalt  }
.Lfunc_end0:
.L_simem_size_0:
called_computation_lowered:
.L_overlay_start_0:
0x88: {  	s2 =	sld [smem:$0x3FD9]  }
0x89: {  	s3 =	sld [smem:$0x3FFE];
	_ =	sdelay $0x1  }
0x8a: {  	s1 =	srdreg.scid  }
0x8b: {  	s0 =	sand.u32 $0x1, s1  }
0x8c: {  	s14 =	sshll.u32 s0, $0xA;
	s2 =	sadd.s32 s3, s2  }
0x8d: {  	s2 =	sadd.s32 s2, s14  }
0x8e: {  	[smem:$0x3FC2] =	sst s2  }
0x8f: {  	_ = 	snop  }
0x90: {  	s2 =	sld [smem:$0x3FD0];
	_ =	sdelay $0x2  }
0x91: {  	s15 =	simm.s32 $0xA;
	s4 =	simm.s32 $0x10  }
0x92: {  	[smem:s4], [sflag:s15] =	dma.local [hbm:s2], $0x1  }
0x93: {  	_ =	swait.eq [sflag:s15], $0x1  }
0x94: {  	[sflag:s15] =	ssyncset.done $0x0  }
0x95: {  	s16 =	sld [smem:$0x11];
	[sflag:s15] =	ssyncadd.s32 $0xFFFFFFFF  }
0x96: {  	s17 =	sld [smem:$0x12];
	(tm) =	ssettm $0x1  }
0x97: {  	s18 =	sld [smem:$0x3FFB];
	_ =	sdelay $0x3  }
0x98: {  	_ =	strace s18  }
0x99: {  	s4 =	sld [smem:$0x3FFC];
	_ =	sdelay $0x3  }
0x9a: {  	_ =	strace s4  }
0x9b: {  	s4 =	sld [smem:$0x3FFD];
	_ =	sdelay $0x3  }
0x9c: {  	_ =	strace s4  }
0x9d: {  	_ =	strace $0x8FFFFFFF  }
0x9e: {  	s19 =	sld [smem:$0x3FDB];
	_ =	sdelay $0x1  }
0x9f: {  	s5 =	simm.s32 $_scs_section_size  }
0xa0: {  	s6 =	simm.s32 $_size__tile_overlayer_lowered;
	s7 =	simm.s32 $_tile_overlayer_lowered  }
0xa1: {  	s22 =	simm.s32 $0x1BFF;
	s21 =	sshll.u32 s7, $0x1;
	s4 =	sadd.s32 s5, s19  }
0xa2: {  	s8 =	simm.s32 $0x0;
	s20 =	sshll.u32 s6, $0x1;
	s6 =	sadd.s32 s21, s4  }
0xa3: {  	[timem:s8], [sflag:s22] =	dma.local [hbm:s6], s20  }
0xa4: {  	_ =	swait.ge [sflag:s22], s20  }
0xa5: {  	s5 =	ssub.s32 $0x0, s20;
	[sflag:s22] =	ssyncset.done $0x0  }
0xa6: {  	[sflag:s22] =	ssyncadd.s32 s5;
	_ =	sdelay $0x1  }
0xa7: {  	s23 =	simm.s32 $0x1B8B  }
0xa8: {  	_ =	swait.ge [sflag:s23], $0x1  }
0xa9: {  	[sflag:s23] =	ssyncset.done $0x0  }
0xaa: {  	s25 =	simm.s32 $0x1B8E;
	s24 =	sld [smem:$0x3FFE];
	[sflag:s23] =	ssyncadd.s32 $0xFFFFFFFF  }
0xab: {  	s26 =	simm.s32 $execute0_lowered;
	[smem:$0x3FD2] =	sst s25  }
0xac: {  	s6 =	sshll.u32 s26, $0x1;
	_ =	strace $0x80000046;
	[dreg:$0x1] =	wrdreg $0xFFFFFFFF  }
0xad: {  	s28 =	simm.s32 $_size_execute0_lowered;
	s4 =	sadd.s32 s4, s6;
	[dreg:$0x0] =	wrdreg $0x0  }
0xae: {  	s6 =	sshll.u32 s28, $0x1;
	[dreg:$0x2] =	wrdreg s4  }
0xaf: {  	[dreg:$0x3] =	wrdreg s6  }
0xb0: {  	[dreg:$0x4] =	wrdreg $0xC0  }
0xb1: {  	_ =	task [dreg:s8], $0x5FFFF  }
0xb2: {  	[dreg:$0x1] =	wrdreg $0xFFFFFFFF  }
0xb3: {  	[dreg:$0x0] =	wrdreg $0x60  }
0xb4: {  	[dreg:$0x2] =	wrdreg s24  }
0xb5: {  	[dreg:$0x3] =	wrdreg s17  }
0xb6: {  	[dreg:$0x4] =	wrdreg s16  }
0xb7: {  	[dreg:$0x5] =	wrdreg $0x9  }
0xb8: {  	_ =	task.clear_ibuf [dreg:s8], $0x6FFFF;
	_ =	strace $0x90000046  }
0xb9: {  	s29 =	simm.s32 $0x9;
	_ =	strace $0x80000048  }
0xba: {  	_ =	swait.ge [sflag:s29], $0x1  }
0xbb: {  	[sflag:s29] =	ssyncadd.s32 $0xFFFFFFFF  }
0xbc: {  	_ =	strace $0x90000048  }
0xbd: {  	_ =	sfence  }
0xbe: {  	s30 =	sld [smem:$0x0];
	_ =	sdelay $0x2  }
0xbf: {  	s31 =	sshll.u32 s1, $0xD;
	s1 =	sshrl.u32 s1, $0x2  }
0xc0: {  	s3 =	sand.u32 $0x4000, s31;
	s1 =	sadd.s32 s1, s30  }
0xc1: {  	s0 =	sor.u32 s3, s0;
	s1 =	sshll.u32 s1, $0x11  }
0xc2: {  	s0 =	sor.u32 s1, s0  }
0xc3: {  	s0 =	sadd.s32 $0x8F2B, s0  }
0xc4: {  	[sflag:s0] =	ssyncadd.remote.s32 $0x1  }
0xc5: {  	_ =	sfence.sel $0xFFFF  }
0xc6: {  	[dreg:$0x0] =	wrdreg $0xFFFFFFFF;
	(pc) =	sbr.abs _section_cstart, $3  }
0xc7: {  	[dreg:$0x1] =	wrdreg $0xFFFFFFFF  }
0xc8: {  	_ =	task.clear_ibuf [dreg:s8], $0x2FFFF;
	_ =	strace $0x9FFFFFFF  }
0xc9: {  	(tm) =	ssettm $0x7FFFFFFF  }
tec
execute0_lowered:
.L_overlay_start_1:
0x0: {  	(tag) =	ssettag $0x1  }
0x1: {  	s3 =	rddreg [dreg:$0x0]  }
0x2: {  	s0 =	srdreg.scid;
	s6 =	rddreg [dreg:$0x1]  }
0x3: {  	s7 =	rddreg [dreg:$0x2];
	s4 =	sand.u32 $0x1, s0  }
0x4: {  	s1 =	stileid.u32;
	s2 =	simm.s32 $0x0;
	s5 =	sshll.u32 s4, $0x4  }
0x5: {  	s11 =	simm.s32 $0x4F00;
	s12 =	simm.s32 $0x7700;
	s5 =	sor.u32 s1, s5  }
0x6: {  	s13 =	simm.s32 $0x0;
	s4 =	ssub.s32 $0x2, s4;
	s8 =	smul.u32 $0x4E2, s5  }
0x7: {  	[smem:$0x7FF] =	sst s2;
	s9 =	sshrl.u32 s4, $0x1;
	s10 =	smul.u32 $0x500, s5  }
0x8: {  	s0 =	rddreg [dreg:$0x3];
	_ =	strace $0x80000047;
	s9 =	ssub.s32 s4, s9  }
0x9: {  	s8 =	sadd.s32 s8, s3;
	s3 =	sadd.s32 $0x16800, s3;
	s6 =	sadd.s32 s6, s10  }
0xa: {  	s7 =	sadd.s32 s7, s10;
	s10 =	simm.s32 $0x2780;
	s4 =	sadd.s32 $0xCA00, s8  }
0xb: {  	v0 =	vimm.f32 $1.000000000e+00;
	s5 =	sadd.s32 $0x2C00, s8;
	s8 =	smax.u32 s9, $0x1;
	s9 =	simm.s32 $0x1  }
.LBB2_1:
0xc: {  	[tilespmem:s2], [sflag:$0x1] =	stream.linear.gather [hbm4b:s4+s2], $0x2710, $0x38;
	[tilespmem:$0x9F00] =	vst v63  }
0xd: {  	_ =	swait.ge [sflag:s9], $0x2710  }
0xe: {  	[sflag:s9] =	ssyncset.done $0x0  }
0xf: {  	[sflag:s9] =	ssyncadd.s32 $0xFFFFD8F0  }
0x10: {  	[tilespmem:s10], [sflag:$0x1] =	stream.linear.gather [hbm4b:s5+s2], $0x2710, $0x38;
	[tilespmem:$0x9F00] =	vst v63  }
0x11: {  	_ =	swait.ge [sflag:s9], $0x2710  }
0x12: {  	[sflag:s9] =	ssyncset.done $0x0  }
0x13: {  	[sflag:s9] =	ssyncadd.s32 $0xFFFFD8F0  }
0x14: {  	[tilespmem:s11], [sflag:$0x1] =	stream.linear.gather [hbm4b:s3+s2], $0x2800, $0x38;
	[tilespmem:$0x9F00] =	vst v63  }
0x15: {  	_ =	swait.ge [sflag:s9], $0x2800  }
0x16: {  	[sflag:s9] =	ssyncset.done $0x0  }
0x17: {  	[sflag:s9] =	ssyncadd.s32 $0xFFFFD800  }
0x18: {  	[tilespmem:s12], [sflag:$0x1] =	stream.linear.gather [hbm4b:s3+s2], $0x2800, $0x38;
	[tilespmem:$0x9F00] =	vst v63  }
0x19: {  	_ =	swait.ge [sflag:s9], $0x2800  }
0x1a: {  	[sflag:s9] =	ssyncset.done $0x0  }
0x1b: {  	s15 =	simm.s32 $0x0;
	s14 =	simm.s32 $0x40;
	[sflag:s9] =	ssyncadd.s32 $0xFFFFD800  }
.LBB2_2:
0x1c: {  	p0 =	sne.s32 s14, $0x9C00;
	v1 =	vld [tilespmem:s15+$0x0];
	_ =	sdelay $0x7  }
0x1d: {  	[tilespmem:v1+s11+$0x0] =	vst.idx.add.f32.msk $0xffff, v0  }
0x1e: {  	v1 =	vld [tilespmem:s15+$0x2780];
	_ =	sdelay $0x3  }
.Ltmp0:
0x1f: {  	(pc) =	sbr.rel @p0 .LBB2_2-.Ltmp0, $2  }
0x20: {  	_ =	sdelay $0x2  }
0x21: {  	s15 =	sshra.s32 s14, $0x2;
	s14 =	sadd.s32 $0x40, s14;
	[tilespmem:v1+s12+$0x0] =	vst.idx.add.f32.msk $0xffff, v0  }
0x22: {  	v1 =	vld [tilespmem:s15+$0x0];
	_ =	sdelay $0x7  }
0x23: {  	[tilespmem:v1+s11+$0x0] =	vst.idx.add.f32.msk $0xffff, v0  }
0x24: {  	v1 =	vld [tilespmem:s15+$0x2780];
	_ =	sdelay $0x7  }
0x25: {  	[tilespmem:v1+s12+$0x0] =	vst.idx.add.f32.msk $0xffff, v0  }
0x26: {  	[hbm4b:s6+s2] =	stream.linear.scatter [tilespmem:s11], [sflag:$0x1], $0x2800, $0x38;
	[tilespmem:$0x9F00] =	vst v63  }
0x27: {  	s13 =	sadd.s32 $0x1, s13;
	_ =	swait.ge [sflag:s9], $0x2800  }
0x28: {  	p0 =	sne.s32 s13, s8;
	[sflag:s9] =	ssyncset.done $0x0  }
.Ltmp1:
0x29: {  	[sflag:s9] =	ssyncadd.s32 $0xFFFFD800;
	(pc) =	sbr.rel @p0 .LBB2_1-.Ltmp1, $4  }
0x2a: {  	[hbm4b:s7+s2] =	stream.linear.scatter [tilespmem:s12], [sflag:$0x1], $0x2800, $0x38;
	[tilespmem:$0x9F00] =	vst v63  }
0x2b: {  	_ =	swait.ge [sflag:s9], $0x2800  }
0x2c: {  	[sflag:s9] =	ssyncset.done $0x0  }
0x2d: {  	[sflag:s9] =	ssyncadd.s32 $0xFFFFD800  }
0x2e: {  	_ =	sfence.sel $0x180000  }
0x2f: {  	[bflag:$0x0] =	sbarrier.arrive $0xFFFF  }
0x30: {  	p0 =	sne.s32 s1, $0x0;
	_ =	strace $0x90000047  }
0x31: {  	s0 =	sadd.s32 @!p0 $0x100000, s0;
	[bflag:$0x2] =	sbarrier.arrive $0xFFFF  }
0x32: {  	[sflag:s0] =	ssyncadd.tile.s32 @!p0 $0x1;
	_ =	shalt  }
.Lfunc_end2:
_tile_overlayer_lowered:
.L_overlay_start_2:
0x33: {  	(tag) =	ssettag $0x2  }
0x34: {  	s0 =	rddreg [dreg:$0x0];
	s2 =	stileid.u32  }
0x35: {  	s1 =	rddreg [dreg:$0x1];
	p0 =	sne.s32 s2, $0x0  }
0x36: {  	s3 =	rddreg [dreg:$0x2];
	[bflag:$0x3] =	sbarrier.arrive $0xFFFF;
	s2 =	simm.s32 @!p0 $0x1C01  }
0x37: {  	[timem:s3], [sflag:s2] =	dma.local @!p0 [hbm:s0], s1  }
0x38: {  	s0 =	simm.s32 @!p0 $0x1  }
0x39: {  	_ =	swait.ge @!p0 [sflag:s0], s1  }
0x3a: {  	s1 =	ssub.s32 @!p0 $0x0, s1;
	[sflag:s0] =	ssyncset.done @!p0 $0x0  }
0x3b: {  	[sflag:s0] =	ssyncadd.s32 @!p0 s1  }
0x3c: {  	[bflag:$0x3] =	sbarrier.arrive $0xFFFF  }
0x3d: {  	_ =	shalt  }

</sc_bundles>
